<compile_context>
chip_gen: v7x
topology: tpu7x:2x2x1
jax: 0.10.2.dev20260603
libtpu: 0.0.44.dev20260713+nightly
codegen_flags: <defaults>
</compile_context>

<pallas_src>
import jax
import jax.numpy as jnp
from jax import lax
from jax.experimental import pallas as pl
from jax.experimental.pallas import tpu as pltpu
from jax.experimental.pallas import tpu_sc as plsc

NC = 2
NS = 16
NW = NC * NS
L = 16
R = 16384
D = 2048
RPW = R // NW
VPW = RPW // L
CH = 16
NB = 3
BIG = 2**30


def _body(x_hbm, m_hbm, src_hbm, out_hbm, mask_v, posm, posu,
          buf0, buf1, buf2, sg0, sg1, sg2, ss0, ss1, ss2):
    bufs = (buf0, buf1, buf2)
    sgs = (sg0, sg1, sg2)
    sss = (ss0, ss1, ss2)

    cid = lax.axis_index("c")
    sid = lax.axis_index("s")
    wid = sid * NC + cid
    base_row = wid * RPW

    pltpu.sync_copy(m_hbm, mask_v)

    def _sum_row(j, accs):
        a0, a1, a2, a3 = accs
        o = j * 4 * L
        return (a0 + mask_v[pl.ds(o, L)],
                a1 + mask_v[pl.ds(o + L, L)],
                a2 + mask_v[pl.ds(o + 2 * L, L)],
                a3 + mask_v[pl.ds(o + 3 * L, L)])

    z = jnp.zeros((L,), jnp.int32)
    a0, a1, a2, a3 = lax.fori_loop(0, wid * (VPW // 4), _sum_row,
                                   (z, z, z, z))
    nm_before = jnp.sum(a0 + a1 + a2 + a3)

    fill = BIG + jnp.zeros((L,), jnp.int32)
    for j in range(VPW):
        posu[pl.ds(j * L, L)] = fill

    lane = lax.iota(jnp.int32, L)
    cnt_m = jnp.int32(0)
    cnt_u = jnp.int32(0)
    for j in range(VPW):
        mv = mask_v[pl.ds(base_row + j * L, L)]
        rows = base_row + j * L + lane
        mb = mv > 0
        em = plsc.cumsum(mv) - mv
        dm = cnt_m + em
        du = cnt_u + lane - em
        plsc.store_scatter(posm, [dm], rows, mask=mb)
        plsc.store_scatter(posu, [du], rows, mask=jnp.logical_not(mb))
        cnt_m = cnt_m + jnp.sum(mv)
        cnt_u = (j + 1) * L - cnt_m

    p0u = jnp.min(posu[pl.ds(0, L)])

    def _drain(sem):
        pltpu.make_async_copy(x_hbm.at[pl.ds(0, CH)], buf0, sem).wait()

    n_u = (cnt_u + CH - 1) // CH
    n_m = (cnt_m + CH - 1) // CH
    n_t = n_u + n_m

    def u_idx(c):
        cs = jnp.maximum(jnp.minimum(c, n_u - 1), 0)
        pv = posu[pl.ds(cs * CH, CH)]
        k = cs * CH + lane
        return jnp.where(k < cnt_u, pv, p0u)

    def m_srcidx(c):
        cm = jnp.maximum(jnp.minimum(c - n_u, n_m - 1), 0)
        k = cm * CH + lane
        return jnp.where(k < cnt_m, nm_before + k, nm_before + cnt_m - 1)

    def m_tidx(c):
        cm = jnp.maximum(jnp.minimum(c - n_u, n_m - 1), 0)
        k = cm * CH + lane
        pv = posm[pl.ds(cm * CH, CH)]
        valid = k < cnt_m
        p_pad = jnp.max(jnp.where(valid, pv, jnp.int32(-2147483647)))
        return jnp.where(valid, pv, p_pad)

    def outer(c0, s):
        for b in range(NB):
            c = c0 + b

            @pl.when(c < n_t)
            def _g():
                @pl.when(c >= NB)
                def _w():
                    _drain(sss[b])

                @pl.when(c < n_u)
                def _gu():
                    pltpu.async_copy(x_hbm.at[u_idx(c)], bufs[b], sgs[b])

                @pl.when(c >= n_u)
                def _gm():
                    pltpu.async_copy(src_hbm.at[m_srcidx(c)], bufs[b],
                                     sgs[b])
        for b in range(NB):
            c = c0 + b

            @pl.when(c < n_t)
            def _s():
                _drain(sgs[b])
                tgt = jnp.where(c < n_u, u_idx(c), m_tidx(c))
                pltpu.async_copy(bufs[b], out_hbm.at[tgt], sss[b])
        return s

    lax.fori_loop(0, (n_t + NB - 1) // NB, lambda i, s: outer(i * NB, s), 0)
    for b in range(NB):
        @pl.when(b < n_t)
        def _d():
            _drain(sss[b])


_run = pl.kernel(
    _body,
    out_type=jax.ShapeDtypeStruct((R, D), jnp.float32),
    mesh=plsc.VectorSubcoreMesh(core_axis_name="c", subcore_axis_name="s"),
    scratch_types=[
        pltpu.VMEM((R,), jnp.int32),
        pltpu.VMEM((RPW,), jnp.int32),
        pltpu.VMEM((RPW,), jnp.int32),
        pltpu.VMEM((CH, D), jnp.float32),
        pltpu.VMEM((CH, D), jnp.float32),
        pltpu.VMEM((CH, D), jnp.float32),
        pltpu.SemaphoreType.DMA,
        pltpu.SemaphoreType.DMA,
        pltpu.SemaphoreType.DMA,
        pltpu.SemaphoreType.DMA,
        pltpu.SemaphoreType.DMA,
        pltpu.SemaphoreType.DMA,
    ],
    compiler_params=pltpu.CompilerParams(needs_layout_passes=False),
)


def kernel(inputs_embeds, mask_1d, source):
    x2d = inputs_embeds.reshape(R, D)
    m1d = mask_1d.reshape(R).astype(jnp.int32)
    out = _run(x2d, m1d, source)
    return out.reshape(inputs_embeds.shape)

# --- scband reference (transcript-rebuilt; emitter-appended) ---
"""Pipeline reference for scband-masked-scatter-reference-4269197492487 (READ-ONLY COPY).

The authoritative reference and input builder live on the scoring server;
editing this copy changes nothing except your own understanding.
"""

import jax, jax.numpy as jnp
import numpy as np


def setup_inputs(seed: int = 0) -> dict:
    key = jax.random.key(seed)
    k1, k2, k3 = jax.random.split(key, 3)
    inputs_embeds = jax.random.normal(k1, (2, 8192, 2048), dtype=jnp.float32)
    mask_1d = jax.random.randint(k2, (2, 8192), 0, 2).astype(jnp.bool_)
    source = jax.random.normal(k3, (16384, 2048), dtype=jnp.float32)
    return {"inputs_embeds": inputs_embeds, "mask_1d": mask_1d, "source": source}


def reference(inputs_embeds, mask_1d, source):
    # torch semantics: result = inputs.clone(); result.masked_scatter_(mask.unsqueeze(-1), source)
    # Elements of source are consumed sequentially (row-major) at positions where the
    # broadcasted mask is True; surplus source elements are ignored.
    mask3 = jnp.broadcast_to(mask_1d[..., None], inputs_embeds.shape)
    flat_mask = mask3.reshape(-1)
    flat_in = inputs_embeds.reshape(-1)
    flat_src = source.reshape(-1)
    # position k in the flattened output pulls the (cumsum(mask)[k]-1)-th source element
    idx = jnp.cumsum(flat_mask.astype(jnp.int32)) - 1
    idx = jnp.clip(idx, 0, flat_src.shape[0] - 1)
    scattered = jnp.where(flat_mask, flat_src[idx], flat_in)
    return scattered.reshape(inputs_embeds.shape)

if __name__ == "__main__":
    import jax
    _d = setup_inputs()
    print(jax.jit(kernel)(*tuple(_d.values())))

</pallas_src>

<mosaic_0001>
#map = affine_map<(d0, d1) -> (0, 0)>
#map1 = affine_map<(d0, d1) -> (0)>
module attributes {stable_mosaic.version = 14 : i64} {
  func.func @_body(%arg0: i32, %arg1: i32, %arg2: memref<16384x2048xf32, #tpu.memory_space<hbm>>, %arg3: memref<16384xi32, #tpu.memory_space<hbm>>, %arg4: memref<16384x2048xf32, #tpu.memory_space<hbm>>, %arg5: memref<16384x2048xf32, #tpu.memory_space<hbm>>, %arg6: memref<16384xi32, #tpu.memory_space<vmem>>, %arg7: memref<512xi32, #tpu.memory_space<vmem>>, %arg8: memref<512xi32, #tpu.memory_space<vmem>>, %arg9: memref<16x2048xf32, #tpu.memory_space<vmem>>, %arg10: memref<16x2048xf32, #tpu.memory_space<vmem>>, %arg11: memref<16x2048xf32, #tpu.memory_space<vmem>>, %arg12: memref<!tpu.dma_semaphore, #tpu.memory_space<semaphore_mem>>, %arg13: memref<!tpu.dma_semaphore, #tpu.memory_space<semaphore_mem>>, %arg14: memref<!tpu.dma_semaphore, #tpu.memory_space<semaphore_mem>>, %arg15: memref<!tpu.dma_semaphore, #tpu.memory_space<semaphore_mem>>, %arg16: memref<!tpu.dma_semaphore, #tpu.memory_space<semaphore_mem>>, %arg17: memref<!tpu.dma_semaphore, #tpu.memory_space<semaphore_mem>>) attributes {dimension_semantics = [#tpu.dimension_semantics<core_parallel>, #tpu.dimension_semantics<subcore_parallel>], iteration_bounds = array<i64: 2, 16>, scalar_prefetch = 0 : i64, scratch_operands = 12 : i64, tpu.core_type = #tpu.core_type<sc_vector_subcore>, window_params = [{transform_indices = #map}, {transform_indices = #map1}, {transform_indices = #map}, {transform_indices = #map}]} {
    %mul3A = arith.constant 2 : i32
    %mul3A_0 = arith.muli %arg1, %mul3A : i32
    %add3A = arith.addi %mul3A_0, %arg0 : i32
    %mul3A_1 = arith.constant 512 : i32
    %mul3A_2 = arith.muli %add3A, %mul3A_1 : i32
    "tpu.region"() ({
      %run_scoped3A = tpu.sem_alloc : memref<!tpu.dma_semaphore, #tpu.memory_space<semaphore_mem>>
      tpu.enqueue_dma source(%arg3 : memref<16384xi32, #tpu.memory_space<hbm>>) target(%arg6 : memref<16384xi32, #tpu.memory_space<vmem>>) target_semaphore(%run_scoped3A : memref<!tpu.dma_semaphore, #tpu.memory_space<semaphore_mem>>)
      tpu.wait_dma2 semaphore(%run_scoped3A : memref<!tpu.dma_semaphore, #tpu.memory_space<semaphore_mem>>) src(%arg3 : memref<16384xi32, #tpu.memory_space<hbm>>) dst(%arg6 : memref<16384xi32, #tpu.memory_space<vmem>>)
      tpu.yield
    }) : () -> ()
    %broadcast_in_dim3A = arith.constant 0 : i32
    %broadcast_in_dim3A_3 = vector.broadcast %broadcast_in_dim3A : i32 to vector<16xi32>
    %mul3A_4 = arith.constant 8 : i32
    %mul3A_5 = arith.muli %add3A, %mul3A_4 : i32
    %while3A = arith.constant 0 : i32
    %while3A_6 = arith.subi %mul3A_5, %while3A : i32
    %while3A_7 = arith.addi %while3A, %while3A_6 : i32
    %while3A_8 = arith.constant 1 : i32
    %while3A_9 = arith.divsi %while3A_6, %while3A_8 : i32
    %while3A_10 = arith.muli %while3A_9, %while3A_8 : i32
    %while3A_11 = arith.addi %while3A, %while3A_10 : i32
    %while3A_12 = arith.constant 1 : i32
    %while3A_13:4 = scf.for %while3A_1126 = %while3A to %while3A_11 step %while3A_12 iter_args(%while3A_1127 = %broadcast_in_dim3A_3, %while3A_1128 = %broadcast_in_dim3A_3, %while3A_1129 = %broadcast_in_dim3A_3, %while3A_1130 = %broadcast_in_dim3A_3) -> (vector<16xi32>, vector<16xi32>, vector<16xi32>, vector<16xi32>)  : i32 {
      %mul3A_1131 = arith.constant 4 : i32
      %mul3A_1132 = arith.muli %while3A_1126, %mul3A_1131 : i32
      %mul3A_1133 = arith.constant 16 : i32
      %mul3A_1134 = arith.muli %mul3A_1132, %mul3A_1133 : i32
      %get3A_1135 = arith.index_cast %mul3A_1134 : i32 to index
      %get3A_1136 = tpu.vector_load %arg6[%get3A_1135] {strides = array<i32>} : memref<16384xi32, #tpu.memory_space<vmem>>, vector<16xi32>,
      %add3A_1137 = arith.addi %while3A_1127, %get3A_1136 : vector<16xi32>
      %add3A_1138 = arith.constant 16 : i32
      %add3A_1139 = arith.addi %mul3A_1134, %add3A_1138 : i32
      %get3A_1140 = arith.index_cast %add3A_1139 : i32 to index
      %get3A_1141 = tpu.vector_load %arg6[%get3A_1140] {strides = array<i32>} : memref<16384xi32, #tpu.memory_space<vmem>>, vector<16xi32>,
      %add3A_1142 = arith.addi %while3A_1128, %get3A_1141 : vector<16xi32>
      %add3A_1143 = arith.constant 32 : i32
      %add3A_1144 = arith.addi %mul3A_1134, %add3A_1143 : i32
      %get3A_1145 = arith.index_cast %add3A_1144 : i32 to index
      %get3A_1146 = tpu.vector_load %arg6[%get3A_1145] {strides = array<i32>} : memref<16384xi32, #tpu.memory_space<vmem>>, vector<16xi32>,
      %add3A_1147 = arith.addi %while3A_1129, %get3A_1146 : vector<16xi32>
      %add3A_1148 = arith.constant 48 : i32
      %add3A_1149 = arith.addi %mul3A_1134, %add3A_1148 : i32
      %get3A_1150 = arith.index_cast %add3A_1149 : i32 to index
      %get3A_1151 = tpu.vector_load %arg6[%get3A_1150] {strides = array<i32>} : memref<16384xi32, #tpu.memory_space<vmem>>, vector<16xi32>,
      %add3A_1152 = arith.addi %while3A_1130, %get3A_1151 : vector<16xi32>
      scf.yield %add3A_1137, %add3A_1142, %add3A_1147, %add3A_1152 : vector<16xi32>, vector<16xi32>, vector<16xi32>, vector<16xi32>
    }
    %while3A_14 = arith.constant 1 : i32
    %while3A_15:4 = scf.for %while3A_1126 = %while3A_11 to %while3A_7 step %while3A_14 iter_args(%while3A_1127 = %while3A_13#0, %while3A_1128 = %while3A_13#1, %while3A_1129 = %while3A_13#2, %while3A_1130 = %while3A_13#3) -> (vector<16xi32>, vector<16xi32>, vector<16xi32>, vector<16xi32>)  : i32 {
      %mul3A_1131 = arith.constant 4 : i32
      %mul3A_1132 = arith.muli %while3A_1126, %mul3A_1131 : i32
      %mul3A_1133 = arith.constant 16 : i32
      %mul3A_1134 = arith.muli %mul3A_1132, %mul3A_1133 : i32
      %get3A_1135 = arith.index_cast %mul3A_1134 : i32 to index
      %get3A_1136 = tpu.vector_load %arg6[%get3A_1135] {strides = array<i32>} : memref<16384xi32, #tpu.memory_space<vmem>>, vector<16xi32>,
      %add3A_1137 = arith.addi %while3A_1127, %get3A_1136 : vector<16xi32>
      %add3A_1138 = arith.constant 16 : i32
      %add3A_1139 = arith.addi %mul3A_1134, %add3A_1138 : i32
      %get3A_1140 = arith.index_cast %add3A_1139 : i32 to index
      %get3A_1141 = tpu.vector_load %arg6[%get3A_1140] {strides = array<i32>} : memref<16384xi32, #tpu.memory_space<vmem>>, vector<16xi32>,
      %add3A_1142 = arith.addi %while3A_1128, %get3A_1141 : vector<16xi32>
      %add3A_1143 = arith.constant 32 : i32
      %add3A_1144 = arith.addi %mul3A_1134, %add3A_1143 : i32
      %get3A_1145 = arith.index_cast %add3A_1144 : i32 to index
      %get3A_1146 = tpu.vector_load %arg6[%get3A_1145] {strides = array<i32>} : memref<16384xi32, #tpu.memory_space<vmem>>, vector<16xi32>,
      %add3A_1147 = arith.addi %while3A_1129, %get3A_1146 : vector<16xi32>
      %add3A_1148 = arith.constant 48 : i32
      %add3A_1149 = arith.addi %mul3A_1134, %add3A_1148 : i32
      %get3A_1150 = arith.index_cast %add3A_1149 : i32 to index
      %get3A_1151 = tpu.vector_load %arg6[%get3A_1150] {strides = array<i32>} : memref<16384xi32, #tpu.memory_space<vmem>>, vector<16xi32>,
      %add3A_1152 = arith.addi %while3A_1130, %get3A_1151 : vector<16xi32>
      scf.yield %add3A_1137, %add3A_1142, %add3A_1147, %add3A_1152 : vector<16xi32>, vector<16xi32>, vector<16xi32>, vector<16xi32>
    }
    %add3A_16 = arith.addi %while3A_15#0, %while3A_15#1 : vector<16xi32>
    %add3A_17 = arith.addi %add3A_16, %while3A_15#2 : vector<16xi32>
    %add3A_18 = arith.addi %add3A_17, %while3A_15#3 : vector<16xi32>
    %reduce_sum3A = arith.constant true
    %reduce_sum3A_19 = vector.broadcast %reduce_sum3A : i1 to vector<16xi1>
    %reduce_sum3A_20 = tpu.scan <sum>, %add3A_18 masked %reduce_sum3A_19 : vector<16xi32>, vector<16xi1> -> vector<16xi32>
    %reduce_sum3A_21 = vector.extract %reduce_sum3A_20[15] : i32 from vector<16xi32>
    %broadcast_in_dim3A_22 = arith.constant 0 : i32
    %broadcast_in_dim3A_23 = vector.broadcast %broadcast_in_dim3A_22 : i32 to vector<16xi32>
    %add3A_24 = arith.constant 1073741824 : i32
    %add3A_25 = vector.broadcast %add3A_24 : i32 to vector<16xi32>
    %add3A_26 = arith.addi %add3A_25, %broadcast_in_dim3A_23 : vector<16xi32>
    %swap3A = arith.constant 0 : index
    %swap3A_27 = tpu.vector_load %arg8[%swap3A] {strides = array<i32>} : memref<512xi32, #tpu.memory_space<vmem>>, vector<16xi32>,
    tpu.vector_store %arg8[%swap3A], %add3A_26 {strides = array<i32>} : memref<512xi32, #tpu.memory_space<vmem>>, vector<16xi32>,
    %swap3A_28 = arith.constant 16 : index
    %swap3A_29 = tpu.vector_load %arg8[%swap3A_28] {strides = array<i32>} : memref<512xi32, #tpu.memory_space<vmem>>, vector<16xi32>,
    tpu.vector_store %arg8[%swap3A_28], %add3A_26 {strides = array<i32>} : memref<512xi32, #tpu.memory_space<vmem>>, vector<16xi32>,
    %swap3A_30 = arith.constant 32 : index
    %swap3A_31 = tpu.vector_load %arg8[%swap3A_30] {strides = array<i32>} : memref<512xi32, #tpu.memory_space<vmem>>, vector<16xi32>,
    tpu.vector_store %arg8[%swap3A_30], %add3A_26 {strides = array<i32>} : memref<512xi32, #tpu.memory_space<vmem>>, vector<16xi32>,
    %swap3A_32 = arith.constant 48 : index
    %swap3A_33 = tpu.vector_load %arg8[%swap3A_32] {strides = array<i32>} : memref<512xi32, #tpu.memory_space<vmem>>, vector<16xi32>,
    tpu.vector_store %arg8[%swap3A_32], %add3A_26 {strides = array<i32>} : memref<512xi32, #tpu.memory_space<vmem>>, vector<16xi32>,
    %swap3A_34 = arith.constant 64 : index
    %swap3A_35 = tpu.vector_load %arg8[%swap3A_34] {strides = array<i32>} : memref<512xi32, #tpu.memory_space<vmem>>, vector<16xi32>,
    tpu.vector_store %arg8[%swap3A_34], %add3A_26 {strides = array<i32>} : memref<512xi32, #tpu.memory_space<vmem>>, vector<16xi32>,
    %swap3A_36 = arith.constant 80 : index
    %swap3A_37 = tpu.vector_load %arg8[%swap3A_36] {strides = array<i32>} : memref<512xi32, #tpu.memory_space<vmem>>, vector<16xi32>,
    tpu.vector_store %arg8[%swap3A_36], %add3A_26 {strides = array<i32>} : memref<512xi32, #tpu.memory_space<vmem>>, vector<16xi32>,
    %swap3A_38 = arith.constant 96 : index
    %swap3A_39 = tpu.vector_load %arg8[%swap3A_38] {strides = array<i32>} : memref<512xi32, #tpu.memory_space<vmem>>, vector<16xi32>,
    tpu.vector_store %arg8[%swap3A_38], %add3A_26 {strides = array<i32>} : memref<512xi32, #tpu.memory_space<vmem>>, vector<16xi32>,
    %swap3A_40 = arith.constant 112 : index
    %swap3A_41 = tpu.vector_load %arg8[%swap3A_40] {strides = array<i32>} : memref<512xi32, #tpu.memory_space<vmem>>, vector<16xi32>,
    tpu.vector_store %arg8[%swap3A_40], %add3A_26 {strides = array<i32>} : memref<512xi32, #tpu.memory_space<vmem>>, vector<16xi32>,
    %swap3A_42 = arith.constant 128 : index
    %swap3A_43 = tpu.vector_load %arg8[%swap3A_42] {strides = array<i32>} : memref<512xi32, #tpu.memory_space<vmem>>, vector<16xi32>,
    tpu.vector_store %arg8[%swap3A_42], %add3A_26 {strides = array<i32>} : memref<512xi32, #tpu.memory_space<vmem>>, vector<16xi32>,
    %swap3A_44 = arith.constant 144 : index
    %swap3A_45 = tpu.vector_load %arg8[%swap3A_44] {strides = array<i32>} : memref<512xi32, #tpu.memory_space<vmem>>, vector<16xi32>,
    tpu.vector_store %arg8[%swap3A_44], %add3A_26 {strides = array<i32>} : memref<512xi32, #tpu.memory_space<vmem>>, vector<16xi32>,
    %swap3A_46 = arith.constant 160 : index
    %swap3A_47 = tpu.vector_load %arg8[%swap3A_46] {strides = array<i32>} : memref<512xi32, #tpu.memory_space<vmem>>, vector<16xi32>,
    tpu.vector_store %arg8[%swap3A_46], %add3A_26 {strides = array<i32>} : memref<512xi32, #tpu.memory_space<vmem>>, vector<16xi32>,
    %swap3A_48 = arith.constant 176 : index
    %swap3A_49 = tpu.vector_load %arg8[%swap3A_48] {strides = array<i32>} : memref<512xi32, #tpu.memory_space<vmem>>, vector<16xi32>,
    tpu.vector_store %arg8[%swap3A_48], %add3A_26 {strides = array<i32>} : memref<512xi32, #tpu.memory_space<vmem>>, vector<16xi32>,
    %swap3A_50 = arith.constant 192 : index
    %swap3A_51 = tpu.vector_load %arg8[%swap3A_50] {strides = array<i32>} : memref<512xi32, #tpu.memory_space<vmem>>, vector<16xi32>,
    tpu.vector_store %arg8[%swap3A_50], %add3A_26 {strides = array<i32>} : memref<512xi32, #tpu.memory_space<vmem>>, vector<16xi32>,
    %swap3A_52 = arith.constant 208 : index
    %swap3A_53 = tpu.vector_load %arg8[%swap3A_52] {strides = array<i32>} : memref<512xi32, #tpu.memory_space<vmem>>, vector<16xi32>,
    tpu.vector_store %arg8[%swap3A_52], %add3A_26 {strides = array<i32>} : memref<512xi32, #tpu.memory_space<vmem>>, vector<16xi32>,
    %swap3A_54 = arith.constant 224 : index
    %swap3A_55 = tpu.vector_load %arg8[%swap3A_54] {strides = array<i32>} : memref<512xi32, #tpu.memory_space<vmem>>, vector<16xi32>,
    tpu.vector_store %arg8[%swap3A_54], %add3A_26 {strides = array<i32>} : memref<512xi32, #tpu.memory_space<vmem>>, vector<16xi32>,
    %swap3A_56 = arith.constant 240 : index
    %swap3A_57 = tpu.vector_load %arg8[%swap3A_56] {strides = array<i32>} : memref<512xi32, #tpu.memory_space<vmem>>, vector<16xi32>,
    tpu.vector_store %arg8[%swap3A_56], %add3A_26 {strides = array<i32>} : memref<512xi32, #tpu.memory_space<vmem>>, vector<16xi32>,
    %swap3A_58 = arith.constant 256 : index
    %swap3A_59 = tpu.vector_load %arg8[%swap3A_58] {strides = array<i32>} : memref<512xi32, #tpu.memory_space<vmem>>, vector<16xi32>,
    tpu.vector_store %arg8[%swap3A_58], %add3A_26 {strides = array<i32>} : memref<512xi32, #tpu.memory_space<vmem>>, vector<16xi32>,
    %swap3A_60 = arith.constant 272 : index
    %swap3A_61 = tpu.vector_load %arg8[%swap3A_60] {strides = array<i32>} : memref<512xi32, #tpu.memory_space<vmem>>, vector<16xi32>,
    tpu.vector_store %arg8[%swap3A_60], %add3A_26 {strides = array<i32>} : memref<512xi32, #tpu.memory_space<vmem>>, vector<16xi32>,
    %swap3A_62 = arith.constant 288 : index
    %swap3A_63 = tpu.vector_load %arg8[%swap3A_62] {strides = array<i32>} : memref<512xi32, #tpu.memory_space<vmem>>, vector<16xi32>,
    tpu.vector_store %arg8[%swap3A_62], %add3A_26 {strides = array<i32>} : memref<512xi32, #tpu.memory_space<vmem>>, vector<16xi32>,
    %swap3A_64 = arith.constant 304 : index
    %swap3A_65 = tpu.vector_load %arg8[%swap3A_64] {strides = array<i32>} : memref<512xi32, #tpu.memory_space<vmem>>, vector<16xi32>,
    tpu.vector_store %arg8[%swap3A_64], %add3A_26 {strides = array<i32>} : memref<512xi32, #tpu.memory_space<vmem>>, vector<16xi32>,
    %swap3A_66 = arith.constant 320 : index
    %swap3A_67 = tpu.vector_load %arg8[%swap3A_66] {strides = array<i32>} : memref<512xi32, #tpu.memory_space<vmem>>, vector<16xi32>,
    tpu.vector_store %arg8[%swap3A_66], %add3A_26 {strides = array<i32>} : memref<512xi32, #tpu.memory_space<vmem>>, vector<16xi32>,
    %swap3A_68 = arith.constant 336 : index
    %swap3A_69 = tpu.vector_load %arg8[%swap3A_68] {strides = array<i32>} : memref<512xi32, #tpu.memory_space<vmem>>, vector<16xi32>,
    tpu.vector_store %arg8[%swap3A_68], %add3A_26 {strides = array<i32>} : memref<512xi32, #tpu.memory_space<vmem>>, vector<16xi32>,
    %swap3A_70 = arith.constant 352 : index
    %swap3A_71 = tpu.vector_load %arg8[%swap3A_70] {strides = array<i32>} : memref<512xi32, #tpu.memory_space<vmem>>, vector<16xi32>,
    tpu.vector_store %arg8[%swap3A_70], %add3A_26 {strides = array<i32>} : memref<512xi32, #tpu.memory_space<vmem>>, vector<16xi32>,
    %swap3A_72 = arith.constant 368 : index
    %swap3A_73 = tpu.vector_load %arg8[%swap3A_72] {strides = array<i32>} : memref<512xi32, #tpu.memory_space<vmem>>, vector<16xi32>,
    tpu.vector_store %arg8[%swap3A_72], %add3A_26 {strides = array<i32>} : memref<512xi32, #tpu.memory_space<vmem>>, vector<16xi32>,
    %swap3A_74 = arith.constant 384 : index
    %swap3A_75 = tpu.vector_load %arg8[%swap3A_74] {strides = array<i32>} : memref<512xi32, #tpu.memory_space<vmem>>, vector<16xi32>,
    tpu.vector_store %arg8[%swap3A_74], %add3A_26 {strides = array<i32>} : memref<512xi32, #tpu.memory_space<vmem>>, vector<16xi32>,
    %swap3A_76 = arith.constant 400 : index
    %swap3A_77 = tpu.vector_load %arg8[%swap3A_76] {strides = array<i32>} : memref<512xi32, #tpu.memory_space<vmem>>, vector<16xi32>,
    tpu.vector_store %arg8[%swap3A_76], %add3A_26 {strides = array<i32>} : memref<512xi32, #tpu.memory_space<vmem>>, vector<16xi32>,
    %swap3A_78 = arith.constant 416 : index
    %swap3A_79 = tpu.vector_load %arg8[%swap3A_78] {strides = array<i32>} : memref<512xi32, #tpu.memory_space<vmem>>, vector<16xi32>,
    tpu.vector_store %arg8[%swap3A_78], %add3A_26 {strides = array<i32>} : memref<512xi32, #tpu.memory_space<vmem>>, vector<16xi32>,
    %swap3A_80 = arith.constant 432 : index
    %swap3A_81 = tpu.vector_load %arg8[%swap3A_80] {strides = array<i32>} : memref<512xi32, #tpu.memory_space<vmem>>, vector<16xi32>,
    tpu.vector_store %arg8[%swap3A_80], %add3A_26 {strides = array<i32>} : memref<512xi32, #tpu.memory_space<vmem>>, vector<16xi32>,
    %swap3A_82 = arith.constant 448 : index
    %swap3A_83 = tpu.vector_load %arg8[%swap3A_82] {strides = array<i32>} : memref<512xi32, #tpu.memory_space<vmem>>, vector<16xi32>,
    tpu.vector_store %arg8[%swap3A_82], %add3A_26 {strides = array<i32>} : memref<512xi32, #tpu.memory_space<vmem>>, vector<16xi32>,
    %swap3A_84 = arith.constant 464 : index
    %swap3A_85 = tpu.vector_load %arg8[%swap3A_84] {strides = array<i32>} : memref<512xi32, #tpu.memory_space<vmem>>, vector<16xi32>,
    tpu.vector_store %arg8[%swap3A_84], %add3A_26 {strides = array<i32>} : memref<512xi32, #tpu.memory_space<vmem>>, vector<16xi32>,
    %swap3A_86 = arith.constant 480 : index
    %swap3A_87 = tpu.vector_load %arg8[%swap3A_86] {strides = array<i32>} : memref<512xi32, #tpu.memory_space<vmem>>, vector<16xi32>,
    tpu.vector_store %arg8[%swap3A_86], %add3A_26 {strides = array<i32>} : memref<512xi32, #tpu.memory_space<vmem>>, vector<16xi32>,
    %swap3A_88 = arith.constant 496 : index
    %swap3A_89 = tpu.vector_load %arg8[%swap3A_88] {strides = array<i32>} : memref<512xi32, #tpu.memory_space<vmem>>, vector<16xi32>,
    tpu.vector_store %arg8[%swap3A_88], %add3A_26 {strides = array<i32>} : memref<512xi32, #tpu.memory_space<vmem>>, vector<16xi32>,
    %iota3A = tpu.iota {dimensions = array<i32: 0>} : vector<16xi32>
    %add3A_90 = arith.constant 0 : i32
    %add3A_91 = arith.addi %mul3A_2, %add3A_90 : i32
    %get3A = arith.index_cast %add3A_91 : i32 to index
    %get3A_92 = tpu.vector_load %arg6[%get3A] {strides = array<i32>} : memref<16384xi32, #tpu.memory_space<vmem>>, vector<16xi32>,
    %add3A_93 = arith.constant 0 : i32
    %add3A_94 = arith.addi %mul3A_2, %add3A_93 : i32
    %add3A_95 = vector.broadcast %add3A_94 : i32 to vector<16xi32>
    %add3A_96 = arith.addi %add3A_95, %iota3A : vector<16xi32>
    %gt3A = arith.constant 0 : i32
    %gt3A_97 = vector.broadcast %gt3A : i32 to vector<16xi32>
    %gt3A_98 = arith.cmpi sgt, %get3A_92, %gt3A_97 : vector<16xi32>
    %broadcast_in_dim3A_99 = arith.constant true
    %broadcast_in_dim3A_100 = vector.broadcast %broadcast_in_dim3A_99 : i1 to vector<16xi1>
    %masked_cumsum3A = tpu.scan <sum>, %get3A_92 masked %broadcast_in_dim3A_100 : vector<16xi32>, vector<16xi1> -> vector<16xi32>
    %sub3A = arith.subi %masked_cumsum3A, %get3A_92 : vector<16xi32>
    %add3A_101 = arith.constant 0 : i32
    %add3A_102 = vector.broadcast %add3A_101 : i32 to vector<16xi32>
    %add3A_103 = arith.addi %add3A_102, %sub3A : vector<16xi32>
    %add3A_104 = arith.constant 0 : i32
    %add3A_105 = vector.broadcast %add3A_104 : i32 to vector<16xi32>
    %add3A_106 = arith.addi %add3A_105, %iota3A : vector<16xi32>
    %sub3A_107 = arith.subi %add3A_106, %sub3A : vector<16xi32>
    tpu.vector_store_idx %arg7[%add3A_103], %add3A_96 masked %gt3A_98 : memref<512xi32, #tpu.memory_space<vmem>>[vector<16xi32>], vector<16xi32>, vector<16xi1>
    %not3A = arith.constant dense<true> : vector<16xi1>
    %not3A_108 = arith.xori %gt3A_98, %not3A : vector<16xi1>
    tpu.vector_store_idx %arg8[%sub3A_107], %add3A_96 masked %not3A_108 : memref<512xi32, #tpu.memory_space<vmem>>[vector<16xi32>], vector<16xi32>, vector<16xi1>
    %reduce_sum3A_109 = arith.constant true
    %reduce_sum3A_110 = vector.broadcast %reduce_sum3A_109 : i1 to vector<16xi1>
    %reduce_sum3A_111 = tpu.scan <sum>, %get3A_92 masked %reduce_sum3A_110 : vector<16xi32>, vector<16xi1> -> vector<16xi32>
    %reduce_sum3A_112 = vector.extract %reduce_sum3A_111[15] : i32 from vector<16xi32>
    %add3A_113 = arith.constant 0 : i32
    %add3A_114 = arith.addi %add3A_113, %reduce_sum3A_112 : i32
    %sub3A_115 = arith.constant 16 : i32
    %sub3A_116 = arith.subi %sub3A_115, %add3A_114 : i32
    %add3A_117 = arith.constant 16 : i32
    %add3A_118 = arith.addi %mul3A_2, %add3A_117 : i32
    %get3A_119 = arith.index_cast %add3A_118 : i32 to index
    %get3A_120 = tpu.vector_load %arg6[%get3A_119] {strides = array<i32>} : memref<16384xi32, #tpu.memory_space<vmem>>, vector<16xi32>,
    %add3A_121 = arith.constant 16 : i32
    %add3A_122 = arith.addi %mul3A_2, %add3A_121 : i32
    %add3A_123 = vector.broadcast %add3A_122 : i32 to vector<16xi32>
    %add3A_124 = arith.addi %add3A_123, %iota3A : vector<16xi32>
    %gt3A_125 = arith.constant 0 : i32
    %gt3A_126 = vector.broadcast %gt3A_125 : i32 to vector<16xi32>
    %gt3A_127 = arith.cmpi sgt, %get3A_120, %gt3A_126 : vector<16xi32>
    %broadcast_in_dim3A_128 = arith.constant true
    %broadcast_in_dim3A_129 = vector.broadcast %broadcast_in_dim3A_128 : i1 to vector<16xi1>
    %masked_cumsum3A_130 = tpu.scan <sum>, %get3A_120 masked %broadcast_in_dim3A_129 : vector<16xi32>, vector<16xi1> -> vector<16xi32>
    %sub3A_131 = arith.subi %masked_cumsum3A_130, %get3A_120 : vector<16xi32>
    %add3A_132 = vector.broadcast %add3A_114 : i32 to vector<16xi32>
    %add3A_133 = arith.addi %add3A_132, %sub3A_131 : vector<16xi32>
    %add3A_134 = vector.broadcast %sub3A_116 : i32 to vector<16xi32>
    %add3A_135 = arith.addi %add3A_134, %iota3A : vector<16xi32>
    %sub3A_136 = arith.subi %add3A_135, %sub3A_131 : vector<16xi32>
    tpu.vector_store_idx %arg7[%add3A_133], %add3A_124 masked %gt3A_127 : memref<512xi32, #tpu.memory_space<vmem>>[vector<16xi32>], vector<16xi32>, vector<16xi1>
    %not3A_137 = arith.constant dense<true> : vector<16xi1>
    %not3A_138 = arith.xori %gt3A_127, %not3A_137 : vector<16xi1>
    tpu.vector_store_idx %arg8[%sub3A_136], %add3A_124 masked %not3A_138 : memref<512xi32, #tpu.memory_space<vmem>>[vector<16xi32>], vector<16xi32>, vector<16xi1>
    %reduce_sum3A_139 = arith.constant true
    %reduce_sum3A_140 = vector.broadcast %reduce_sum3A_139 : i1 to vector<16xi1>
    %reduce_sum3A_141 = tpu.scan <sum>, %get3A_120 masked %reduce_sum3A_140 : vector<16xi32>, vector<16xi1> -> vector<16xi32>
    %reduce_sum3A_142 = vector.extract %reduce_sum3A_141[15] : i32 from vector<16xi32>
    %add3A_143 = arith.addi %add3A_114, %reduce_sum3A_142 : i32
    %sub3A_144 = arith.constant 32 : i32
    %sub3A_145 = arith.subi %sub3A_144, %add3A_143 : i32
    %add3A_146 = arith.constant 32 : i32
    %add3A_147 = arith.addi %mul3A_2, %add3A_146 : i32
    %get3A_148 = arith.index_cast %add3A_147 : i32 to index
    %get3A_149 = tpu.vector_load %arg6[%get3A_148] {strides = array<i32>} : memref<16384xi32, #tpu.memory_space<vmem>>, vector<16xi32>,
    %add3A_150 = arith.constant 32 : i32
    %add3A_151 = arith.addi %mul3A_2, %add3A_150 : i32
    %add3A_152 = vector.broadcast %add3A_151 : i32 to vector<16xi32>
    %add3A_153 = arith.addi %add3A_152, %iota3A : vector<16xi32>
    %gt3A_154 = arith.constant 0 : i32
    %gt3A_155 = vector.broadcast %gt3A_154 : i32 to vector<16xi32>
    %gt3A_156 = arith.cmpi sgt, %get3A_149, %gt3A_155 : vector<16xi32>
    %broadcast_in_dim3A_157 = arith.constant true
    %broadcast_in_dim3A_158 = vector.broadcast %broadcast_in_dim3A_157 : i1 to vector<16xi1>
    %masked_cumsum3A_159 = tpu.scan <sum>, %get3A_149 masked %broadcast_in_dim3A_158 : vector<16xi32>, vector<16xi1> -> vector<16xi32>
    %sub3A_160 = arith.subi %masked_cumsum3A_159, %get3A_149 : vector<16xi32>
    %add3A_161 = vector.broadcast %add3A_143 : i32 to vector<16xi32>
    %add3A_162 = arith.addi %add3A_161, %sub3A_160 : vector<16xi32>
    %add3A_163 = vector.broadcast %sub3A_145 : i32 to vector<16xi32>
    %add3A_164 = arith.addi %add3A_163, %iota3A : vector<16xi32>
    %sub3A_165 = arith.subi %add3A_164, %sub3A_160 : vector<16xi32>
    tpu.vector_store_idx %arg7[%add3A_162], %add3A_153 masked %gt3A_156 : memref<512xi32, #tpu.memory_space<vmem>>[vector<16xi32>], vector<16xi32>, vector<16xi1>
    %not3A_166 = arith.constant dense<true> : vector<16xi1>
    %not3A_167 = arith.xori %gt3A_156, %not3A_166 : vector<16xi1>
    tpu.vector_store_idx %arg8[%sub3A_165], %add3A_153 masked %not3A_167 : memref<512xi32, #tpu.memory_space<vmem>>[vector<16xi32>], vector<16xi32>, vector<16xi1>
    %reduce_sum3A_168 = arith.constant true
    %reduce_sum3A_169 = vector.broadcast %reduce_sum3A_168 : i1 to vector<16xi1>
    %reduce_sum3A_170 = tpu.scan <sum>, %get3A_149 masked %reduce_sum3A_169 : vector<16xi32>, vector<16xi1> -> vector<16xi32>
    %reduce_sum3A_171 = vector.extract %reduce_sum3A_170[15] : i32 from vector<16xi32>
    %add3A_172 = arith.addi %add3A_143, %reduce_sum3A_171 : i32
    %sub3A_173 = arith.constant 48 : i32
    %sub3A_174 = arith.subi %sub3A_173, %add3A_172 : i32
    %add3A_175 = arith.constant 48 : i32
    %add3A_176 = arith.addi %mul3A_2, %add3A_175 : i32
    %get3A_177 = arith.index_cast %add3A_176 : i32 to index
    %get3A_178 = tpu.vector_load %arg6[%get3A_177] {strides = array<i32>} : memref<16384xi32, #tpu.memory_space<vmem>>, vector<16xi32>,
    %add3A_179 = arith.constant 48 : i32
    %add3A_180 = arith.addi %mul3A_2, %add3A_179 : i32
    %add3A_181 = vector.broadcast %add3A_180 : i32 to vector<16xi32>
    %add3A_182 = arith.addi %add3A_181, %iota3A : vector<16xi32>
    %gt3A_183 = arith.constant 0 : i32
    %gt3A_184 = vector.broadcast %gt3A_183 : i32 to vector<16xi32>
    %gt3A_185 = arith.cmpi sgt, %get3A_178, %gt3A_184 : vector<16xi32>
    %broadcast_in_dim3A_186 = arith.constant true
    %broadcast_in_dim3A_187 = vector.broadcast %broadcast_in_dim3A_186 : i1 to vector<16xi1>
    %masked_cumsum3A_188 = tpu.scan <sum>, %get3A_178 masked %broadcast_in_dim3A_187 : vector<16xi32>, vector<16xi1> -> vector<16xi32>
    %sub3A_189 = arith.subi %masked_cumsum3A_188, %get3A_178 : vector<16xi32>
    %add3A_190 = vector.broadcast %add3A_172 : i32 to vector<16xi32>
    %add3A_191 = arith.addi %add3A_190, %sub3A_189 : vector<16xi32>
    %add3A_192 = vector.broadcast %sub3A_174 : i32 to vector<16xi32>
    %add3A_193 = arith.addi %add3A_192, %iota3A : vector<16xi32>
    %sub3A_194 = arith.subi %add3A_193, %sub3A_189 : vector<16xi32>
    tpu.vector_store_idx %arg7[%add3A_191], %add3A_182 masked %gt3A_185 : memref<512xi32, #tpu.memory_space<vmem>>[vector<16xi32>], vector<16xi32>, vector<16xi1>
    %not3A_195 = arith.constant dense<true> : vector<16xi1>
    %not3A_196 = arith.xori %gt3A_185, %not3A_195 : vector<16xi1>
    tpu.vector_store_idx %arg8[%sub3A_194], %add3A_182 masked %not3A_196 : memref<512xi32, #tpu.memory_space<vmem>>[vector<16xi32>], vector<16xi32>, vector<16xi1>
    %reduce_sum3A_197 = arith.constant true
    %reduce_sum3A_198 = vector.broadcast %reduce_sum3A_197 : i1 to vector<16xi1>
    %reduce_sum3A_199 = tpu.scan <sum>, %get3A_178 masked %reduce_sum3A_198 : vector<16xi32>, vector<16xi1> -> vector<16xi32>
    %reduce_sum3A_200 = vector.extract %reduce_sum3A_199[15] : i32 from vector<16xi32>
    %add3A_201 = arith.addi %add3A_172, %reduce_sum3A_200 : i32
    %sub3A_202 = arith.constant 64 : i32
    %sub3A_203 = arith.subi %sub3A_202, %add3A_201 : i32
    %add3A_204 = arith.constant 64 : i32
    %add3A_205 = arith.addi %mul3A_2, %add3A_204 : i32
    %get3A_206 = arith.index_cast %add3A_205 : i32 to index
    %get3A_207 = tpu.vector_load %arg6[%get3A_206] {strides = array<i32>} : memref<16384xi32, #tpu.memory_space<vmem>>, vector<16xi32>,
    %add3A_208 = arith.constant 64 : i32
    %add3A_209 = arith.addi %mul3A_2, %add3A_208 : i32
    %add3A_210 = vector.broadcast %add3A_209 : i32 to vector<16xi32>
    %add3A_211 = arith.addi %add3A_210, %iota3A : vector<16xi32>
    %gt3A_212 = arith.constant 0 : i32
    %gt3A_213 = vector.broadcast %gt3A_212 : i32 to vector<16xi32>
    %gt3A_214 = arith.cmpi sgt, %get3A_207, %gt3A_213 : vector<16xi32>
    %broadcast_in_dim3A_215 = arith.constant true
    %broadcast_in_dim3A_216 = vector.broadcast %broadcast_in_dim3A_215 : i1 to vector<16xi1>
    %masked_cumsum3A_217 = tpu.scan <sum>, %get3A_207 masked %broadcast_in_dim3A_216 : vector<16xi32>, vector<16xi1> -> vector<16xi32>
    %sub3A_218 = arith.subi %masked_cumsum3A_217, %get3A_207 : vector<16xi32>
    %add3A_219 = vector.broadcast %add3A_201 : i32 to vector<16xi32>
    %add3A_220 = arith.addi %add3A_219, %sub3A_218 : vector<16xi32>
    %add3A_221 = vector.broadcast %sub3A_203 : i32 to vector<16xi32>
    %add3A_222 = arith.addi %add3A_221, %iota3A : vector<16xi32>
    %sub3A_223 = arith.subi %add3A_222, %sub3A_218 : vector<16xi32>
    tpu.vector_store_idx %arg7[%add3A_220], %add3A_211 masked %gt3A_214 : memref<512xi32, #tpu.memory_space<vmem>>[vector<16xi32>], vector<16xi32>, vector<16xi1>
    %not3A_224 = arith.constant dense<true> : vector<16xi1>
    %not3A_225 = arith.xori %gt3A_214, %not3A_224 : vector<16xi1>
    tpu.vector_store_idx %arg8[%sub3A_223], %add3A_211 masked %not3A_225 : memref<512xi32, #tpu.memory_space<vmem>>[vector<16xi32>], vector<16xi32>, vector<16xi1>
    %reduce_sum3A_226 = arith.constant true
    %reduce_sum3A_227 = vector.broadcast %reduce_sum3A_226 : i1 to vector<16xi1>
    %reduce_sum3A_228 = tpu.scan <sum>, %get3A_207 masked %reduce_sum3A_227 : vector<16xi32>, vector<16xi1> -> vector<16xi32>
    %reduce_sum3A_229 = vector.extract %reduce_sum3A_228[15] : i32 from vector<16xi32>
    %add3A_230 = arith.addi %add3A_201, %reduce_sum3A_229 : i32
    %sub3A_231 = arith.constant 80 : i32
    %sub3A_232 = arith.subi %sub3A_231, %add3A_230 : i32
    %add3A_233 = arith.constant 80 : i32
    %add3A_234 = arith.addi %mul3A_2, %add3A_233 : i32
    %get3A_235 = arith.index_cast %add3A_234 : i32 to index
    %get3A_236 = tpu.vector_load %arg6[%get3A_235] {strides = array<i32>} : memref<16384xi32, #tpu.memory_space<vmem>>, vector<16xi32>,
    %add3A_237 = arith.constant 80 : i32
    %add3A_238 = arith.addi %mul3A_2, %add3A_237 : i32
    %add3A_239 = vector.broadcast %add3A_238 : i32 to vector<16xi32>
    %add3A_240 = arith.addi %add3A_239, %iota3A : vector<16xi32>
    %gt3A_241 = arith.constant 0 : i32
    %gt3A_242 = vector.broadcast %gt3A_241 : i32 to vector<16xi32>
    %gt3A_243 = arith.cmpi sgt, %get3A_236, %gt3A_242 : vector<16xi32>
    %broadcast_in_dim3A_244 = arith.constant true
    %broadcast_in_dim3A_245 = vector.broadcast %broadcast_in_dim3A_244 : i1 to vector<16xi1>
    %masked_cumsum3A_246 = tpu.scan <sum>, %get3A_236 masked %broadcast_in_dim3A_245 : vector<16xi32>, vector<16xi1> -> vector<16xi32>
    %sub3A_247 = arith.subi %masked_cumsum3A_246, %get3A_236 : vector<16xi32>
    %add3A_248 = vector.broadcast %add3A_230 : i32 to vector<16xi32>
    %add3A_249 = arith.addi %add3A_248, %sub3A_247 : vector<16xi32>
    %add3A_250 = vector.broadcast %sub3A_232 : i32 to vector<16xi32>
    %add3A_251 = arith.addi %add3A_250, %iota3A : vector<16xi32>
    %sub3A_252 = arith.subi %add3A_251, %sub3A_247 : vector<16xi32>
    tpu.vector_store_idx %arg7[%add3A_249], %add3A_240 masked %gt3A_243 : memref<512xi32, #tpu.memory_space<vmem>>[vector<16xi32>], vector<16xi32>, vector<16xi1>
    %not3A_253 = arith.constant dense<true> : vector<16xi1>
    %not3A_254 = arith.xori %gt3A_243, %not3A_253 : vector<16xi1>
    tpu.vector_store_idx %arg8[%sub3A_252], %add3A_240 masked %not3A_254 : memref<512xi32, #tpu.memory_space<vmem>>[vector<16xi32>], vector<16xi32>, vector<16xi1>
    %reduce_sum3A_255 = arith.constant true
    %reduce_sum3A_256 = vector.broadcast %reduce_sum3A_255 : i1 to vector<16xi1>
    %reduce_sum3A_257 = tpu.scan <sum>, %get3A_236 masked %reduce_sum3A_256 : vector<16xi32>, vector<16xi1> -> vector<16xi32>
    %reduce_sum3A_258 = vector.extract %reduce_sum3A_257[15] : i32 from vector<16xi32>
    %add3A_259 = arith.addi %add3A_230, %reduce_sum3A_258 : i32
    %sub3A_260 = arith.constant 96 : i32
    %sub3A_261 = arith.subi %sub3A_260, %add3A_259 : i32
    %add3A_262 = arith.constant 96 : i32
    %add3A_263 = arith.addi %mul3A_2, %add3A_262 : i32
    %get3A_264 = arith.index_cast %add3A_263 : i32 to index
    %get3A_265 = tpu.vector_load %arg6[%get3A_264] {strides = array<i32>} : memref<16384xi32, #tpu.memory_space<vmem>>, vector<16xi32>,
    %add3A_266 = arith.constant 96 : i32
    %add3A_267 = arith.addi %mul3A_2, %add3A_266 : i32
    %add3A_268 = vector.broadcast %add3A_267 : i32 to vector<16xi32>
    %add3A_269 = arith.addi %add3A_268, %iota3A : vector<16xi32>
    %gt3A_270 = arith.constant 0 : i32
    %gt3A_271 = vector.broadcast %gt3A_270 : i32 to vector<16xi32>
    %gt3A_272 = arith.cmpi sgt, %get3A_265, %gt3A_271 : vector<16xi32>
    %broadcast_in_dim3A_273 = arith.constant true
    %broadcast_in_dim3A_274 = vector.broadcast %broadcast_in_dim3A_273 : i1 to vector<16xi1>
    %masked_cumsum3A_275 = tpu.scan <sum>, %get3A_265 masked %broadcast_in_dim3A_274 : vector<16xi32>, vector<16xi1> -> vector<16xi32>
    %sub3A_276 = arith.subi %masked_cumsum3A_275, %get3A_265 : vector<16xi32>
    %add3A_277 = vector.broadcast %add3A_259 : i32 to vector<16xi32>
    %add3A_278 = arith.addi %add3A_277, %sub3A_276 : vector<16xi32>
    %add3A_279 = vector.broadcast %sub3A_261 : i32 to vector<16xi32>
    %add3A_280 = arith.addi %add3A_279, %iota3A : vector<16xi32>
    %sub3A_281 = arith.subi %add3A_280, %sub3A_276 : vector<16xi32>
    tpu.vector_store_idx %arg7[%add3A_278], %add3A_269 masked %gt3A_272 : memref<512xi32, #tpu.memory_space<vmem>>[vector<16xi32>], vector<16xi32>, vector<16xi1>
    %not3A_282 = arith.constant dense<true> : vector<16xi1>
    %not3A_283 = arith.xori %gt3A_272, %not3A_282 : vector<16xi1>
    tpu.vector_store_idx %arg8[%sub3A_281], %add3A_269 masked %not3A_283 : memref<512xi32, #tpu.memory_space<vmem>>[vector<16xi32>], vector<16xi32>, vector<16xi1>
    %reduce_sum3A_284 = arith.constant true
    %reduce_sum3A_285 = vector.broadcast %reduce_sum3A_284 : i1 to vector<16xi1>
    %reduce_sum3A_286 = tpu.scan <sum>, %get3A_265 masked %reduce_sum3A_285 : vector<16xi32>, vector<16xi1> -> vector<16xi32>
    %reduce_sum3A_287 = vector.extract %reduce_sum3A_286[15] : i32 from vector<16xi32>
    %add3A_288 = arith.addi %add3A_259, %reduce_sum3A_287 : i32
    %sub3A_289 = arith.constant 112 : i32
    %sub3A_290 = arith.subi %sub3A_289, %add3A_288 : i32
    %add3A_291 = arith.constant 112 : i32
    %add3A_292 = arith.addi %mul3A_2, %add3A_291 : i32
    %get3A_293 = arith.index_cast %add3A_292 : i32 to index
    %get3A_294 = tpu.vector_load %arg6[%get3A_293] {strides = array<i32>} : memref<16384xi32, #tpu.memory_space<vmem>>, vector<16xi32>,
    %add3A_295 = arith.constant 112 : i32
    %add3A_296 = arith.addi %mul3A_2, %add3A_295 : i32
    %add3A_297 = vector.broadcast %add3A_296 : i32 to vector<16xi32>
    %add3A_298 = arith.addi %add3A_297, %iota3A : vector<16xi32>
    %gt3A_299 = arith.constant 0 : i32
    %gt3A_300 = vector.broadcast %gt3A_299 : i32 to vector<16xi32>
    %gt3A_301 = arith.cmpi sgt, %get3A_294, %gt3A_300 : vector<16xi32>
    %broadcast_in_dim3A_302 = arith.constant true
    %broadcast_in_dim3A_303 = vector.broadcast %broadcast_in_dim3A_302 : i1 to vector<16xi1>
    %masked_cumsum3A_304 = tpu.scan <sum>, %get3A_294 masked %broadcast_in_dim3A_303 : vector<16xi32>, vector<16xi1> -> vector<16xi32>
    %sub3A_305 = arith.subi %masked_cumsum3A_304, %get3A_294 : vector<16xi32>
    %add3A_306 = vector.broadcast %add3A_288 : i32 to vector<16xi32>
    %add3A_307 = arith.addi %add3A_306, %sub3A_305 : vector<16xi32>
    %add3A_308 = vector.broadcast %sub3A_290 : i32 to vector<16xi32>
    %add3A_309 = arith.addi %add3A_308, %iota3A : vector<16xi32>
    %sub3A_310 = arith.subi %add3A_309, %sub3A_305 : vector<16xi32>
    tpu.vector_store_idx %arg7[%add3A_307], %add3A_298 masked %gt3A_301 : memref<512xi32, #tpu.memory_space<vmem>>[vector<16xi32>], vector<16xi32>, vector<16xi1>
    %not3A_311 = arith.constant dense<true> : vector<16xi1>
    %not3A_312 = arith.xori %gt3A_301, %not3A_311 : vector<16xi1>
    tpu.vector_store_idx %arg8[%sub3A_310], %add3A_298 masked %not3A_312 : memref<512xi32, #tpu.memory_space<vmem>>[vector<16xi32>], vector<16xi32>, vector<16xi1>
    %reduce_sum3A_313 = arith.constant true
    %reduce_sum3A_314 = vector.broadcast %reduce_sum3A_313 : i1 to vector<16xi1>
    %reduce_sum3A_315 = tpu.scan <sum>, %get3A_294 masked %reduce_sum3A_314 : vector<16xi32>, vector<16xi1> -> vector<16xi32>
    %reduce_sum3A_316 = vector.extract %reduce_sum3A_315[15] : i32 from vector<16xi32>
    %add3A_317 = arith.addi %add3A_288, %reduce_sum3A_316 : i32
    %sub3A_318 = arith.constant 128 : i32
    %sub3A_319 = arith.subi %sub3A_318, %add3A_317 : i32
    %add3A_320 = arith.constant 128 : i32
    %add3A_321 = arith.addi %mul3A_2, %add3A_320 : i32
    %get3A_322 = arith.index_cast %add3A_321 : i32 to index
    %get3A_323 = tpu.vector_load %arg6[%get3A_322] {strides = array<i32>} : memref<16384xi32, #tpu.memory_space<vmem>>, vector<16xi32>,
    %add3A_324 = arith.constant 128 : i32
    %add3A_325 = arith.addi %mul3A_2, %add3A_324 : i32
    %add3A_326 = vector.broadcast %add3A_325 : i32 to vector<16xi32>
    %add3A_327 = arith.addi %add3A_326, %iota3A : vector<16xi32>
    %gt3A_328 = arith.constant 0 : i32
    %gt3A_329 = vector.broadcast %gt3A_328 : i32 to vector<16xi32>
    %gt3A_330 = arith.cmpi sgt, %get3A_323, %gt3A_329 : vector<16xi32>
    %broadcast_in_dim3A_331 = arith.constant true
    %broadcast_in_dim3A_332 = vector.broadcast %broadcast_in_dim3A_331 : i1 to vector<16xi1>
    %masked_cumsum3A_333 = tpu.scan <sum>, %get3A_323 masked %broadcast_in_dim3A_332 : vector<16xi32>, vector<16xi1> -> vector<16xi32>
    %sub3A_334 = arith.subi %masked_cumsum3A_333, %get3A_323 : vector<16xi32>
    %add3A_335 = vector.broadcast %add3A_317 : i32 to vector<16xi32>
    %add3A_336 = arith.addi %add3A_335, %sub3A_334 : vector<16xi32>
    %add3A_337 = vector.broadcast %sub3A_319 : i32 to vector<16xi32>
    %add3A_338 = arith.addi %add3A_337, %iota3A : vector<16xi32>
    %sub3A_339 = arith.subi %add3A_338, %sub3A_334 : vector<16xi32>
    tpu.vector_store_idx %arg7[%add3A_336], %add3A_327 masked %gt3A_330 : memref<512xi32, #tpu.memory_space<vmem>>[vector<16xi32>], vector<16xi32>, vector<16xi1>
    %not3A_340 = arith.constant dense<true> : vector<16xi1>
    %not3A_341 = arith.xori %gt3A_330, %not3A_340 : vector<16xi1>
    tpu.vector_store_idx %arg8[%sub3A_339], %add3A_327 masked %not3A_341 : memref<512xi32, #tpu.memory_space<vmem>>[vector<16xi32>], vector<16xi32>, vector<16xi1>
    %reduce_sum3A_342 = arith.constant true
    %reduce_sum3A_343 = vector.broadcast %reduce_sum3A_342 : i1 to vector<16xi1>
    %reduce_sum3A_344 = tpu.scan <sum>, %get3A_323 masked %reduce_sum3A_343 : vector<16xi32>, vector<16xi1> -> vector<16xi32>
    %reduce_sum3A_345 = vector.extract %reduce_sum3A_344[15] : i32 from vector<16xi32>
    %add3A_346 = arith.addi %add3A_317, %reduce_sum3A_345 : i32
    %sub3A_347 = arith.constant 144 : i32
    %sub3A_348 = arith.subi %sub3A_347, %add3A_346 : i32
    %add3A_349 = arith.constant 144 : i32
    %add3A_350 = arith.addi %mul3A_2, %add3A_349 : i32
    %get3A_351 = arith.index_cast %add3A_350 : i32 to index
    %get3A_352 = tpu.vector_load %arg6[%get3A_351] {strides = array<i32>} : memref<16384xi32, #tpu.memory_space<vmem>>, vector<16xi32>,
    %add3A_353 = arith.constant 144 : i32
    %add3A_354 = arith.addi %mul3A_2, %add3A_353 : i32
    %add3A_355 = vector.broadcast %add3A_354 : i32 to vector<16xi32>
    %add3A_356 = arith.addi %add3A_355, %iota3A : vector<16xi32>
    %gt3A_357 = arith.constant 0 : i32
    %gt3A_358 = vector.broadcast %gt3A_357 : i32 to vector<16xi32>
    %gt3A_359 = arith.cmpi sgt, %get3A_352, %gt3A_358 : vector<16xi32>
    %broadcast_in_dim3A_360 = arith.constant true
    %broadcast_in_dim3A_361 = vector.broadcast %broadcast_in_dim3A_360 : i1 to vector<16xi1>
    %masked_cumsum3A_362 = tpu.scan <sum>, %get3A_352 masked %broadcast_in_dim3A_361 : vector<16xi32>, vector<16xi1> -> vector<16xi32>
    %sub3A_363 = arith.subi %masked_cumsum3A_362, %get3A_352 : vector<16xi32>
    %add3A_364 = vector.broadcast %add3A_346 : i32 to vector<16xi32>
    %add3A_365 = arith.addi %add3A_364, %sub3A_363 : vector<16xi32>
    %add3A_366 = vector.broadcast %sub3A_348 : i32 to vector<16xi32>
    %add3A_367 = arith.addi %add3A_366, %iota3A : vector<16xi32>
    %sub3A_368 = arith.subi %add3A_367, %sub3A_363 : vector<16xi32>
    tpu.vector_store_idx %arg7[%add3A_365], %add3A_356 masked %gt3A_359 : memref<512xi32, #tpu.memory_space<vmem>>[vector<16xi32>], vector<16xi32>, vector<16xi1>
    %not3A_369 = arith.constant dense<true> : vector<16xi1>
    %not3A_370 = arith.xori %gt3A_359, %not3A_369 : vector<16xi1>
    tpu.vector_store_idx %arg8[%sub3A_368], %add3A_356 masked %not3A_370 : memref<512xi32, #tpu.memory_space<vmem>>[vector<16xi32>], vector<16xi32>, vector<16xi1>
    %reduce_sum3A_371 = arith.constant true
    %reduce_sum3A_372 = vector.broadcast %reduce_sum3A_371 : i1 to vector<16xi1>
    %reduce_sum3A_373 = tpu.scan <sum>, %get3A_352 masked %reduce_sum3A_372 : vector<16xi32>, vector<16xi1> -> vector<16xi32>
    %reduce_sum3A_374 = vector.extract %reduce_sum3A_373[15] : i32 from vector<16xi32>
    %add3A_375 = arith.addi %add3A_346, %reduce_sum3A_374 : i32
    %sub3A_376 = arith.constant 160 : i32
    %sub3A_377 = arith.subi %sub3A_376, %add3A_375 : i32
    %add3A_378 = arith.constant 160 : i32
    %add3A_379 = arith.addi %mul3A_2, %add3A_378 : i32
    %get3A_380 = arith.index_cast %add3A_379 : i32 to index
    %get3A_381 = tpu.vector_load %arg6[%get3A_380] {strides = array<i32>} : memref<16384xi32, #tpu.memory_space<vmem>>, vector<16xi32>,
    %add3A_382 = arith.constant 160 : i32
    %add3A_383 = arith.addi %mul3A_2, %add3A_382 : i32
    %add3A_384 = vector.broadcast %add3A_383 : i32 to vector<16xi32>
    %add3A_385 = arith.addi %add3A_384, %iota3A : vector<16xi32>
    %gt3A_386 = arith.constant 0 : i32
    %gt3A_387 = vector.broadcast %gt3A_386 : i32 to vector<16xi32>
    %gt3A_388 = arith.cmpi sgt, %get3A_381, %gt3A_387 : vector<16xi32>
    %broadcast_in_dim3A_389 = arith.constant true
    %broadcast_in_dim3A_390 = vector.broadcast %broadcast_in_dim3A_389 : i1 to vector<16xi1>
    %masked_cumsum3A_391 = tpu.scan <sum>, %get3A_381 masked %broadcast_in_dim3A_390 : vector<16xi32>, vector<16xi1> -> vector<16xi32>
    %sub3A_392 = arith.subi %masked_cumsum3A_391, %get3A_381 : vector<16xi32>
    %add3A_393 = vector.broadcast %add3A_375 : i32 to vector<16xi32>
    %add3A_394 = arith.addi %add3A_393, %sub3A_392 : vector<16xi32>
    %add3A_395 = vector.broadcast %sub3A_377 : i32 to vector<16xi32>
    %add3A_396 = arith.addi %add3A_395, %iota3A : vector<16xi32>
    %sub3A_397 = arith.subi %add3A_396, %sub3A_392 : vector<16xi32>
    tpu.vector_store_idx %arg7[%add3A_394], %add3A_385 masked %gt3A_388 : memref<512xi32, #tpu.memory_space<vmem>>[vector<16xi32>], vector<16xi32>, vector<16xi1>
    %not3A_398 = arith.constant dense<true> : vector<16xi1>
    %not3A_399 = arith.xori %gt3A_388, %not3A_398 : vector<16xi1>
    tpu.vector_store_idx %arg8[%sub3A_397], %add3A_385 masked %not3A_399 : memref<512xi32, #tpu.memory_space<vmem>>[vector<16xi32>], vector<16xi32>, vector<16xi1>
    %reduce_sum3A_400 = arith.constant true
    %reduce_sum3A_401 = vector.broadcast %reduce_sum3A_400 : i1 to vector<16xi1>
    %reduce_sum3A_402 = tpu.scan <sum>, %get3A_381 masked %reduce_sum3A_401 : vector<16xi32>, vector<16xi1> -> vector<16xi32>
    %reduce_sum3A_403 = vector.extract %reduce_sum3A_402[15] : i32 from vector<16xi32>
    %add3A_404 = arith.addi %add3A_375, %reduce_sum3A_403 : i32
    %sub3A_405 = arith.constant 176 : i32
    %sub3A_406 = arith.subi %sub3A_405, %add3A_404 : i32
    %add3A_407 = arith.constant 176 : i32
    %add3A_408 = arith.addi %mul3A_2, %add3A_407 : i32
    %get3A_409 = arith.index_cast %add3A_408 : i32 to index
    %get3A_410 = tpu.vector_load %arg6[%get3A_409] {strides = array<i32>} : memref<16384xi32, #tpu.memory_space<vmem>>, vector<16xi32>,
    %add3A_411 = arith.constant 176 : i32
    %add3A_412 = arith.addi %mul3A_2, %add3A_411 : i32
    %add3A_413 = vector.broadcast %add3A_412 : i32 to vector<16xi32>
    %add3A_414 = arith.addi %add3A_413, %iota3A : vector<16xi32>
    %gt3A_415 = arith.constant 0 : i32
    %gt3A_416 = vector.broadcast %gt3A_415 : i32 to vector<16xi32>
    %gt3A_417 = arith.cmpi sgt, %get3A_410, %gt3A_416 : vector<16xi32>
    %broadcast_in_dim3A_418 = arith.constant true
    %broadcast_in_dim3A_419 = vector.broadcast %broadcast_in_dim3A_418 : i1 to vector<16xi1>
    %masked_cumsum3A_420 = tpu.scan <sum>, %get3A_410 masked %broadcast_in_dim3A_419 : vector<16xi32>, vector<16xi1> -> vector<16xi32>
    %sub3A_421 = arith.subi %masked_cumsum3A_420, %get3A_410 : vector<16xi32>
    %add3A_422 = vector.broadcast %add3A_404 : i32 to vector<16xi32>
    %add3A_423 = arith.addi %add3A_422, %sub3A_421 : vector<16xi32>
    %add3A_424 = vector.broadcast %sub3A_406 : i32 to vector<16xi32>
    %add3A_425 = arith.addi %add3A_424, %iota3A : vector<16xi32>
    %sub3A_426 = arith.subi %add3A_425, %sub3A_421 : vector<16xi32>
    tpu.vector_store_idx %arg7[%add3A_423], %add3A_414 masked %gt3A_417 : memref<512xi32, #tpu.memory_space<vmem>>[vector<16xi32>], vector<16xi32>, vector<16xi1>
    %not3A_427 = arith.constant dense<true> : vector<16xi1>
    %not3A_428 = arith.xori %gt3A_417, %not3A_427 : vector<16xi1>
    tpu.vector_store_idx %arg8[%sub3A_426], %add3A_414 masked %not3A_428 : memref<512xi32, #tpu.memory_space<vmem>>[vector<16xi32>], vector<16xi32>, vector<16xi1>
    %reduce_sum3A_429 = arith.constant true
    %reduce_sum3A_430 = vector.broadcast %reduce_sum3A_429 : i1 to vector<16xi1>
    %reduce_sum3A_431 = tpu.scan <sum>, %get3A_410 masked %reduce_sum3A_430 : vector<16xi32>, vector<16xi1> -> vector<16xi32>
    %reduce_sum3A_432 = vector.extract %reduce_sum3A_431[15] : i32 from vector<16xi32>
    %add3A_433 = arith.addi %add3A_404, %reduce_sum3A_432 : i32
    %sub3A_434 = arith.constant 192 : i32
    %sub3A_435 = arith.subi %sub3A_434, %add3A_433 : i32
    %add3A_436 = arith.constant 192 : i32
    %add3A_437 = arith.addi %mul3A_2, %add3A_436 : i32
    %get3A_438 = arith.index_cast %add3A_437 : i32 to index
    %get3A_439 = tpu.vector_load %arg6[%get3A_438] {strides = array<i32>} : memref<16384xi32, #tpu.memory_space<vmem>>, vector<16xi32>,
    %add3A_440 = arith.constant 192 : i32
    %add3A_441 = arith.addi %mul3A_2, %add3A_440 : i32
    %add3A_442 = vector.broadcast %add3A_441 : i32 to vector<16xi32>
    %add3A_443 = arith.addi %add3A_442, %iota3A : vector<16xi32>
    %gt3A_444 = arith.constant 0 : i32
    %gt3A_445 = vector.broadcast %gt3A_444 : i32 to vector<16xi32>
    %gt3A_446 = arith.cmpi sgt, %get3A_439, %gt3A_445 : vector<16xi32>
    %broadcast_in_dim3A_447 = arith.constant true
    %broadcast_in_dim3A_448 = vector.broadcast %broadcast_in_dim3A_447 : i1 to vector<16xi1>
    %masked_cumsum3A_449 = tpu.scan <sum>, %get3A_439 masked %broadcast_in_dim3A_448 : vector<16xi32>, vector<16xi1> -> vector<16xi32>
    %sub3A_450 = arith.subi %masked_cumsum3A_449, %get3A_439 : vector<16xi32>
    %add3A_451 = vector.broadcast %add3A_433 : i32 to vector<16xi32>
    %add3A_452 = arith.addi %add3A_451, %sub3A_450 : vector<16xi32>
    %add3A_453 = vector.broadcast %sub3A_435 : i32 to vector<16xi32>
    %add3A_454 = arith.addi %add3A_453, %iota3A : vector<16xi32>
    %sub3A_455 = arith.subi %add3A_454, %sub3A_450 : vector<16xi32>
    tpu.vector_store_idx %arg7[%add3A_452], %add3A_443 masked %gt3A_446 : memref<512xi32, #tpu.memory_space<vmem>>[vector<16xi32>], vector<16xi32>, vector<16xi1>
    %not3A_456 = arith.constant dense<true> : vector<16xi1>
    %not3A_457 = arith.xori %gt3A_446, %not3A_456 : vector<16xi1>
    tpu.vector_store_idx %arg8[%sub3A_455], %add3A_443 masked %not3A_457 : memref<512xi32, #tpu.memory_space<vmem>>[vector<16xi32>], vector<16xi32>, vector<16xi1>
    %reduce_sum3A_458 = arith.constant true
    %reduce_sum3A_459 = vector.broadcast %reduce_sum3A_458 : i1 to vector<16xi1>
    %reduce_sum3A_460 = tpu.scan <sum>, %get3A_439 masked %reduce_sum3A_459 : vector<16xi32>, vector<16xi1> -> vector<16xi32>
    %reduce_sum3A_461 = vector.extract %reduce_sum3A_460[15] : i32 from vector<16xi32>
    %add3A_462 = arith.addi %add3A_433, %reduce_sum3A_461 : i32
    %sub3A_463 = arith.constant 208 : i32
    %sub3A_464 = arith.subi %sub3A_463, %add3A_462 : i32
    %add3A_465 = arith.constant 208 : i32
    %add3A_466 = arith.addi %mul3A_2, %add3A_465 : i32
    %get3A_467 = arith.index_cast %add3A_466 : i32 to index
    %get3A_468 = tpu.vector_load %arg6[%get3A_467] {strides = array<i32>} : memref<16384xi32, #tpu.memory_space<vmem>>, vector<16xi32>,
    %add3A_469 = arith.constant 208 : i32
    %add3A_470 = arith.addi %mul3A_2, %add3A_469 : i32
    %add3A_471 = vector.broadcast %add3A_470 : i32 to vector<16xi32>
    %add3A_472 = arith.addi %add3A_471, %iota3A : vector<16xi32>
    %gt3A_473 = arith.constant 0 : i32
    %gt3A_474 = vector.broadcast %gt3A_473 : i32 to vector<16xi32>
    %gt3A_475 = arith.cmpi sgt, %get3A_468, %gt3A_474 : vector<16xi32>
    %broadcast_in_dim3A_476 = arith.constant true
    %broadcast_in_dim3A_477 = vector.broadcast %broadcast_in_dim3A_476 : i1 to vector<16xi1>
    %masked_cumsum3A_478 = tpu.scan <sum>, %get3A_468 masked %broadcast_in_dim3A_477 : vector<16xi32>, vector<16xi1> -> vector<16xi32>
    %sub3A_479 = arith.subi %masked_cumsum3A_478, %get3A_468 : vector<16xi32>
    %add3A_480 = vector.broadcast %add3A_462 : i32 to vector<16xi32>
    %add3A_481 = arith.addi %add3A_480, %sub3A_479 : vector<16xi32>
    %add3A_482 = vector.broadcast %sub3A_464 : i32 to vector<16xi32>
    %add3A_483 = arith.addi %add3A_482, %iota3A : vector<16xi32>
    %sub3A_484 = arith.subi %add3A_483, %sub3A_479 : vector<16xi32>
    tpu.vector_store_idx %arg7[%add3A_481], %add3A_472 masked %gt3A_475 : memref<512xi32, #tpu.memory_space<vmem>>[vector<16xi32>], vector<16xi32>, vector<16xi1>
    %not3A_485 = arith.constant dense<true> : vector<16xi1>
    %not3A_486 = arith.xori %gt3A_475, %not3A_485 : vector<16xi1>
    tpu.vector_store_idx %arg8[%sub3A_484], %add3A_472 masked %not3A_486 : memref<512xi32, #tpu.memory_space<vmem>>[vector<16xi32>], vector<16xi32>, vector<16xi1>
    %reduce_sum3A_487 = arith.constant true
    %reduce_sum3A_488 = vector.broadcast %reduce_sum3A_487 : i1 to vector<16xi1>
    %reduce_sum3A_489 = tpu.scan <sum>, %get3A_468 masked %reduce_sum3A_488 : vector<16xi32>, vector<16xi1> -> vector<16xi32>
    %reduce_sum3A_490 = vector.extract %reduce_sum3A_489[15] : i32 from vector<16xi32>
    %add3A_491 = arith.addi %add3A_462, %reduce_sum3A_490 : i32
    %sub3A_492 = arith.constant 224 : i32
    %sub3A_493 = arith.subi %sub3A_492, %add3A_491 : i32
    %add3A_494 = arith.constant 224 : i32
    %add3A_495 = arith.addi %mul3A_2, %add3A_494 : i32
    %get3A_496 = arith.index_cast %add3A_495 : i32 to index
    %get3A_497 = tpu.vector_load %arg6[%get3A_496] {strides = array<i32>} : memref<16384xi32, #tpu.memory_space<vmem>>, vector<16xi32>,
    %add3A_498 = arith.constant 224 : i32
    %add3A_499 = arith.addi %mul3A_2, %add3A_498 : i32
    %add3A_500 = vector.broadcast %add3A_499 : i32 to vector<16xi32>
    %add3A_501 = arith.addi %add3A_500, %iota3A : vector<16xi32>
    %gt3A_502 = arith.constant 0 : i32
    %gt3A_503 = vector.broadcast %gt3A_502 : i32 to vector<16xi32>
    %gt3A_504 = arith.cmpi sgt, %get3A_497, %gt3A_503 : vector<16xi32>
    %broadcast_in_dim3A_505 = arith.constant true
    %broadcast_in_dim3A_506 = vector.broadcast %broadcast_in_dim3A_505 : i1 to vector<16xi1>
    %masked_cumsum3A_507 = tpu.scan <sum>, %get3A_497 masked %broadcast_in_dim3A_506 : vector<16xi32>, vector<16xi1> -> vector<16xi32>
    %sub3A_508 = arith.subi %masked_cumsum3A_507, %get3A_497 : vector<16xi32>
    %add3A_509 = vector.broadcast %add3A_491 : i32 to vector<16xi32>
    %add3A_510 = arith.addi %add3A_509, %sub3A_508 : vector<16xi32>
    %add3A_511 = vector.broadcast %sub3A_493 : i32 to vector<16xi32>
    %add3A_512 = arith.addi %add3A_511, %iota3A : vector<16xi32>
    %sub3A_513 = arith.subi %add3A_512, %sub3A_508 : vector<16xi32>
    tpu.vector_store_idx %arg7[%add3A_510], %add3A_501 masked %gt3A_504 : memref<512xi32, #tpu.memory_space<vmem>>[vector<16xi32>], vector<16xi32>, vector<16xi1>
    %not3A_514 = arith.constant dense<true> : vector<16xi1>
    %not3A_515 = arith.xori %gt3A_504, %not3A_514 : vector<16xi1>
    tpu.vector_store_idx %arg8[%sub3A_513], %add3A_501 masked %not3A_515 : memref<512xi32, #tpu.memory_space<vmem>>[vector<16xi32>], vector<16xi32>, vector<16xi1>
    %reduce_sum3A_516 = arith.constant true
    %reduce_sum3A_517 = vector.broadcast %reduce_sum3A_516 : i1 to vector<16xi1>
    %reduce_sum3A_518 = tpu.scan <sum>, %get3A_497 masked %reduce_sum3A_517 : vector<16xi32>, vector<16xi1> -> vector<16xi32>
    %reduce_sum3A_519 = vector.extract %reduce_sum3A_518[15] : i32 from vector<16xi32>
    %add3A_520 = arith.addi %add3A_491, %reduce_sum3A_519 : i32
    %sub3A_521 = arith.constant 240 : i32
    %sub3A_522 = arith.subi %sub3A_521, %add3A_520 : i32
    %add3A_523 = arith.constant 240 : i32
    %add3A_524 = arith.addi %mul3A_2, %add3A_523 : i32
    %get3A_525 = arith.index_cast %add3A_524 : i32 to index
    %get3A_526 = tpu.vector_load %arg6[%get3A_525] {strides = array<i32>} : memref<16384xi32, #tpu.memory_space<vmem>>, vector<16xi32>,
    %add3A_527 = arith.constant 240 : i32
    %add3A_528 = arith.addi %mul3A_2, %add3A_527 : i32
    %add3A_529 = vector.broadcast %add3A_528 : i32 to vector<16xi32>
    %add3A_530 = arith.addi %add3A_529, %iota3A : vector<16xi32>
    %gt3A_531 = arith.constant 0 : i32
    %gt3A_532 = vector.broadcast %gt3A_531 : i32 to vector<16xi32>
    %gt3A_533 = arith.cmpi sgt, %get3A_526, %gt3A_532 : vector<16xi32>
    %broadcast_in_dim3A_534 = arith.constant true
    %broadcast_in_dim3A_535 = vector.broadcast %broadcast_in_dim3A_534 : i1 to vector<16xi1>
    %masked_cumsum3A_536 = tpu.scan <sum>, %get3A_526 masked %broadcast_in_dim3A_535 : vector<16xi32>, vector<16xi1> -> vector<16xi32>
    %sub3A_537 = arith.subi %masked_cumsum3A_536, %get3A_526 : vector<16xi32>
    %add3A_538 = vector.broadcast %add3A_520 : i32 to vector<16xi32>
    %add3A_539 = arith.addi %add3A_538, %sub3A_537 : vector<16xi32>
    %add3A_540 = vector.broadcast %sub3A_522 : i32 to vector<16xi32>
    %add3A_541 = arith.addi %add3A_540, %iota3A : vector<16xi32>
    %sub3A_542 = arith.subi %add3A_541, %sub3A_537 : vector<16xi32>
    tpu.vector_store_idx %arg7[%add3A_539], %add3A_530 masked %gt3A_533 : memref<512xi32, #tpu.memory_space<vmem>>[vector<16xi32>], vector<16xi32>, vector<16xi1>
    %not3A_543 = arith.constant dense<true> : vector<16xi1>
    %not3A_544 = arith.xori %gt3A_533, %not3A_543 : vector<16xi1>
    tpu.vector_store_idx %arg8[%sub3A_542], %add3A_530 masked %not3A_544 : memref<512xi32, #tpu.memory_space<vmem>>[vector<16xi32>], vector<16xi32>, vector<16xi1>
    %reduce_sum3A_545 = arith.constant true
    %reduce_sum3A_546 = vector.broadcast %reduce_sum3A_545 : i1 to vector<16xi1>
    %reduce_sum3A_547 = tpu.scan <sum>, %get3A_526 masked %reduce_sum3A_546 : vector<16xi32>, vector<16xi1> -> vector<16xi32>
    %reduce_sum3A_548 = vector.extract %reduce_sum3A_547[15] : i32 from vector<16xi32>
    %add3A_549 = arith.addi %add3A_520, %reduce_sum3A_548 : i32
    %sub3A_550 = arith.constant 256 : i32
    %sub3A_551 = arith.subi %sub3A_550, %add3A_549 : i32
    %add3A_552 = arith.constant 256 : i32
    %add3A_553 = arith.addi %mul3A_2, %add3A_552 : i32
    %get3A_554 = arith.index_cast %add3A_553 : i32 to index
    %get3A_555 = tpu.vector_load %arg6[%get3A_554] {strides = array<i32>} : memref<16384xi32, #tpu.memory_space<vmem>>, vector<16xi32>,
    %add3A_556 = arith.constant 256 : i32
    %add3A_557 = arith.addi %mul3A_2, %add3A_556 : i32
    %add3A_558 = vector.broadcast %add3A_557 : i32 to vector<16xi32>
    %add3A_559 = arith.addi %add3A_558, %iota3A : vector<16xi32>
    %gt3A_560 = arith.constant 0 : i32
    %gt3A_561 = vector.broadcast %gt3A_560 : i32 to vector<16xi32>
    %gt3A_562 = arith.cmpi sgt, %get3A_555, %gt3A_561 : vector<16xi32>
    %broadcast_in_dim3A_563 = arith.constant true
    %broadcast_in_dim3A_564 = vector.broadcast %broadcast_in_dim3A_563 : i1 to vector<16xi1>
    %masked_cumsum3A_565 = tpu.scan <sum>, %get3A_555 masked %broadcast_in_dim3A_564 : vector<16xi32>, vector<16xi1> -> vector<16xi32>
    %sub3A_566 = arith.subi %masked_cumsum3A_565, %get3A_555 : vector<16xi32>
    %add3A_567 = vector.broadcast %add3A_549 : i32 to vector<16xi32>
    %add3A_568 = arith.addi %add3A_567, %sub3A_566 : vector<16xi32>
    %add3A_569 = vector.broadcast %sub3A_551 : i32 to vector<16xi32>
    %add3A_570 = arith.addi %add3A_569, %iota3A : vector<16xi32>
    %sub3A_571 = arith.subi %add3A_570, %sub3A_566 : vector<16xi32>
    tpu.vector_store_idx %arg7[%add3A_568], %add3A_559 masked %gt3A_562 : memref<512xi32, #tpu.memory_space<vmem>>[vector<16xi32>], vector<16xi32>, vector<16xi1>
    %not3A_572 = arith.constant dense<true> : vector<16xi1>
    %not3A_573 = arith.xori %gt3A_562, %not3A_572 : vector<16xi1>
    tpu.vector_store_idx %arg8[%sub3A_571], %add3A_559 masked %not3A_573 : memref<512xi32, #tpu.memory_space<vmem>>[vector<16xi32>], vector<16xi32>, vector<16xi1>
    %reduce_sum3A_574 = arith.constant true
    %reduce_sum3A_575 = vector.broadcast %reduce_sum3A_574 : i1 to vector<16xi1>
    %reduce_sum3A_576 = tpu.scan <sum>, %get3A_555 masked %reduce_sum3A_575 : vector<16xi32>, vector<16xi1> -> vector<16xi32>
    %reduce_sum3A_577 = vector.extract %reduce_sum3A_576[15] : i32 from vector<16xi32>
    %add3A_578 = arith.addi %add3A_549, %reduce_sum3A_577 : i32
    %sub3A_579 = arith.constant 272 : i32
    %sub3A_580 = arith.subi %sub3A_579, %add3A_578 : i32
    %add3A_581 = arith.constant 272 : i32
    %add3A_582 = arith.addi %mul3A_2, %add3A_581 : i32
    %get3A_583 = arith.index_cast %add3A_582 : i32 to index
    %get3A_584 = tpu.vector_load %arg6[%get3A_583] {strides = array<i32>} : memref<16384xi32, #tpu.memory_space<vmem>>, vector<16xi32>,
    %add3A_585 = arith.constant 272 : i32
    %add3A_586 = arith.addi %mul3A_2, %add3A_585 : i32
    %add3A_587 = vector.broadcast %add3A_586 : i32 to vector<16xi32>
    %add3A_588 = arith.addi %add3A_587, %iota3A : vector<16xi32>
    %gt3A_589 = arith.constant 0 : i32
    %gt3A_590 = vector.broadcast %gt3A_589 : i32 to vector<16xi32>
    %gt3A_591 = arith.cmpi sgt, %get3A_584, %gt3A_590 : vector<16xi32>
    %broadcast_in_dim3A_592 = arith.constant true
    %broadcast_in_dim3A_593 = vector.broadcast %broadcast_in_dim3A_592 : i1 to vector<16xi1>
    %masked_cumsum3A_594 = tpu.scan <sum>, %get3A_584 masked %broadcast_in_dim3A_593 : vector<16xi32>, vector<16xi1> -> vector<16xi32>
    %sub3A_595 = arith.subi %masked_cumsum3A_594, %get3A_584 : vector<16xi32>
    %add3A_596 = vector.broadcast %add3A_578 : i32 to vector<16xi32>
    %add3A_597 = arith.addi %add3A_596, %sub3A_595 : vector<16xi32>
    %add3A_598 = vector.broadcast %sub3A_580 : i32 to vector<16xi32>
    %add3A_599 = arith.addi %add3A_598, %iota3A : vector<16xi32>
    %sub3A_600 = arith.subi %add3A_599, %sub3A_595 : vector<16xi32>
    tpu.vector_store_idx %arg7[%add3A_597], %add3A_588 masked %gt3A_591 : memref<512xi32, #tpu.memory_space<vmem>>[vector<16xi32>], vector<16xi32>, vector<16xi1>
    %not3A_601 = arith.constant dense<true> : vector<16xi1>
    %not3A_602 = arith.xori %gt3A_591, %not3A_601 : vector<16xi1>
    tpu.vector_store_idx %arg8[%sub3A_600], %add3A_588 masked %not3A_602 : memref<512xi32, #tpu.memory_space<vmem>>[vector<16xi32>], vector<16xi32>, vector<16xi1>
    %reduce_sum3A_603 = arith.constant true
    %reduce_sum3A_604 = vector.broadcast %reduce_sum3A_603 : i1 to vector<16xi1>
    %reduce_sum3A_605 = tpu.scan <sum>, %get3A_584 masked %reduce_sum3A_604 : vector<16xi32>, vector<16xi1> -> vector<16xi32>
    %reduce_sum3A_606 = vector.extract %reduce_sum3A_605[15] : i32 from vector<16xi32>
    %add3A_607 = arith.addi %add3A_578, %reduce_sum3A_606 : i32
    %sub3A_608 = arith.constant 288 : i32
    %sub3A_609 = arith.subi %sub3A_608, %add3A_607 : i32
    %add3A_610 = arith.constant 288 : i32
    %add3A_611 = arith.addi %mul3A_2, %add3A_610 : i32
    %get3A_612 = arith.index_cast %add3A_611 : i32 to index
    %get3A_613 = tpu.vector_load %arg6[%get3A_612] {strides = array<i32>} : memref<16384xi32, #tpu.memory_space<vmem>>, vector<16xi32>,
    %add3A_614 = arith.constant 288 : i32
    %add3A_615 = arith.addi %mul3A_2, %add3A_614 : i32
    %add3A_616 = vector.broadcast %add3A_615 : i32 to vector<16xi32>
    %add3A_617 = arith.addi %add3A_616, %iota3A : vector<16xi32>
    %gt3A_618 = arith.constant 0 : i32
    %gt3A_619 = vector.broadcast %gt3A_618 : i32 to vector<16xi32>
    %gt3A_620 = arith.cmpi sgt, %get3A_613, %gt3A_619 : vector<16xi32>
    %broadcast_in_dim3A_621 = arith.constant true
    %broadcast_in_dim3A_622 = vector.broadcast %broadcast_in_dim3A_621 : i1 to vector<16xi1>
    %masked_cumsum3A_623 = tpu.scan <sum>, %get3A_613 masked %broadcast_in_dim3A_622 : vector<16xi32>, vector<16xi1> -> vector<16xi32>
    %sub3A_624 = arith.subi %masked_cumsum3A_623, %get3A_613 : vector<16xi32>
    %add3A_625 = vector.broadcast %add3A_607 : i32 to vector<16xi32>
    %add3A_626 = arith.addi %add3A_625, %sub3A_624 : vector<16xi32>
    %add3A_627 = vector.broadcast %sub3A_609 : i32 to vector<16xi32>
    %add3A_628 = arith.addi %add3A_627, %iota3A : vector<16xi32>
    %sub3A_629 = arith.subi %add3A_628, %sub3A_624 : vector<16xi32>
    tpu.vector_store_idx %arg7[%add3A_626], %add3A_617 masked %gt3A_620 : memref<512xi32, #tpu.memory_space<vmem>>[vector<16xi32>], vector<16xi32>, vector<16xi1>
    %not3A_630 = arith.constant dense<true> : vector<16xi1>
    %not3A_631 = arith.xori %gt3A_620, %not3A_630 : vector<16xi1>
    tpu.vector_store_idx %arg8[%sub3A_629], %add3A_617 masked %not3A_631 : memref<512xi32, #tpu.memory_space<vmem>>[vector<16xi32>], vector<16xi32>, vector<16xi1>
    %reduce_sum3A_632 = arith.constant true
    %reduce_sum3A_633 = vector.broadcast %reduce_sum3A_632 : i1 to vector<16xi1>
    %reduce_sum3A_634 = tpu.scan <sum>, %get3A_613 masked %reduce_sum3A_633 : vector<16xi32>, vector<16xi1> -> vector<16xi32>
    %reduce_sum3A_635 = vector.extract %reduce_sum3A_634[15] : i32 from vector<16xi32>
    %add3A_636 = arith.addi %add3A_607, %reduce_sum3A_635 : i32
    %sub3A_637 = arith.constant 304 : i32
    %sub3A_638 = arith.subi %sub3A_637, %add3A_636 : i32
    %add3A_639 = arith.constant 304 : i32
    %add3A_640 = arith.addi %mul3A_2, %add3A_639 : i32
    %get3A_641 = arith.index_cast %add3A_640 : i32 to index
    %get3A_642 = tpu.vector_load %arg6[%get3A_641] {strides = array<i32>} : memref<16384xi32, #tpu.memory_space<vmem>>, vector<16xi32>,
    %add3A_643 = arith.constant 304 : i32
    %add3A_644 = arith.addi %mul3A_2, %add3A_643 : i32
    %add3A_645 = vector.broadcast %add3A_644 : i32 to vector<16xi32>
    %add3A_646 = arith.addi %add3A_645, %iota3A : vector<16xi32>
    %gt3A_647 = arith.constant 0 : i32
    %gt3A_648 = vector.broadcast %gt3A_647 : i32 to vector<16xi32>
    %gt3A_649 = arith.cmpi sgt, %get3A_642, %gt3A_648 : vector<16xi32>
    %broadcast_in_dim3A_650 = arith.constant true
    %broadcast_in_dim3A_651 = vector.broadcast %broadcast_in_dim3A_650 : i1 to vector<16xi1>
    %masked_cumsum3A_652 = tpu.scan <sum>, %get3A_642 masked %broadcast_in_dim3A_651 : vector<16xi32>, vector<16xi1> -> vector<16xi32>
    %sub3A_653 = arith.subi %masked_cumsum3A_652, %get3A_642 : vector<16xi32>
    %add3A_654 = vector.broadcast %add3A_636 : i32 to vector<16xi32>
    %add3A_655 = arith.addi %add3A_654, %sub3A_653 : vector<16xi32>
    %add3A_656 = vector.broadcast %sub3A_638 : i32 to vector<16xi32>
    %add3A_657 = arith.addi %add3A_656, %iota3A : vector<16xi32>
    %sub3A_658 = arith.subi %add3A_657, %sub3A_653 : vector<16xi32>
    tpu.vector_store_idx %arg7[%add3A_655], %add3A_646 masked %gt3A_649 : memref<512xi32, #tpu.memory_space<vmem>>[vector<16xi32>], vector<16xi32>, vector<16xi1>
    %not3A_659 = arith.constant dense<true> : vector<16xi1>
    %not3A_660 = arith.xori %gt3A_649, %not3A_659 : vector<16xi1>
    tpu.vector_store_idx %arg8[%sub3A_658], %add3A_646 masked %not3A_660 : memref<512xi32, #tpu.memory_space<vmem>>[vector<16xi32>], vector<16xi32>, vector<16xi1>
    %reduce_sum3A_661 = arith.constant true
    %reduce_sum3A_662 = vector.broadcast %reduce_sum3A_661 : i1 to vector<16xi1>
    %reduce_sum3A_663 = tpu.scan <sum>, %get3A_642 masked %reduce_sum3A_662 : vector<16xi32>, vector<16xi1> -> vector<16xi32>
    %reduce_sum3A_664 = vector.extract %reduce_sum3A_663[15] : i32 from vector<16xi32>
    %add3A_665 = arith.addi %add3A_636, %reduce_sum3A_664 : i32
    %sub3A_666 = arith.constant 320 : i32
    %sub3A_667 = arith.subi %sub3A_666, %add3A_665 : i32
    %add3A_668 = arith.constant 320 : i32
    %add3A_669 = arith.addi %mul3A_2, %add3A_668 : i32
    %get3A_670 = arith.index_cast %add3A_669 : i32 to index
    %get3A_671 = tpu.vector_load %arg6[%get3A_670] {strides = array<i32>} : memref<16384xi32, #tpu.memory_space<vmem>>, vector<16xi32>,
    %add3A_672 = arith.constant 320 : i32
    %add3A_673 = arith.addi %mul3A_2, %add3A_672 : i32
    %add3A_674 = vector.broadcast %add3A_673 : i32 to vector<16xi32>
    %add3A_675 = arith.addi %add3A_674, %iota3A : vector<16xi32>
    %gt3A_676 = arith.constant 0 : i32
    %gt3A_677 = vector.broadcast %gt3A_676 : i32 to vector<16xi32>
    %gt3A_678 = arith.cmpi sgt, %get3A_671, %gt3A_677 : vector<16xi32>
    %broadcast_in_dim3A_679 = arith.constant true
    %broadcast_in_dim3A_680 = vector.broadcast %broadcast_in_dim3A_679 : i1 to vector<16xi1>
    %masked_cumsum3A_681 = tpu.scan <sum>, %get3A_671 masked %broadcast_in_dim3A_680 : vector<16xi32>, vector<16xi1> -> vector<16xi32>
    %sub3A_682 = arith.subi %masked_cumsum3A_681, %get3A_671 : vector<16xi32>
    %add3A_683 = vector.broadcast %add3A_665 : i32 to vector<16xi32>
    %add3A_684 = arith.addi %add3A_683, %sub3A_682 : vector<16xi32>
    %add3A_685 = vector.broadcast %sub3A_667 : i32 to vector<16xi32>
    %add3A_686 = arith.addi %add3A_685, %iota3A : vector<16xi32>
    %sub3A_687 = arith.subi %add3A_686, %sub3A_682 : vector<16xi32>
    tpu.vector_store_idx %arg7[%add3A_684], %add3A_675 masked %gt3A_678 : memref<512xi32, #tpu.memory_space<vmem>>[vector<16xi32>], vector<16xi32>, vector<16xi1>
    %not3A_688 = arith.constant dense<true> : vector<16xi1>
    %not3A_689 = arith.xori %gt3A_678, %not3A_688 : vector<16xi1>
    tpu.vector_store_idx %arg8[%sub3A_687], %add3A_675 masked %not3A_689 : memref<512xi32, #tpu.memory_space<vmem>>[vector<16xi32>], vector<16xi32>, vector<16xi1>
    %reduce_sum3A_690 = arith.constant true
    %reduce_sum3A_691 = vector.broadcast %reduce_sum3A_690 : i1 to vector<16xi1>
    %reduce_sum3A_692 = tpu.scan <sum>, %get3A_671 masked %reduce_sum3A_691 : vector<16xi32>, vector<16xi1> -> vector<16xi32>
    %reduce_sum3A_693 = vector.extract %reduce_sum3A_692[15] : i32 from vector<16xi32>
    %add3A_694 = arith.addi %add3A_665, %reduce_sum3A_693 : i32
    %sub3A_695 = arith.constant 336 : i32
    %sub3A_696 = arith.subi %sub3A_695, %add3A_694 : i32
    %add3A_697 = arith.constant 336 : i32
    %add3A_698 = arith.addi %mul3A_2, %add3A_697 : i32
    %get3A_699 = arith.index_cast %add3A_698 : i32 to index
    %get3A_700 = tpu.vector_load %arg6[%get3A_699] {strides = array<i32>} : memref<16384xi32, #tpu.memory_space<vmem>>, vector<16xi32>,
    %add3A_701 = arith.constant 336 : i32
    %add3A_702 = arith.addi %mul3A_2, %add3A_701 : i32
    %add3A_703 = vector.broadcast %add3A_702 : i32 to vector<16xi32>
    %add3A_704 = arith.addi %add3A_703, %iota3A : vector<16xi32>
    %gt3A_705 = arith.constant 0 : i32
    %gt3A_706 = vector.broadcast %gt3A_705 : i32 to vector<16xi32>
    %gt3A_707 = arith.cmpi sgt, %get3A_700, %gt3A_706 : vector<16xi32>
    %broadcast_in_dim3A_708 = arith.constant true
    %broadcast_in_dim3A_709 = vector.broadcast %broadcast_in_dim3A_708 : i1 to vector<16xi1>
    %masked_cumsum3A_710 = tpu.scan <sum>, %get3A_700 masked %broadcast_in_dim3A_709 : vector<16xi32>, vector<16xi1> -> vector<16xi32>
    %sub3A_711 = arith.subi %masked_cumsum3A_710, %get3A_700 : vector<16xi32>
    %add3A_712 = vector.broadcast %add3A_694 : i32 to vector<16xi32>
    %add3A_713 = arith.addi %add3A_712, %sub3A_711 : vector<16xi32>
    %add3A_714 = vector.broadcast %sub3A_696 : i32 to vector<16xi32>
    %add3A_715 = arith.addi %add3A_714, %iota3A : vector<16xi32>
    %sub3A_716 = arith.subi %add3A_715, %sub3A_711 : vector<16xi32>
    tpu.vector_store_idx %arg7[%add3A_713], %add3A_704 masked %gt3A_707 : memref<512xi32, #tpu.memory_space<vmem>>[vector<16xi32>], vector<16xi32>, vector<16xi1>
    %not3A_717 = arith.constant dense<true> : vector<16xi1>
    %not3A_718 = arith.xori %gt3A_707, %not3A_717 : vector<16xi1>
    tpu.vector_store_idx %arg8[%sub3A_716], %add3A_704 masked %not3A_718 : memref<512xi32, #tpu.memory_space<vmem>>[vector<16xi32>], vector<16xi32>, vector<16xi1>
    %reduce_sum3A_719 = arith.constant true
    %reduce_sum3A_720 = vector.broadcast %reduce_sum3A_719 : i1 to vector<16xi1>
    %reduce_sum3A_721 = tpu.scan <sum>, %get3A_700 masked %reduce_sum3A_720 : vector<16xi32>, vector<16xi1> -> vector<16xi32>
    %reduce_sum3A_722 = vector.extract %reduce_sum3A_721[15] : i32 from vector<16xi32>
    %add3A_723 = arith.addi %add3A_694, %reduce_sum3A_722 : i32
    %sub3A_724 = arith.constant 352 : i32
    %sub3A_725 = arith.subi %sub3A_724, %add3A_723 : i32
    %add3A_726 = arith.constant 352 : i32
    %add3A_727 = arith.addi %mul3A_2, %add3A_726 : i32
    %get3A_728 = arith.index_cast %add3A_727 : i32 to index
    %get3A_729 = tpu.vector_load %arg6[%get3A_728] {strides = array<i32>} : memref<16384xi32, #tpu.memory_space<vmem>>, vector<16xi32>,
    %add3A_730 = arith.constant 352 : i32
    %add3A_731 = arith.addi %mul3A_2, %add3A_730 : i32
    %add3A_732 = vector.broadcast %add3A_731 : i32 to vector<16xi32>
    %add3A_733 = arith.addi %add3A_732, %iota3A : vector<16xi32>
    %gt3A_734 = arith.constant 0 : i32
    %gt3A_735 = vector.broadcast %gt3A_734 : i32 to vector<16xi32>
    %gt3A_736 = arith.cmpi sgt, %get3A_729, %gt3A_735 : vector<16xi32>
    %broadcast_in_dim3A_737 = arith.constant true
    %broadcast_in_dim3A_738 = vector.broadcast %broadcast_in_dim3A_737 : i1 to vector<16xi1>
    %masked_cumsum3A_739 = tpu.scan <sum>, %get3A_729 masked %broadcast_in_dim3A_738 : vector<16xi32>, vector<16xi1> -> vector<16xi32>
    %sub3A_740 = arith.subi %masked_cumsum3A_739, %get3A_729 : vector<16xi32>
    %add3A_741 = vector.broadcast %add3A_723 : i32 to vector<16xi32>
    %add3A_742 = arith.addi %add3A_741, %sub3A_740 : vector<16xi32>
    %add3A_743 = vector.broadcast %sub3A_725 : i32 to vector<16xi32>
    %add3A_744 = arith.addi %add3A_743, %iota3A : vector<16xi32>
    %sub3A_745 = arith.subi %add3A_744, %sub3A_740 : vector<16xi32>
    tpu.vector_store_idx %arg7[%add3A_742], %add3A_733 masked %gt3A_736 : memref<512xi32, #tpu.memory_space<vmem>>[vector<16xi32>], vector<16xi32>, vector<16xi1>
    %not3A_746 = arith.constant dense<true> : vector<16xi1>
    %not3A_747 = arith.xori %gt3A_736, %not3A_746 : vector<16xi1>
    tpu.vector_store_idx %arg8[%sub3A_745], %add3A_733 masked %not3A_747 : memref<512xi32, #tpu.memory_space<vmem>>[vector<16xi32>], vector<16xi32>, vector<16xi1>
    %reduce_sum3A_748 = arith.constant true
    %reduce_sum3A_749 = vector.broadcast %reduce_sum3A_748 : i1 to vector<16xi1>
    %reduce_sum3A_750 = tpu.scan <sum>, %get3A_729 masked %reduce_sum3A_749 : vector<16xi32>, vector<16xi1> -> vector<16xi32>
    %reduce_sum3A_751 = vector.extract %reduce_sum3A_750[15] : i32 from vector<16xi32>
    %add3A_752 = arith.addi %add3A_723, %reduce_sum3A_751 : i32
    %sub3A_753 = arith.constant 368 : i32
    %sub3A_754 = arith.subi %sub3A_753, %add3A_752 : i32
    %add3A_755 = arith.constant 368 : i32
    %add3A_756 = arith.addi %mul3A_2, %add3A_755 : i32
    %get3A_757 = arith.index_cast %add3A_756 : i32 to index
    %get3A_758 = tpu.vector_load %arg6[%get3A_757] {strides = array<i32>} : memref<16384xi32, #tpu.memory_space<vmem>>, vector<16xi32>,
    %add3A_759 = arith.constant 368 : i32
    %add3A_760 = arith.addi %mul3A_2, %add3A_759 : i32
    %add3A_761 = vector.broadcast %add3A_760 : i32 to vector<16xi32>
    %add3A_762 = arith.addi %add3A_761, %iota3A : vector<16xi32>
    %gt3A_763 = arith.constant 0 : i32
    %gt3A_764 = vector.broadcast %gt3A_763 : i32 to vector<16xi32>
    %gt3A_765 = arith.cmpi sgt, %get3A_758, %gt3A_764 : vector<16xi32>
    %broadcast_in_dim3A_766 = arith.constant true
    %broadcast_in_dim3A_767 = vector.broadcast %broadcast_in_dim3A_766 : i1 to vector<16xi1>
    %masked_cumsum3A_768 = tpu.scan <sum>, %get3A_758 masked %broadcast_in_dim3A_767 : vector<16xi32>, vector<16xi1> -> vector<16xi32>
    %sub3A_769 = arith.subi %masked_cumsum3A_768, %get3A_758 : vector<16xi32>
    %add3A_770 = vector.broadcast %add3A_752 : i32 to vector<16xi32>
    %add3A_771 = arith.addi %add3A_770, %sub3A_769 : vector<16xi32>
    %add3A_772 = vector.broadcast %sub3A_754 : i32 to vector<16xi32>
    %add3A_773 = arith.addi %add3A_772, %iota3A : vector<16xi32>
    %sub3A_774 = arith.subi %add3A_773, %sub3A_769 : vector<16xi32>
    tpu.vector_store_idx %arg7[%add3A_771], %add3A_762 masked %gt3A_765 : memref<512xi32, #tpu.memory_space<vmem>>[vector<16xi32>], vector<16xi32>, vector<16xi1>
    %not3A_775 = arith.constant dense<true> : vector<16xi1>
    %not3A_776 = arith.xori %gt3A_765, %not3A_775 : vector<16xi1>
    tpu.vector_store_idx %arg8[%sub3A_774], %add3A_762 masked %not3A_776 : memref<512xi32, #tpu.memory_space<vmem>>[vector<16xi32>], vector<16xi32>, vector<16xi1>
    %reduce_sum3A_777 = arith.constant true
    %reduce_sum3A_778 = vector.broadcast %reduce_sum3A_777 : i1 to vector<16xi1>
    %reduce_sum3A_779 = tpu.scan <sum>, %get3A_758 masked %reduce_sum3A_778 : vector<16xi32>, vector<16xi1> -> vector<16xi32>
    %reduce_sum3A_780 = vector.extract %reduce_sum3A_779[15] : i32 from vector<16xi32>
    %add3A_781 = arith.addi %add3A_752, %reduce_sum3A_780 : i32
    %sub3A_782 = arith.constant 384 : i32
    %sub3A_783 = arith.subi %sub3A_782, %add3A_781 : i32
    %add3A_784 = arith.constant 384 : i32
    %add3A_785 = arith.addi %mul3A_2, %add3A_784 : i32
    %get3A_786 = arith.index_cast %add3A_785 : i32 to index
    %get3A_787 = tpu.vector_load %arg6[%get3A_786] {strides = array<i32>} : memref<16384xi32, #tpu.memory_space<vmem>>, vector<16xi32>,
    %add3A_788 = arith.constant 384 : i32
    %add3A_789 = arith.addi %mul3A_2, %add3A_788 : i32
    %add3A_790 = vector.broadcast %add3A_789 : i32 to vector<16xi32>
    %add3A_791 = arith.addi %add3A_790, %iota3A : vector<16xi32>
    %gt3A_792 = arith.constant 0 : i32
    %gt3A_793 = vector.broadcast %gt3A_792 : i32 to vector<16xi32>
    %gt3A_794 = arith.cmpi sgt, %get3A_787, %gt3A_793 : vector<16xi32>
    %broadcast_in_dim3A_795 = arith.constant true
    %broadcast_in_dim3A_796 = vector.broadcast %broadcast_in_dim3A_795 : i1 to vector<16xi1>
    %masked_cumsum3A_797 = tpu.scan <sum>, %get3A_787 masked %broadcast_in_dim3A_796 : vector<16xi32>, vector<16xi1> -> vector<16xi32>
    %sub3A_798 = arith.subi %masked_cumsum3A_797, %get3A_787 : vector<16xi32>
    %add3A_799 = vector.broadcast %add3A_781 : i32 to vector<16xi32>
    %add3A_800 = arith.addi %add3A_799, %sub3A_798 : vector<16xi32>
    %add3A_801 = vector.broadcast %sub3A_783 : i32 to vector<16xi32>
    %add3A_802 = arith.addi %add3A_801, %iota3A : vector<16xi32>
    %sub3A_803 = arith.subi %add3A_802, %sub3A_798 : vector<16xi32>
    tpu.vector_store_idx %arg7[%add3A_800], %add3A_791 masked %gt3A_794 : memref<512xi32, #tpu.memory_space<vmem>>[vector<16xi32>], vector<16xi32>, vector<16xi1>
    %not3A_804 = arith.constant dense<true> : vector<16xi1>
    %not3A_805 = arith.xori %gt3A_794, %not3A_804 : vector<16xi1>
    tpu.vector_store_idx %arg8[%sub3A_803], %add3A_791 masked %not3A_805 : memref<512xi32, #tpu.memory_space<vmem>>[vector<16xi32>], vector<16xi32>, vector<16xi1>
    %reduce_sum3A_806 = arith.constant true
    %reduce_sum3A_807 = vector.broadcast %reduce_sum3A_806 : i1 to vector<16xi1>
    %reduce_sum3A_808 = tpu.scan <sum>, %get3A_787 masked %reduce_sum3A_807 : vector<16xi32>, vector<16xi1> -> vector<16xi32>
    %reduce_sum3A_809 = vector.extract %reduce_sum3A_808[15] : i32 from vector<16xi32>
    %add3A_810 = arith.addi %add3A_781, %reduce_sum3A_809 : i32
    %sub3A_811 = arith.constant 400 : i32
    %sub3A_812 = arith.subi %sub3A_811, %add3A_810 : i32
    %add3A_813 = arith.constant 400 : i32
    %add3A_814 = arith.addi %mul3A_2, %add3A_813 : i32
    %get3A_815 = arith.index_cast %add3A_814 : i32 to index
    %get3A_816 = tpu.vector_load %arg6[%get3A_815] {strides = array<i32>} : memref<16384xi32, #tpu.memory_space<vmem>>, vector<16xi32>,
    %add3A_817 = arith.constant 400 : i32
    %add3A_818 = arith.addi %mul3A_2, %add3A_817 : i32
    %add3A_819 = vector.broadcast %add3A_818 : i32 to vector<16xi32>
    %add3A_820 = arith.addi %add3A_819, %iota3A : vector<16xi32>
    %gt3A_821 = arith.constant 0 : i32
    %gt3A_822 = vector.broadcast %gt3A_821 : i32 to vector<16xi32>
    %gt3A_823 = arith.cmpi sgt, %get3A_816, %gt3A_822 : vector<16xi32>
    %broadcast_in_dim3A_824 = arith.constant true
    %broadcast_in_dim3A_825 = vector.broadcast %broadcast_in_dim3A_824 : i1 to vector<16xi1>
    %masked_cumsum3A_826 = tpu.scan <sum>, %get3A_816 masked %broadcast_in_dim3A_825 : vector<16xi32>, vector<16xi1> -> vector<16xi32>
    %sub3A_827 = arith.subi %masked_cumsum3A_826, %get3A_816 : vector<16xi32>
    %add3A_828 = vector.broadcast %add3A_810 : i32 to vector<16xi32>
    %add3A_829 = arith.addi %add3A_828, %sub3A_827 : vector<16xi32>
    %add3A_830 = vector.broadcast %sub3A_812 : i32 to vector<16xi32>
    %add3A_831 = arith.addi %add3A_830, %iota3A : vector<16xi32>
    %sub3A_832 = arith.subi %add3A_831, %sub3A_827 : vector<16xi32>
    tpu.vector_store_idx %arg7[%add3A_829], %add3A_820 masked %gt3A_823 : memref<512xi32, #tpu.memory_space<vmem>>[vector<16xi32>], vector<16xi32>, vector<16xi1>
    %not3A_833 = arith.constant dense<true> : vector<16xi1>
    %not3A_834 = arith.xori %gt3A_823, %not3A_833 : vector<16xi1>
    tpu.vector_store_idx %arg8[%sub3A_832], %add3A_820 masked %not3A_834 : memref<512xi32, #tpu.memory_space<vmem>>[vector<16xi32>], vector<16xi32>, vector<16xi1>
    %reduce_sum3A_835 = arith.constant true
    %reduce_sum3A_836 = vector.broadcast %reduce_sum3A_835 : i1 to vector<16xi1>
    %reduce_sum3A_837 = tpu.scan <sum>, %get3A_816 masked %reduce_sum3A_836 : vector<16xi32>, vector<16xi1> -> vector<16xi32>
    %reduce_sum3A_838 = vector.extract %reduce_sum3A_837[15] : i32 from vector<16xi32>
    %add3A_839 = arith.addi %add3A_810, %reduce_sum3A_838 : i32
    %sub3A_840 = arith.constant 416 : i32
    %sub3A_841 = arith.subi %sub3A_840, %add3A_839 : i32
    %add3A_842 = arith.constant 416 : i32
    %add3A_843 = arith.addi %mul3A_2, %add3A_842 : i32
    %get3A_844 = arith.index_cast %add3A_843 : i32 to index
    %get3A_845 = tpu.vector_load %arg6[%get3A_844] {strides = array<i32>} : memref<16384xi32, #tpu.memory_space<vmem>>, vector<16xi32>,
    %add3A_846 = arith.constant 416 : i32
    %add3A_847 = arith.addi %mul3A_2, %add3A_846 : i32
    %add3A_848 = vector.broadcast %add3A_847 : i32 to vector<16xi32>
    %add3A_849 = arith.addi %add3A_848, %iota3A : vector<16xi32>
    %gt3A_850 = arith.constant 0 : i32
    %gt3A_851 = vector.broadcast %gt3A_850 : i32 to vector<16xi32>
    %gt3A_852 = arith.cmpi sgt, %get3A_845, %gt3A_851 : vector<16xi32>
    %broadcast_in_dim3A_853 = arith.constant true
    %broadcast_in_dim3A_854 = vector.broadcast %broadcast_in_dim3A_853 : i1 to vector<16xi1>
    %masked_cumsum3A_855 = tpu.scan <sum>, %get3A_845 masked %broadcast_in_dim3A_854 : vector<16xi32>, vector<16xi1> -> vector<16xi32>
    %sub3A_856 = arith.subi %masked_cumsum3A_855, %get3A_845 : vector<16xi32>
    %add3A_857 = vector.broadcast %add3A_839 : i32 to vector<16xi32>
    %add3A_858 = arith.addi %add3A_857, %sub3A_856 : vector<16xi32>
    %add3A_859 = vector.broadcast %sub3A_841 : i32 to vector<16xi32>
    %add3A_860 = arith.addi %add3A_859, %iota3A : vector<16xi32>
    %sub3A_861 = arith.subi %add3A_860, %sub3A_856 : vector<16xi32>
    tpu.vector_store_idx %arg7[%add3A_858], %add3A_849 masked %gt3A_852 : memref<512xi32, #tpu.memory_space<vmem>>[vector<16xi32>], vector<16xi32>, vector<16xi1>
    %not3A_862 = arith.constant dense<true> : vector<16xi1>
    %not3A_863 = arith.xori %gt3A_852, %not3A_862 : vector<16xi1>
    tpu.vector_store_idx %arg8[%sub3A_861], %add3A_849 masked %not3A_863 : memref<512xi32, #tpu.memory_space<vmem>>[vector<16xi32>], vector<16xi32>, vector<16xi1>
    %reduce_sum3A_864 = arith.constant true
    %reduce_sum3A_865 = vector.broadcast %reduce_sum3A_864 : i1 to vector<16xi1>
    %reduce_sum3A_866 = tpu.scan <sum>, %get3A_845 masked %reduce_sum3A_865 : vector<16xi32>, vector<16xi1> -> vector<16xi32>
    %reduce_sum3A_867 = vector.extract %reduce_sum3A_866[15] : i32 from vector<16xi32>
    %add3A_868 = arith.addi %add3A_839, %reduce_sum3A_867 : i32
    %sub3A_869 = arith.constant 432 : i32
    %sub3A_870 = arith.subi %sub3A_869, %add3A_868 : i32
    %add3A_871 = arith.constant 432 : i32
    %add3A_872 = arith.addi %mul3A_2, %add3A_871 : i32
    %get3A_873 = arith.index_cast %add3A_872 : i32 to index
    %get3A_874 = tpu.vector_load %arg6[%get3A_873] {strides = array<i32>} : memref<16384xi32, #tpu.memory_space<vmem>>, vector<16xi32>,
    %add3A_875 = arith.constant 432 : i32
    %add3A_876 = arith.addi %mul3A_2, %add3A_875 : i32
    %add3A_877 = vector.broadcast %add3A_876 : i32 to vector<16xi32>
    %add3A_878 = arith.addi %add3A_877, %iota3A : vector<16xi32>
    %gt3A_879 = arith.constant 0 : i32
    %gt3A_880 = vector.broadcast %gt3A_879 : i32 to vector<16xi32>
    %gt3A_881 = arith.cmpi sgt, %get3A_874, %gt3A_880 : vector<16xi32>
    %broadcast_in_dim3A_882 = arith.constant true
    %broadcast_in_dim3A_883 = vector.broadcast %broadcast_in_dim3A_882 : i1 to vector<16xi1>
    %masked_cumsum3A_884 = tpu.scan <sum>, %get3A_874 masked %broadcast_in_dim3A_883 : vector<16xi32>, vector<16xi1> -> vector<16xi32>
    %sub3A_885 = arith.subi %masked_cumsum3A_884, %get3A_874 : vector<16xi32>
    %add3A_886 = vector.broadcast %add3A_868 : i32 to vector<16xi32>
    %add3A_887 = arith.addi %add3A_886, %sub3A_885 : vector<16xi32>
    %add3A_888 = vector.broadcast %sub3A_870 : i32 to vector<16xi32>
    %add3A_889 = arith.addi %add3A_888, %iota3A : vector<16xi32>
    %sub3A_890 = arith.subi %add3A_889, %sub3A_885 : vector<16xi32>
    tpu.vector_store_idx %arg7[%add3A_887], %add3A_878 masked %gt3A_881 : memref<512xi32, #tpu.memory_space<vmem>>[vector<16xi32>], vector<16xi32>, vector<16xi1>
    %not3A_891 = arith.constant dense<true> : vector<16xi1>
    %not3A_892 = arith.xori %gt3A_881, %not3A_891 : vector<16xi1>
    tpu.vector_store_idx %arg8[%sub3A_890], %add3A_878 masked %not3A_892 : memref<512xi32, #tpu.memory_space<vmem>>[vector<16xi32>], vector<16xi32>, vector<16xi1>
    %reduce_sum3A_893 = arith.constant true
    %reduce_sum3A_894 = vector.broadcast %reduce_sum3A_893 : i1 to vector<16xi1>
    %reduce_sum3A_895 = tpu.scan <sum>, %get3A_874 masked %reduce_sum3A_894 : vector<16xi32>, vector<16xi1> -> vector<16xi32>
    %reduce_sum3A_896 = vector.extract %reduce_sum3A_895[15] : i32 from vector<16xi32>
    %add3A_897 = arith.addi %add3A_868, %reduce_sum3A_896 : i32
    %sub3A_898 = arith.constant 448 : i32
    %sub3A_899 = arith.subi %sub3A_898, %add3A_897 : i32
    %add3A_900 = arith.constant 448 : i32
    %add3A_901 = arith.addi %mul3A_2, %add3A_900 : i32
    %get3A_902 = arith.index_cast %add3A_901 : i32 to index
    %get3A_903 = tpu.vector_load %arg6[%get3A_902] {strides = array<i32>} : memref<16384xi32, #tpu.memory_space<vmem>>, vector<16xi32>,
    %add3A_904 = arith.constant 448 : i32
    %add3A_905 = arith.addi %mul3A_2, %add3A_904 : i32
    %add3A_906 = vector.broadcast %add3A_905 : i32 to vector<16xi32>
    %add3A_907 = arith.addi %add3A_906, %iota3A : vector<16xi32>
    %gt3A_908 = arith.constant 0 : i32
    %gt3A_909 = vector.broadcast %gt3A_908 : i32 to vector<16xi32>
    %gt3A_910 = arith.cmpi sgt, %get3A_903, %gt3A_909 : vector<16xi32>
    %broadcast_in_dim3A_911 = arith.constant true
    %broadcast_in_dim3A_912 = vector.broadcast %broadcast_in_dim3A_911 : i1 to vector<16xi1>
    %masked_cumsum3A_913 = tpu.scan <sum>, %get3A_903 masked %broadcast_in_dim3A_912 : vector<16xi32>, vector<16xi1> -> vector<16xi32>
    %sub3A_914 = arith.subi %masked_cumsum3A_913, %get3A_903 : vector<16xi32>
    %add3A_915 = vector.broadcast %add3A_897 : i32 to vector<16xi32>
    %add3A_916 = arith.addi %add3A_915, %sub3A_914 : vector<16xi32>
    %add3A_917 = vector.broadcast %sub3A_899 : i32 to vector<16xi32>
    %add3A_918 = arith.addi %add3A_917, %iota3A : vector<16xi32>
    %sub3A_919 = arith.subi %add3A_918, %sub3A_914 : vector<16xi32>
    tpu.vector_store_idx %arg7[%add3A_916], %add3A_907 masked %gt3A_910 : memref<512xi32, #tpu.memory_space<vmem>>[vector<16xi32>], vector<16xi32>, vector<16xi1>
    %not3A_920 = arith.constant dense<true> : vector<16xi1>
    %not3A_921 = arith.xori %gt3A_910, %not3A_920 : vector<16xi1>
    tpu.vector_store_idx %arg8[%sub3A_919], %add3A_907 masked %not3A_921 : memref<512xi32, #tpu.memory_space<vmem>>[vector<16xi32>], vector<16xi32>, vector<16xi1>
    %reduce_sum3A_922 = arith.constant true
    %reduce_sum3A_923 = vector.broadcast %reduce_sum3A_922 : i1 to vector<16xi1>
    %reduce_sum3A_924 = tpu.scan <sum>, %get3A_903 masked %reduce_sum3A_923 : vector<16xi32>, vector<16xi1> -> vector<16xi32>
    %reduce_sum3A_925 = vector.extract %reduce_sum3A_924[15] : i32 from vector<16xi32>
    %add3A_926 = arith.addi %add3A_897, %reduce_sum3A_925 : i32
    %sub3A_927 = arith.constant 464 : i32
    %sub3A_928 = arith.subi %sub3A_927, %add3A_926 : i32
    %add3A_929 = arith.constant 464 : i32
    %add3A_930 = arith.addi %mul3A_2, %add3A_929 : i32
    %get3A_931 = arith.index_cast %add3A_930 : i32 to index
    %get3A_932 = tpu.vector_load %arg6[%get3A_931] {strides = array<i32>} : memref<16384xi32, #tpu.memory_space<vmem>>, vector<16xi32>,
    %add3A_933 = arith.constant 464 : i32
    %add3A_934 = arith.addi %mul3A_2, %add3A_933 : i32
    %add3A_935 = vector.broadcast %add3A_934 : i32 to vector<16xi32>
    %add3A_936 = arith.addi %add3A_935, %iota3A : vector<16xi32>
    %gt3A_937 = arith.constant 0 : i32
    %gt3A_938 = vector.broadcast %gt3A_937 : i32 to vector<16xi32>
    %gt3A_939 = arith.cmpi sgt, %get3A_932, %gt3A_938 : vector<16xi32>
    %broadcast_in_dim3A_940 = arith.constant true
    %broadcast_in_dim3A_941 = vector.broadcast %broadcast_in_dim3A_940 : i1 to vector<16xi1>
    %masked_cumsum3A_942 = tpu.scan <sum>, %get3A_932 masked %broadcast_in_dim3A_941 : vector<16xi32>, vector<16xi1> -> vector<16xi32>
    %sub3A_943 = arith.subi %masked_cumsum3A_942, %get3A_932 : vector<16xi32>
    %add3A_944 = vector.broadcast %add3A_926 : i32 to vector<16xi32>
    %add3A_945 = arith.addi %add3A_944, %sub3A_943 : vector<16xi32>
    %add3A_946 = vector.broadcast %sub3A_928 : i32 to vector<16xi32>
    %add3A_947 = arith.addi %add3A_946, %iota3A : vector<16xi32>
    %sub3A_948 = arith.subi %add3A_947, %sub3A_943 : vector<16xi32>
    tpu.vector_store_idx %arg7[%add3A_945], %add3A_936 masked %gt3A_939 : memref<512xi32, #tpu.memory_space<vmem>>[vector<16xi32>], vector<16xi32>, vector<16xi1>
    %not3A_949 = arith.constant dense<true> : vector<16xi1>
    %not3A_950 = arith.xori %gt3A_939, %not3A_949 : vector<16xi1>
    tpu.vector_store_idx %arg8[%sub3A_948], %add3A_936 masked %not3A_950 : memref<512xi32, #tpu.memory_space<vmem>>[vector<16xi32>], vector<16xi32>, vector<16xi1>
    %reduce_sum3A_951 = arith.constant true
    %reduce_sum3A_952 = vector.broadcast %reduce_sum3A_951 : i1 to vector<16xi1>
    %reduce_sum3A_953 = tpu.scan <sum>, %get3A_932 masked %reduce_sum3A_952 : vector<16xi32>, vector<16xi1> -> vector<16xi32>
    %reduce_sum3A_954 = vector.extract %reduce_sum3A_953[15] : i32 from vector<16xi32>
    %add3A_955 = arith.addi %add3A_926, %reduce_sum3A_954 : i32
    %sub3A_956 = arith.constant 480 : i32
    %sub3A_957 = arith.subi %sub3A_956, %add3A_955 : i32
    %add3A_958 = arith.constant 480 : i32
    %add3A_959 = arith.addi %mul3A_2, %add3A_958 : i32
    %get3A_960 = arith.index_cast %add3A_959 : i32 to index
    %get3A_961 = tpu.vector_load %arg6[%get3A_960] {strides = array<i32>} : memref<16384xi32, #tpu.memory_space<vmem>>, vector<16xi32>,
    %add3A_962 = arith.constant 480 : i32
    %add3A_963 = arith.addi %mul3A_2, %add3A_962 : i32
    %add3A_964 = vector.broadcast %add3A_963 : i32 to vector<16xi32>
    %add3A_965 = arith.addi %add3A_964, %iota3A : vector<16xi32>
    %gt3A_966 = arith.constant 0 : i32
    %gt3A_967 = vector.broadcast %gt3A_966 : i32 to vector<16xi32>
    %gt3A_968 = arith.cmpi sgt, %get3A_961, %gt3A_967 : vector<16xi32>
    %broadcast_in_dim3A_969 = arith.constant true
    %broadcast_in_dim3A_970 = vector.broadcast %broadcast_in_dim3A_969 : i1 to vector<16xi1>
    %masked_cumsum3A_971 = tpu.scan <sum>, %get3A_961 masked %broadcast_in_dim3A_970 : vector<16xi32>, vector<16xi1> -> vector<16xi32>
    %sub3A_972 = arith.subi %masked_cumsum3A_971, %get3A_961 : vector<16xi32>
    %add3A_973 = vector.broadcast %add3A_955 : i32 to vector<16xi32>
    %add3A_974 = arith.addi %add3A_973, %sub3A_972 : vector<16xi32>
    %add3A_975 = vector.broadcast %sub3A_957 : i32 to vector<16xi32>
    %add3A_976 = arith.addi %add3A_975, %iota3A : vector<16xi32>
    %sub3A_977 = arith.subi %add3A_976, %sub3A_972 : vector<16xi32>
    tpu.vector_store_idx %arg7[%add3A_974], %add3A_965 masked %gt3A_968 : memref<512xi32, #tpu.memory_space<vmem>>[vector<16xi32>], vector<16xi32>, vector<16xi1>
    %not3A_978 = arith.constant dense<true> : vector<16xi1>
    %not3A_979 = arith.xori %gt3A_968, %not3A_978 : vector<16xi1>
    tpu.vector_store_idx %arg8[%sub3A_977], %add3A_965 masked %not3A_979 : memref<512xi32, #tpu.memory_space<vmem>>[vector<16xi32>], vector<16xi32>, vector<16xi1>
    %reduce_sum3A_980 = arith.constant true
    %reduce_sum3A_981 = vector.broadcast %reduce_sum3A_980 : i1 to vector<16xi1>
    %reduce_sum3A_982 = tpu.scan <sum>, %get3A_961 masked %reduce_sum3A_981 : vector<16xi32>, vector<16xi1> -> vector<16xi32>
    %reduce_sum3A_983 = vector.extract %reduce_sum3A_982[15] : i32 from vector<16xi32>
    %add3A_984 = arith.addi %add3A_955, %reduce_sum3A_983 : i32
    %sub3A_985 = arith.constant 496 : i32
    %sub3A_986 = arith.subi %sub3A_985, %add3A_984 : i32
    %add3A_987 = arith.constant 496 : i32
    %add3A_988 = arith.addi %mul3A_2, %add3A_987 : i32
    %get3A_989 = arith.index_cast %add3A_988 : i32 to index
    %get3A_990 = tpu.vector_load %arg6[%get3A_989] {strides = array<i32>} : memref<16384xi32, #tpu.memory_space<vmem>>, vector<16xi32>,
    %add3A_991 = arith.constant 496 : i32
    %add3A_992 = arith.addi %mul3A_2, %add3A_991 : i32
    %add3A_993 = vector.broadcast %add3A_992 : i32 to vector<16xi32>
    %add3A_994 = arith.addi %add3A_993, %iota3A : vector<16xi32>
    %gt3A_995 = arith.constant 0 : i32
    %gt3A_996 = vector.broadcast %gt3A_995 : i32 to vector<16xi32>
    %gt3A_997 = arith.cmpi sgt, %get3A_990, %gt3A_996 : vector<16xi32>
    %broadcast_in_dim3A_998 = arith.constant true
    %broadcast_in_dim3A_999 = vector.broadcast %broadcast_in_dim3A_998 : i1 to vector<16xi1>
    %masked_cumsum3A_1000 = tpu.scan <sum>, %get3A_990 masked %broadcast_in_dim3A_999 : vector<16xi32>, vector<16xi1> -> vector<16xi32>
    %sub3A_1001 = arith.subi %masked_cumsum3A_1000, %get3A_990 : vector<16xi32>
    %add3A_1002 = vector.broadcast %add3A_984 : i32 to vector<16xi32>
    %add3A_1003 = arith.addi %add3A_1002, %sub3A_1001 : vector<16xi32>
    %add3A_1004 = vector.broadcast %sub3A_986 : i32 to vector<16xi32>
    %add3A_1005 = arith.addi %add3A_1004, %iota3A : vector<16xi32>
    %sub3A_1006 = arith.subi %add3A_1005, %sub3A_1001 : vector<16xi32>
    tpu.vector_store_idx %arg7[%add3A_1003], %add3A_994 masked %gt3A_997 : memref<512xi32, #tpu.memory_space<vmem>>[vector<16xi32>], vector<16xi32>, vector<16xi1>
    %not3A_1007 = arith.constant dense<true> : vector<16xi1>
    %not3A_1008 = arith.xori %gt3A_997, %not3A_1007 : vector<16xi1>
    tpu.vector_store_idx %arg8[%sub3A_1006], %add3A_994 masked %not3A_1008 : memref<512xi32, #tpu.memory_space<vmem>>[vector<16xi32>], vector<16xi32>, vector<16xi1>
    %reduce_sum3A_1009 = arith.constant true
    %reduce_sum3A_1010 = vector.broadcast %reduce_sum3A_1009 : i1 to vector<16xi1>
    %reduce_sum3A_1011 = tpu.scan <sum>, %get3A_990 masked %reduce_sum3A_1010 : vector<16xi32>, vector<16xi1> -> vector<16xi32>
    %reduce_sum3A_1012 = vector.extract %reduce_sum3A_1011[15] : i32 from vector<16xi32>
    %add3A_1013 = arith.addi %add3A_984, %reduce_sum3A_1012 : i32
    %sub3A_1014 = arith.constant 512 : i32
    %sub3A_1015 = arith.subi %sub3A_1014, %add3A_1013 : i32
    %get3A_1016 = arith.constant 0 : index
    %get3A_1017 = tpu.vector_load %arg8[%get3A_1016] {strides = array<i32>} : memref<512xi32, #tpu.memory_space<vmem>>, vector<16xi32>,
    %reduce_min3A = arith.constant true
    %reduce_min3A_1018 = vector.broadcast %reduce_min3A : i1 to vector<16xi1>
    %reduce_min3A_1019 = arith.constant -2147483648 : i32
    %reduce_min3A_1020 = vector.broadcast %reduce_min3A_1019 : i32 to vector<16xi32>
    %reduce_min3A_1021 = arith.xori %get3A_1017, %reduce_min3A_1020 : vector<16xi32>
    %reduce_min3A_1022 = tpu.scan <min>, %reduce_min3A_1021 masked %reduce_min3A_1018 : vector<16xi32>, vector<16xi1> -> vector<16xi32>
    %reduce_min3A_1023 = arith.xori %reduce_min3A_1022, %reduce_min3A_1020 : vector<16xi32>
    %reduce_min3A_1024 = vector.extract %reduce_min3A_1023[15] : i32 from vector<16xi32>
    %add3A_1025 = arith.constant 16 : i32
    %add3A_1026 = arith.addi %sub3A_1015, %add3A_1025 : i32
    %sub3A_1027 = arith.constant 1 : i32
    %sub3A_1028 = arith.subi %add3A_1026, %sub3A_1027 : i32
    %jit3A = arith.constant 16 : i32
    %div3A = arith.divsi %sub3A_1028, %jit3A : i32
    %sign3A = arith.constant 0 : i32
    %sign3A_1029 = arith.cmpi sgt, %sub3A_1028, %sign3A : i32
    %sign3A_1030 = arith.extui %sign3A_1029 : i1 to i32
    %sign3A_1031 = arith.constant 0 : i32
    %sign3A_1032 = arith.cmpi slt, %sub3A_1028, %sign3A_1031 : i32
    %sign3A_1033 = arith.extui %sign3A_1032 : i1 to i32
    %sign3A_1034 = arith.subi %sign3A_1030, %sign3A_1033 : i32
    %sign3A_1035 = arith.constant 0 : i32
    %sign3A_1036 = arith.cmpi sgt, %jit3A, %sign3A_1035 : i32
    %sign3A_1037 = arith.extui %sign3A_1036 : i1 to i32
    %sign3A_1038 = arith.constant 0 : i32
    %sign3A_1039 = arith.cmpi slt, %jit3A, %sign3A_1038 : i32
    %sign3A_1040 = arith.extui %sign3A_1039 : i1 to i32
    %sign3A_1041 = arith.subi %sign3A_1037, %sign3A_1040 : i32
    %ne3A = arith.cmpi ne, %sign3A_1034, %sign3A_1041 : i32
    %rem3A = arith.remsi %sub3A_1028, %jit3A : i32
    %ne3A_1042 = arith.constant 0 : i32
    %ne3A_1043 = arith.cmpi ne, %rem3A, %ne3A_1042 : i32
    %and3A = arith.andi %ne3A, %ne3A_1043 : i1
    %sub3A_1044 = arith.constant 1 : i32
    %sub3A_1045 = arith.subi %div3A, %sub3A_1044 : i32
    %select_n3A = arith.select %and3A, %sub3A_1045, %div3A : i32
    %add3A_1046 = arith.constant 16 : i32
    %add3A_1047 = arith.addi %add3A_1013, %add3A_1046 : i32
    %sub3A_1048 = arith.constant 1 : i32
    %sub3A_1049 = arith.subi %add3A_1047, %sub3A_1048 : i32
    %jit3A_1050 = arith.constant 16 : i32
    %div3A_1051 = arith.divsi %sub3A_1049, %jit3A_1050 : i32
    %sign3A_1052 = arith.constant 0 : i32
    %sign3A_1053 = arith.cmpi sgt, %sub3A_1049, %sign3A_1052 : i32
    %sign3A_1054 = arith.extui %sign3A_1053 : i1 to i32
    %sign3A_1055 = arith.constant 0 : i32
    %sign3A_1056 = arith.cmpi slt, %sub3A_1049, %sign3A_1055 : i32
    %sign3A_1057 = arith.extui %sign3A_1056 : i1 to i32
    %sign3A_1058 = arith.subi %sign3A_1054, %sign3A_1057 : i32
    %sign3A_1059 = arith.constant 0 : i32
    %sign3A_1060 = arith.cmpi sgt, %jit3A_1050, %sign3A_1059 : i32
    %sign3A_1061 = arith.extui %sign3A_1060 : i1 to i32
    %sign3A_1062 = arith.constant 0 : i32
    %sign3A_1063 = arith.cmpi slt, %jit3A_1050, %sign3A_1062 : i32
    %sign3A_1064 = arith.extui %sign3A_1063 : i1 to i32
    %sign3A_1065 = arith.subi %sign3A_1061, %sign3A_1064 : i32
    %ne3A_1066 = arith.cmpi ne, %sign3A_1058, %sign3A_1065 : i32
    %rem3A_1067 = arith.remsi %sub3A_1049, %jit3A_1050 : i32
    %ne3A_1068 = arith.constant 0 : i32
    %ne3A_1069 = arith.cmpi ne, %rem3A_1067, %ne3A_1068 : i32
    %and3A_1070 = arith.andi %ne3A_1066, %ne3A_1069 : i1
    %sub3A_1071 = arith.constant 1 : i32
    %sub3A_1072 = arith.subi %div3A_1051, %sub3A_1071 : i32
    %select_n3A_1073 = arith.select %and3A_1070, %sub3A_1072, %div3A_1051 : i32
    %add3A_1074 = arith.addi %select_n3A, %select_n3A_1073 : i32
    %add3A_1075 = arith.constant 3 : i32
    %add3A_1076 = arith.addi %add3A_1074, %add3A_1075 : i32
    %sub3A_1077 = arith.constant 1 : i32
    %sub3A_1078 = arith.subi %add3A_1076, %sub3A_1077 : i32
    %jit3A_1079 = arith.constant 3 : i32
    %div3A_1080 = arith.divsi %sub3A_1078, %jit3A_1079 : i32
    %sign3A_1081 = arith.constant 0 : i32
    %sign3A_1082 = arith.cmpi sgt, %sub3A_1078, %sign3A_1081 : i32
    %sign3A_1083 = arith.extui %sign3A_1082 : i1 to i32
    %sign3A_1084 = arith.constant 0 : i32
    %sign3A_1085 = arith.cmpi slt, %sub3A_1078, %sign3A_1084 : i32
    %sign3A_1086 = arith.extui %sign3A_1085 : i1 to i32
    %sign3A_1087 = arith.subi %sign3A_1083, %sign3A_1086 : i32
    %sign3A_1088 = arith.constant 0 : i32
    %sign3A_1089 = arith.cmpi sgt, %jit3A_1079, %sign3A_1088 : i32
    %sign3A_1090 = arith.extui %sign3A_1089 : i1 to i32
    %sign3A_1091 = arith.constant 0 : i32
    %sign3A_1092 = arith.cmpi slt, %jit3A_1079, %sign3A_1091 : i32
    %sign3A_1093 = arith.extui %sign3A_1092 : i1 to i32
    %sign3A_1094 = arith.subi %sign3A_1090, %sign3A_1093 : i32
    %ne3A_1095 = arith.cmpi ne, %sign3A_1087, %sign3A_1094 : i32
    %rem3A_1096 = arith.remsi %sub3A_1078, %jit3A_1079 : i32
    %ne3A_1097 = arith.constant 0 : i32
    %ne3A_1098 = arith.cmpi ne, %rem3A_1096, %ne3A_1097 : i32
    %and3A_1099 = arith.andi %ne3A_1095, %ne3A_1098 : i1
    %sub3A_1100 = arith.constant 1 : i32
    %sub3A_1101 = arith.subi %div3A_1080, %sub3A_1100 : i32
    %select_n3A_1102 = arith.select %and3A_1099, %sub3A_1101, %div3A_1080 : i32
    %while3A_1103 = arith.constant 0 : i32
    %while3A_1104 = arith.constant 0 : i32
    %while3A_1105 = arith.subi %select_n3A_1102, %while3A_1104 : i32
    %while3A_1106 = arith.addi %while3A_1104, %while3A_1105 : i32
    %while3A_1107 = arith.constant 1 : i32
    %while3A_1108 = arith.divsi %while3A_1105, %while3A_1107 : i32
    %while3A_1109 = arith.muli %while3A_1108, %while3A_1107 : i32
    %while3A_1110 = arith.addi %while3A_1104, %while3A_1109 : i32
    %while3A_1111 = arith.constant 1 : i32
    scf.for %while3A_1126 = %while3A_1104 to %while3A_1110 step %while3A_1111  : i32 {
      %mul3A_1127 = arith.constant 3 : i32
      %mul3A_1128 = arith.muli %while3A_1126, %mul3A_1127 : i32
      %add3A_1129 = arith.constant 0 : i32
      %add3A_1130 = arith.addi %mul3A_1128, %add3A_1129 : i32
      %lt3A = arith.cmpi slt, %add3A_1130, %add3A_1074 : i32
      %convert_element_type3A_1131 = arith.extui %lt3A : i1 to i32
      %cond3A_1132 = arith.constant 0 : i32
      %cond3A_1133 = arith.cmpi ne, %convert_element_type3A_1131, %cond3A_1132 : i32
      scf.if %cond3A_1133 {
        %ge3A = arith.constant 3 : i32
        %ge3A_1164 = arith.cmpi sge, %add3A_1130, %ge3A : i32
        %convert_element_type3A_1165 = arith.extui %ge3A_1164 : i1 to i32
        %cond3A_1166 = arith.constant 0 : i32
        %cond3A_1167 = arith.cmpi ne, %convert_element_type3A_1165, %cond3A_1166 : i32
        scf.if %cond3A_1167 {
          %dma_wait3A = arith.constant 0 : i32
          %dma_wait3A_1176 = arith.constant 0 : i32
          %dma_wait3A_1177 = tpu.memref_slice %arg2[%dma_wait3A, %dma_wait3A_1176] : memref<16384x2048xf32, #tpu.memory_space<hbm>> -> memref<16x2048xf32, #tpu.memory_space<hbm>>
          %dma_wait3A_1178 = arith.constant 0 : i32
          %dma_wait3A_1179 = arith.constant 0 : i32
          %dma_wait3A_1180 = tpu.memref_slice %arg2[%dma_wait3A_1178, %dma_wait3A_1179] : memref<16384x2048xf32, #tpu.memory_space<hbm>> -> memref<16x2048xf32, #tpu.memory_space<hbm>>
          tpu.wait_dma2 semaphore(%arg15 : memref<!tpu.dma_semaphore, #tpu.memory_space<semaphore_mem>>) src(%dma_wait3A_1180 : memref<16x2048xf32, #tpu.memory_space<hbm>>) dst(%arg9 : memref<16x2048xf32, #tpu.memory_space<vmem>>)
        } else {
        }
        %lt3A_1168 = arith.cmpi slt, %add3A_1130, %select_n3A : i32
        %convert_element_type3A_1169 = arith.extui %lt3A_1168 : i1 to i32
        %cond3A_1170 = arith.constant 0 : i32
        %cond3A_1171 = arith.cmpi ne, %convert_element_type3A_1169, %cond3A_1170 : i32
        scf.if %cond3A_1171 {
          %sub3A_1176 = arith.constant 1 : i32
          %sub3A_1177 = arith.subi %select_n3A, %sub3A_1176 : i32
          %min3A = arith.minsi %add3A_1130, %sub3A_1177 : i32
          %max3A = arith.constant 0 : i32
          %max3A_1178 = arith.maxsi %min3A, %max3A : i32
          %mul3A_1179 = arith.constant 16 : i32
          %mul3A_1180 = arith.muli %max3A_1178, %mul3A_1179 : i32
          %get3A_1181 = arith.index_cast %mul3A_1180 : i32 to index
          %get3A_1182 = tpu.vector_load %arg8[%get3A_1181] {strides = array<i32>} : memref<512xi32, #tpu.memory_space<vmem>>, vector<16xi32>,
          %mul3A_1183 = arith.constant 16 : i32
          %mul3A_1184 = arith.muli %max3A_1178, %mul3A_1183 : i32
          %add3A_1185 = vector.broadcast %mul3A_1184 : i32 to vector<16xi32>
          %add3A_1186 = arith.addi %add3A_1185, %iota3A : vector<16xi32>
          %lt3A_1187 = vector.broadcast %sub3A_1015 : i32 to vector<16xi32>
          %lt3A_1188 = arith.cmpi slt, %add3A_1186, %lt3A_1187 : vector<16xi32>
          %broadcast_in_dim3A_1189 = vector.broadcast %reduce_min3A_1024 : i32 to vector<16xi32>
          %select_n3A_1190 = arith.select %lt3A_1188, %get3A_1182, %broadcast_in_dim3A_1189 : vector<16xi1>, vector<16xi32>
          %dma_start3A = arith.constant 0 : i32
          %dma_start3A_1191 = arith.constant 0 : i32
          %dma_start3A_1192 = tpu.memref_slice %arg2[%dma_start3A, %dma_start3A_1191] : memref<16384x2048xf32, #tpu.memory_space<hbm>> -> memref<16384x2048xf32, #tpu.memory_space<hbm>>
          tpu.enqueue_indirect_dma source(%dma_start3A_1192 : memref<16384x2048xf32, #tpu.memory_space<hbm>>) target(%arg9 : memref<16x2048xf32, #tpu.memory_space<vmem>>) offsets(%select_n3A_1190 : vector<16xi32>) semaphore(%arg12 : memref<!tpu.dma_semaphore, #tpu.memory_space<semaphore_mem>>)
        } else {
        }
        %ge3A_1172 = arith.cmpi sge, %add3A_1130, %select_n3A : i32
        %convert_element_type3A_1173 = arith.extui %ge3A_1172 : i1 to i32
        %cond3A_1174 = arith.constant 0 : i32
        %cond3A_1175 = arith.cmpi ne, %convert_element_type3A_1173, %cond3A_1174 : i32
        scf.if %cond3A_1175 {
          %sub3A_1176 = arith.subi %add3A_1130, %select_n3A : i32
          %sub3A_1177 = arith.constant 1 : i32
          %sub3A_1178 = arith.subi %select_n3A_1073, %sub3A_1177 : i32
          %min3A = arith.minsi %sub3A_1176, %sub3A_1178 : i32
          %max3A = arith.constant 0 : i32
          %max3A_1179 = arith.maxsi %min3A, %max3A : i32
          %mul3A_1180 = arith.constant 16 : i32
          %mul3A_1181 = arith.muli %max3A_1179, %mul3A_1180 : i32
          %add3A_1182 = vector.broadcast %mul3A_1181 : i32 to vector<16xi32>
          %add3A_1183 = arith.addi %add3A_1182, %iota3A : vector<16xi32>
          %lt3A_1184 = vector.broadcast %add3A_1013 : i32 to vector<16xi32>
          %lt3A_1185 = arith.cmpi slt, %add3A_1183, %lt3A_1184 : vector<16xi32>
          %add3A_1186 = vector.broadcast %reduce_sum3A_21 : i32 to vector<16xi32>
          %add3A_1187 = arith.addi %add3A_1186, %add3A_1183 : vector<16xi32>
          %add3A_1188 = arith.addi %reduce_sum3A_21, %add3A_1013 : i32
          %sub3A_1189 = arith.constant 1 : i32
          %sub3A_1190 = arith.subi %add3A_1188, %sub3A_1189 : i32
          %broadcast_in_dim3A_1191 = vector.broadcast %sub3A_1190 : i32 to vector<16xi32>
          %select_n3A_1192 = arith.select %lt3A_1185, %add3A_1187, %broadcast_in_dim3A_1191 : vector<16xi1>, vector<16xi32>
          %dma_start3A = arith.constant 0 : i32
          %dma_start3A_1193 = arith.constant 0 : i32
          %dma_start3A_1194 = tpu.memref_slice %arg4[%dma_start3A, %dma_start3A_1193] : memref<16384x2048xf32, #tpu.memory_space<hbm>> -> memref<16384x2048xf32, #tpu.memory_space<hbm>>
          tpu.enqueue_indirect_dma source(%dma_start3A_1194 : memref<16384x2048xf32, #tpu.memory_space<hbm>>) target(%arg9 : memref<16x2048xf32, #tpu.memory_space<vmem>>) offsets(%select_n3A_1192 : vector<16xi32>) semaphore(%arg12 : memref<!tpu.dma_semaphore, #tpu.memory_space<semaphore_mem>>)
        } else {
        }
      } else {
      }
      %add3A_1134 = arith.constant 1 : i32
      %add3A_1135 = arith.addi %mul3A_1128, %add3A_1134 : i32
      %lt3A_1136 = arith.cmpi slt, %add3A_1135, %add3A_1074 : i32
      %convert_element_type3A_1137 = arith.extui %lt3A_1136 : i1 to i32
      %cond3A_1138 = arith.constant 0 : i32
      %cond3A_1139 = arith.cmpi ne, %convert_element_type3A_1137, %cond3A_1138 : i32
      scf.if %cond3A_1139 {
        %ge3A = arith.constant 3 : i32
        %ge3A_1164 = arith.cmpi sge, %add3A_1135, %ge3A : i32
        %convert_element_type3A_1165 = arith.extui %ge3A_1164 : i1 to i32
        %cond3A_1166 = arith.constant 0 : i32
        %cond3A_1167 = arith.cmpi ne, %convert_element_type3A_1165, %cond3A_1166 : i32
        scf.if %cond3A_1167 {
          %dma_wait3A = arith.constant 0 : i32
          %dma_wait3A_1176 = arith.constant 0 : i32
          %dma_wait3A_1177 = tpu.memref_slice %arg2[%dma_wait3A, %dma_wait3A_1176] : memref<16384x2048xf32, #tpu.memory_space<hbm>> -> memref<16x2048xf32, #tpu.memory_space<hbm>>
          %dma_wait3A_1178 = arith.constant 0 : i32
          %dma_wait3A_1179 = arith.constant 0 : i32
          %dma_wait3A_1180 = tpu.memref_slice %arg2[%dma_wait3A_1178, %dma_wait3A_1179] : memref<16384x2048xf32, #tpu.memory_space<hbm>> -> memref<16x2048xf32, #tpu.memory_space<hbm>>
          tpu.wait_dma2 semaphore(%arg16 : memref<!tpu.dma_semaphore, #tpu.memory_space<semaphore_mem>>) src(%dma_wait3A_1180 : memref<16x2048xf32, #tpu.memory_space<hbm>>) dst(%arg9 : memref<16x2048xf32, #tpu.memory_space<vmem>>)
        } else {
        }
        %lt3A_1168 = arith.cmpi slt, %add3A_1135, %select_n3A : i32
        %convert_element_type3A_1169 = arith.extui %lt3A_1168 : i1 to i32
        %cond3A_1170 = arith.constant 0 : i32
        %cond3A_1171 = arith.cmpi ne, %convert_element_type3A_1169, %cond3A_1170 : i32
        scf.if %cond3A_1171 {
          %sub3A_1176 = arith.constant 1 : i32
          %sub3A_1177 = arith.subi %select_n3A, %sub3A_1176 : i32
          %min3A = arith.minsi %add3A_1135, %sub3A_1177 : i32
          %max3A = arith.constant 0 : i32
          %max3A_1178 = arith.maxsi %min3A, %max3A : i32
          %mul3A_1179 = arith.constant 16 : i32
          %mul3A_1180 = arith.muli %max3A_1178, %mul3A_1179 : i32
          %get3A_1181 = arith.index_cast %mul3A_1180 : i32 to index
          %get3A_1182 = tpu.vector_load %arg8[%get3A_1181] {strides = array<i32>} : memref<512xi32, #tpu.memory_space<vmem>>, vector<16xi32>,
          %mul3A_1183 = arith.constant 16 : i32
          %mul3A_1184 = arith.muli %max3A_1178, %mul3A_1183 : i32
          %add3A_1185 = vector.broadcast %mul3A_1184 : i32 to vector<16xi32>
          %add3A_1186 = arith.addi %add3A_1185, %iota3A : vector<16xi32>
          %lt3A_1187 = vector.broadcast %sub3A_1015 : i32 to vector<16xi32>
          %lt3A_1188 = arith.cmpi slt, %add3A_1186, %lt3A_1187 : vector<16xi32>
          %broadcast_in_dim3A_1189 = vector.broadcast %reduce_min3A_1024 : i32 to vector<16xi32>
          %select_n3A_1190 = arith.select %lt3A_1188, %get3A_1182, %broadcast_in_dim3A_1189 : vector<16xi1>, vector<16xi32>
          %dma_start3A = arith.constant 0 : i32
          %dma_start3A_1191 = arith.constant 0 : i32
          %dma_start3A_1192 = tpu.memref_slice %arg2[%dma_start3A, %dma_start3A_1191] : memref<16384x2048xf32, #tpu.memory_space<hbm>> -> memref<16384x2048xf32, #tpu.memory_space<hbm>>
          tpu.enqueue_indirect_dma source(%dma_start3A_1192 : memref<16384x2048xf32, #tpu.memory_space<hbm>>) target(%arg10 : memref<16x2048xf32, #tpu.memory_space<vmem>>) offsets(%select_n3A_1190 : vector<16xi32>) semaphore(%arg13 : memref<!tpu.dma_semaphore, #tpu.memory_space<semaphore_mem>>)
        } else {
        }
        %ge3A_1172 = arith.cmpi sge, %add3A_1135, %select_n3A : i32
        %convert_element_type3A_1173 = arith.extui %ge3A_1172 : i1 to i32
        %cond3A_1174 = arith.constant 0 : i32
        %cond3A_1175 = arith.cmpi ne, %convert_element_type3A_1173, %cond3A_1174 : i32
        scf.if %cond3A_1175 {
          %sub3A_1176 = arith.subi %add3A_1135, %select_n3A : i32
          %sub3A_1177 = arith.constant 1 : i32
          %sub3A_1178 = arith.subi %select_n3A_1073, %sub3A_1177 : i32
          %min3A = arith.minsi %sub3A_1176, %sub3A_1178 : i32
          %max3A = arith.constant 0 : i32
          %max3A_1179 = arith.maxsi %min3A, %max3A : i32
          %mul3A_1180 = arith.constant 16 : i32
          %mul3A_1181 = arith.muli %max3A_1179, %mul3A_1180 : i32
          %add3A_1182 = vector.broadcast %mul3A_1181 : i32 to vector<16xi32>
          %add3A_1183 = arith.addi %add3A_1182, %iota3A : vector<16xi32>
          %lt3A_1184 = vector.broadcast %add3A_1013 : i32 to vector<16xi32>
          %lt3A_1185 = arith.cmpi slt, %add3A_1183, %lt3A_1184 : vector<16xi32>
          %add3A_1186 = vector.broadcast %reduce_sum3A_21 : i32 to vector<16xi32>
          %add3A_1187 = arith.addi %add3A_1186, %add3A_1183 : vector<16xi32>
          %add3A_1188 = arith.addi %reduce_sum3A_21, %add3A_1013 : i32
          %sub3A_1189 = arith.constant 1 : i32
          %sub3A_1190 = arith.subi %add3A_1188, %sub3A_1189 : i32
          %broadcast_in_dim3A_1191 = vector.broadcast %sub3A_1190 : i32 to vector<16xi32>
          %select_n3A_1192 = arith.select %lt3A_1185, %add3A_1187, %broadcast_in_dim3A_1191 : vector<16xi1>, vector<16xi32>
          %dma_start3A = arith.constant 0 : i32
          %dma_start3A_1193 = arith.constant 0 : i32
          %dma_start3A_1194 = tpu.memref_slice %arg4[%dma_start3A, %dma_start3A_1193] : memref<16384x2048xf32, #tpu.memory_space<hbm>> -> memref<16384x2048xf32, #tpu.memory_space<hbm>>
          tpu.enqueue_indirect_dma source(%dma_start3A_1194 : memref<16384x2048xf32, #tpu.memory_space<hbm>>) target(%arg10 : memref<16x2048xf32, #tpu.memory_space<vmem>>) offsets(%select_n3A_1192 : vector<16xi32>) semaphore(%arg13 : memref<!tpu.dma_semaphore, #tpu.memory_space<semaphore_mem>>)
        } else {
        }
      } else {
      }
      %add3A_1140 = arith.constant 2 : i32
      %add3A_1141 = arith.addi %mul3A_1128, %add3A_1140 : i32
      %lt3A_1142 = arith.cmpi slt, %add3A_1141, %add3A_1074 : i32
      %convert_element_type3A_1143 = arith.extui %lt3A_1142 : i1 to i32
      %cond3A_1144 = arith.constant 0 : i32
      %cond3A_1145 = arith.cmpi ne, %convert_element_type3A_1143, %cond3A_1144 : i32
      scf.if %cond3A_1145 {
        %ge3A = arith.constant 3 : i32
        %ge3A_1164 = arith.cmpi sge, %add3A_1141, %ge3A : i32
        %convert_element_type3A_1165 = arith.extui %ge3A_1164 : i1 to i32
        %cond3A_1166 = arith.constant 0 : i32
        %cond3A_1167 = arith.cmpi ne, %convert_element_type3A_1165, %cond3A_1166 : i32
        scf.if %cond3A_1167 {
          %dma_wait3A = arith.constant 0 : i32
          %dma_wait3A_1176 = arith.constant 0 : i32
          %dma_wait3A_1177 = tpu.memref_slice %arg2[%dma_wait3A, %dma_wait3A_1176] : memref<16384x2048xf32, #tpu.memory_space<hbm>> -> memref<16x2048xf32, #tpu.memory_space<hbm>>
          %dma_wait3A_1178 = arith.constant 0 : i32
          %dma_wait3A_1179 = arith.constant 0 : i32
          %dma_wait3A_1180 = tpu.memref_slice %arg2[%dma_wait3A_1178, %dma_wait3A_1179] : memref<16384x2048xf32, #tpu.memory_space<hbm>> -> memref<16x2048xf32, #tpu.memory_space<hbm>>
          tpu.wait_dma2 semaphore(%arg17 : memref<!tpu.dma_semaphore, #tpu.memory_space<semaphore_mem>>) src(%dma_wait3A_1180 : memref<16x2048xf32, #tpu.memory_space<hbm>>) dst(%arg9 : memref<16x2048xf32, #tpu.memory_space<vmem>>)
        } else {
        }
        %lt3A_1168 = arith.cmpi slt, %add3A_1141, %select_n3A : i32
        %convert_element_type3A_1169 = arith.extui %lt3A_1168 : i1 to i32
        %cond3A_1170 = arith.constant 0 : i32
        %cond3A_1171 = arith.cmpi ne, %convert_element_type3A_1169, %cond3A_1170 : i32
        scf.if %cond3A_1171 {
          %sub3A_1176 = arith.constant 1 : i32
          %sub3A_1177 = arith.subi %select_n3A, %sub3A_1176 : i32
          %min3A = arith.minsi %add3A_1141, %sub3A_1177 : i32
          %max3A = arith.constant 0 : i32
          %max3A_1178 = arith.maxsi %min3A, %max3A : i32
          %mul3A_1179 = arith.constant 16 : i32
          %mul3A_1180 = arith.muli %max3A_1178, %mul3A_1179 : i32
          %get3A_1181 = arith.index_cast %mul3A_1180 : i32 to index
          %get3A_1182 = tpu.vector_load %arg8[%get3A_1181] {strides = array<i32>} : memref<512xi32, #tpu.memory_space<vmem>>, vector<16xi32>,
          %mul3A_1183 = arith.constant 16 : i32
          %mul3A_1184 = arith.muli %max3A_1178, %mul3A_1183 : i32
          %add3A_1185 = vector.broadcast %mul3A_1184 : i32 to vector<16xi32>
          %add3A_1186 = arith.addi %add3A_1185, %iota3A : vector<16xi32>
          %lt3A_1187 = vector.broadcast %sub3A_1015 : i32 to vector<16xi32>
          %lt3A_1188 = arith.cmpi slt, %add3A_1186, %lt3A_1187 : vector<16xi32>
          %broadcast_in_dim3A_1189 = vector.broadcast %reduce_min3A_1024 : i32 to vector<16xi32>
          %select_n3A_1190 = arith.select %lt3A_1188, %get3A_1182, %broadcast_in_dim3A_1189 : vector<16xi1>, vector<16xi32>
          %dma_start3A = arith.constant 0 : i32
          %dma_start3A_1191 = arith.constant 0 : i32
          %dma_start3A_1192 = tpu.memref_slice %arg2[%dma_start3A, %dma_start3A_1191] : memref<16384x2048xf32, #tpu.memory_space<hbm>> -> memref<16384x2048xf32, #tpu.memory_space<hbm>>
          tpu.enqueue_indirect_dma source(%dma_start3A_1192 : memref<16384x2048xf32, #tpu.memory_space<hbm>>) target(%arg11 : memref<16x2048xf32, #tpu.memory_space<vmem>>) offsets(%select_n3A_1190 : vector<16xi32>) semaphore(%arg14 : memref<!tpu.dma_semaphore, #tpu.memory_space<semaphore_mem>>)
        } else {
        }
        %ge3A_1172 = arith.cmpi sge, %add3A_1141, %select_n3A : i32
        %convert_element_type3A_1173 = arith.extui %ge3A_1172 : i1 to i32
        %cond3A_1174 = arith.constant 0 : i32
        %cond3A_1175 = arith.cmpi ne, %convert_element_type3A_1173, %cond3A_1174 : i32
        scf.if %cond3A_1175 {
          %sub3A_1176 = arith.subi %add3A_1141, %select_n3A : i32
          %sub3A_1177 = arith.constant 1 : i32
          %sub3A_1178 = arith.subi %select_n3A_1073, %sub3A_1177 : i32
          %min3A = arith.minsi %sub3A_1176, %sub3A_1178 : i32
          %max3A = arith.constant 0 : i32
          %max3A_1179 = arith.maxsi %min3A, %max3A : i32
          %mul3A_1180 = arith.constant 16 : i32
          %mul3A_1181 = arith.muli %max3A_1179, %mul3A_1180 : i32
          %add3A_1182 = vector.broadcast %mul3A_1181 : i32 to vector<16xi32>
          %add3A_1183 = arith.addi %add3A_1182, %iota3A : vector<16xi32>
          %lt3A_1184 = vector.broadcast %add3A_1013 : i32 to vector<16xi32>
          %lt3A_1185 = arith.cmpi slt, %add3A_1183, %lt3A_1184 : vector<16xi32>
          %add3A_1186 = vector.broadcast %reduce_sum3A_21 : i32 to vector<16xi32>
          %add3A_1187 = arith.addi %add3A_1186, %add3A_1183 : vector<16xi32>
          %add3A_1188 = arith.addi %reduce_sum3A_21, %add3A_1013 : i32
          %sub3A_1189 = arith.constant 1 : i32
          %sub3A_1190 = arith.subi %add3A_1188, %sub3A_1189 : i32
          %broadcast_in_dim3A_1191 = vector.broadcast %sub3A_1190 : i32 to vector<16xi32>
          %select_n3A_1192 = arith.select %lt3A_1185, %add3A_1187, %broadcast_in_dim3A_1191 : vector<16xi1>, vector<16xi32>
          %dma_start3A = arith.constant 0 : i32
          %dma_start3A_1193 = arith.constant 0 : i32
          %dma_start3A_1194 = tpu.memref_slice %arg4[%dma_start3A, %dma_start3A_1193] : memref<16384x2048xf32, #tpu.memory_space<hbm>> -> memref<16384x2048xf32, #tpu.memory_space<hbm>>
          tpu.enqueue_indirect_dma source(%dma_start3A_1194 : memref<16384x2048xf32, #tpu.memory_space<hbm>>) target(%arg11 : memref<16x2048xf32, #tpu.memory_space<vmem>>) offsets(%select_n3A_1192 : vector<16xi32>) semaphore(%arg14 : memref<!tpu.dma_semaphore, #tpu.memory_space<semaphore_mem>>)
        } else {
        }
      } else {
      }
      %add3A_1146 = arith.constant 0 : i32
      %add3A_1147 = arith.addi %mul3A_1128, %add3A_1146 : i32
      %lt3A_1148 = arith.cmpi slt, %add3A_1147, %add3A_1074 : i32
      %convert_element_type3A_1149 = arith.extui %lt3A_1148 : i1 to i32
      %cond3A_1150 = arith.constant 0 : i32
      %cond3A_1151 = arith.cmpi ne, %convert_element_type3A_1149, %cond3A_1150 : i32
      scf.if %cond3A_1151 {
        %dma_wait3A = arith.constant 0 : i32
        %dma_wait3A_1164 = arith.constant 0 : i32
        %dma_wait3A_1165 = tpu.memref_slice %arg2[%dma_wait3A, %dma_wait3A_1164] : memref<16384x2048xf32, #tpu.memory_space<hbm>> -> memref<16x2048xf32, #tpu.memory_space<hbm>>
        %dma_wait3A_1166 = arith.constant 0 : i32
        %dma_wait3A_1167 = arith.constant 0 : i32
        %dma_wait3A_1168 = tpu.memref_slice %arg2[%dma_wait3A_1166, %dma_wait3A_1167] : memref<16384x2048xf32, #tpu.memory_space<hbm>> -> memref<16x2048xf32, #tpu.memory_space<hbm>>
        tpu.wait_dma2 semaphore(%arg12 : memref<!tpu.dma_semaphore, #tpu.memory_space<semaphore_mem>>) src(%dma_wait3A_1168 : memref<16x2048xf32, #tpu.memory_space<hbm>>) dst(%arg9 : memref<16x2048xf32, #tpu.memory_space<vmem>>)
        %lt3A_1169 = arith.cmpi slt, %add3A_1147, %select_n3A : i32
        %sub3A_1170 = arith.constant 1 : i32
        %sub3A_1171 = arith.subi %select_n3A, %sub3A_1170 : i32
        %min3A = arith.minsi %add3A_1147, %sub3A_1171 : i32
        %max3A = arith.constant 0 : i32
        %max3A_1172 = arith.maxsi %min3A, %max3A : i32
        %mul3A_1173 = arith.constant 16 : i32
        %mul3A_1174 = arith.muli %max3A_1172, %mul3A_1173 : i32
        %get3A_1175 = arith.index_cast %mul3A_1174 : i32 to index
        %get3A_1176 = tpu.vector_load %arg8[%get3A_1175] {strides = array<i32>} : memref<512xi32, #tpu.memory_space<vmem>>, vector<16xi32>,
        %mul3A_1177 = arith.constant 16 : i32
        %mul3A_1178 = arith.muli %max3A_1172, %mul3A_1177 : i32
        %add3A_1179 = vector.broadcast %mul3A_1178 : i32 to vector<16xi32>
        %add3A_1180 = arith.addi %add3A_1179, %iota3A : vector<16xi32>
        %lt3A_1181 = vector.broadcast %sub3A_1015 : i32 to vector<16xi32>
        %lt3A_1182 = arith.cmpi slt, %add3A_1180, %lt3A_1181 : vector<16xi32>
        %broadcast_in_dim3A_1183 = vector.broadcast %reduce_min3A_1024 : i32 to vector<16xi32>
        %select_n3A_1184 = arith.select %lt3A_1182, %get3A_1176, %broadcast_in_dim3A_1183 : vector<16xi1>, vector<16xi32>
        %sub3A_1185 = arith.subi %add3A_1147, %select_n3A : i32
        %sub3A_1186 = arith.constant 1 : i32
        %sub3A_1187 = arith.subi %select_n3A_1073, %sub3A_1186 : i32
        %min3A_1188 = arith.minsi %sub3A_1185, %sub3A_1187 : i32
        %max3A_1189 = arith.constant 0 : i32
        %max3A_1190 = arith.maxsi %min3A_1188, %max3A_1189 : i32
        %mul3A_1191 = arith.constant 16 : i32
        %mul3A_1192 = arith.muli %max3A_1190, %mul3A_1191 : i32
        %add3A_1193 = vector.broadcast %mul3A_1192 : i32 to vector<16xi32>
        %add3A_1194 = arith.addi %add3A_1193, %iota3A : vector<16xi32>
        %mul3A_1195 = arith.constant 16 : i32
        %mul3A_1196 = arith.muli %max3A_1190, %mul3A_1195 : i32
        %get3A_1197 = arith.index_cast %mul3A_1196 : i32 to index
        %get3A_1198 = tpu.vector_load %arg7[%get3A_1197] {strides = array<i32>} : memref<512xi32, #tpu.memory_space<vmem>>, vector<16xi32>,
        %lt3A_1199 = vector.broadcast %add3A_1013 : i32 to vector<16xi32>
        %lt3A_1200 = arith.cmpi slt, %add3A_1194, %lt3A_1199 : vector<16xi32>
        %jit3A_1201 = arith.constant -2147483647 : i32
        %broadcast_in_dim3A_1202 = vector.broadcast %jit3A_1201 : i32 to vector<16xi32>
        %select_n3A_1203 = arith.select %lt3A_1200, %get3A_1198, %broadcast_in_dim3A_1202 : vector<16xi1>, vector<16xi32>
        %reduce_max3A = arith.constant true
        %reduce_max3A_1204 = vector.broadcast %reduce_max3A : i1 to vector<16xi1>
        %reduce_max3A_1205 = arith.constant -2147483648 : i32
        %reduce_max3A_1206 = vector.broadcast %reduce_max3A_1205 : i32 to vector<16xi32>
        %reduce_max3A_1207 = arith.xori %select_n3A_1203, %reduce_max3A_1206 : vector<16xi32>
        %reduce_max3A_1208 = tpu.scan <max>, %reduce_max3A_1207 masked %reduce_max3A_1204 : vector<16xi32>, vector<16xi1> -> vector<16xi32>
        %reduce_max3A_1209 = arith.xori %reduce_max3A_1208, %reduce_max3A_1206 : vector<16xi32>
        %reduce_max3A_1210 = vector.extract %reduce_max3A_1209[15] : i32 from vector<16xi32>
        %broadcast_in_dim3A_1211 = vector.broadcast %reduce_max3A_1210 : i32 to vector<16xi32>
        %select_n3A_1212 = arith.select %lt3A_1200, %get3A_1198, %broadcast_in_dim3A_1211 : vector<16xi1>, vector<16xi32>
        %select_n3A_1213 = arith.select %lt3A_1169, %select_n3A_1184, %select_n3A_1212 : vector<16xi32>
        %dma_start3A = arith.constant 0 : i32
        %dma_start3A_1214 = arith.constant 0 : i32
        %dma_start3A_1215 = tpu.memref_slice %arg5[%dma_start3A, %dma_start3A_1214] : memref<16384x2048xf32, #tpu.memory_space<hbm>> -> memref<16384x2048xf32, #tpu.memory_space<hbm>>
        tpu.enqueue_indirect_dma source(%arg9 : memref<16x2048xf32, #tpu.memory_space<vmem>>) target(%dma_start3A_1215 : memref<16384x2048xf32, #tpu.memory_space<hbm>>) offsets(%select_n3A_1213 : vector<16xi32>) semaphore(%arg15 : memref<!tpu.dma_semaphore, #tpu.memory_space<semaphore_mem>>)
      } else {
      }
      %add3A_1152 = arith.constant 1 : i32
      %add3A_1153 = arith.addi %mul3A_1128, %add3A_1152 : i32
      %lt3A_1154 = arith.cmpi slt, %add3A_1153, %add3A_1074 : i32
      %convert_element_type3A_1155 = arith.extui %lt3A_1154 : i1 to i32
      %cond3A_1156 = arith.constant 0 : i32
      %cond3A_1157 = arith.cmpi ne, %convert_element_type3A_1155, %cond3A_1156 : i32
      scf.if %cond3A_1157 {
        %dma_wait3A = arith.constant 0 : i32
        %dma_wait3A_1164 = arith.constant 0 : i32
        %dma_wait3A_1165 = tpu.memref_slice %arg2[%dma_wait3A, %dma_wait3A_1164] : memref<16384x2048xf32, #tpu.memory_space<hbm>> -> memref<16x2048xf32, #tpu.memory_space<hbm>>
        %dma_wait3A_1166 = arith.constant 0 : i32
        %dma_wait3A_1167 = arith.constant 0 : i32
        %dma_wait3A_1168 = tpu.memref_slice %arg2[%dma_wait3A_1166, %dma_wait3A_1167] : memref<16384x2048xf32, #tpu.memory_space<hbm>> -> memref<16x2048xf32, #tpu.memory_space<hbm>>
        tpu.wait_dma2 semaphore(%arg13 : memref<!tpu.dma_semaphore, #tpu.memory_space<semaphore_mem>>) src(%dma_wait3A_1168 : memref<16x2048xf32, #tpu.memory_space<hbm>>) dst(%arg9 : memref<16x2048xf32, #tpu.memory_space<vmem>>)
        %lt3A_1169 = arith.cmpi slt, %add3A_1153, %select_n3A : i32
        %sub3A_1170 = arith.constant 1 : i32
        %sub3A_1171 = arith.subi %select_n3A, %sub3A_1170 : i32
        %min3A = arith.minsi %add3A_1153, %sub3A_1171 : i32
        %max3A = arith.constant 0 : i32
        %max3A_1172 = arith.maxsi %min3A, %max3A : i32
        %mul3A_1173 = arith.constant 16 : i32
        %mul3A_1174 = arith.muli %max3A_1172, %mul3A_1173 : i32
        %get3A_1175 = arith.index_cast %mul3A_1174 : i32 to index
        %get3A_1176 = tpu.vector_load %arg8[%get3A_1175] {strides = array<i32>} : memref<512xi32, #tpu.memory_space<vmem>>, vector<16xi32>,
        %mul3A_1177 = arith.constant 16 : i32
        %mul3A_1178 = arith.muli %max3A_1172, %mul3A_1177 : i32
        %add3A_1179 = vector.broadcast %mul3A_1178 : i32 to vector<16xi32>
        %add3A_1180 = arith.addi %add3A_1179, %iota3A : vector<16xi32>
        %lt3A_1181 = vector.broadcast %sub3A_1015 : i32 to vector<16xi32>
        %lt3A_1182 = arith.cmpi slt, %add3A_1180, %lt3A_1181 : vector<16xi32>
        %broadcast_in_dim3A_1183 = vector.broadcast %reduce_min3A_1024 : i32 to vector<16xi32>
        %select_n3A_1184 = arith.select %lt3A_1182, %get3A_1176, %broadcast_in_dim3A_1183 : vector<16xi1>, vector<16xi32>
        %sub3A_1185 = arith.subi %add3A_1153, %select_n3A : i32
        %sub3A_1186 = arith.constant 1 : i32
        %sub3A_1187 = arith.subi %select_n3A_1073, %sub3A_1186 : i32
        %min3A_1188 = arith.minsi %sub3A_1185, %sub3A_1187 : i32
        %max3A_1189 = arith.constant 0 : i32
        %max3A_1190 = arith.maxsi %min3A_1188, %max3A_1189 : i32
        %mul3A_1191 = arith.constant 16 : i32
        %mul3A_1192 = arith.muli %max3A_1190, %mul3A_1191 : i32
        %add3A_1193 = vector.broadcast %mul3A_1192 : i32 to vector<16xi32>
        %add3A_1194 = arith.addi %add3A_1193, %iota3A : vector<16xi32>
        %mul3A_1195 = arith.constant 16 : i32
        %mul3A_1196 = arith.muli %max3A_1190, %mul3A_1195 : i32
        %get3A_1197 = arith.index_cast %mul3A_1196 : i32 to index
        %get3A_1198 = tpu.vector_load %arg7[%get3A_1197] {strides = array<i32>} : memref<512xi32, #tpu.memory_space<vmem>>, vector<16xi32>,
        %lt3A_1199 = vector.broadcast %add3A_1013 : i32 to vector<16xi32>
        %lt3A_1200 = arith.cmpi slt, %add3A_1194, %lt3A_1199 : vector<16xi32>
        %jit3A_1201 = arith.constant -2147483647 : i32
        %broadcast_in_dim3A_1202 = vector.broadcast %jit3A_1201 : i32 to vector<16xi32>
        %select_n3A_1203 = arith.select %lt3A_1200, %get3A_1198, %broadcast_in_dim3A_1202 : vector<16xi1>, vector<16xi32>
        %reduce_max3A = arith.constant true
        %reduce_max3A_1204 = vector.broadcast %reduce_max3A : i1 to vector<16xi1>
        %reduce_max3A_1205 = arith.constant -2147483648 : i32
        %reduce_max3A_1206 = vector.broadcast %reduce_max3A_1205 : i32 to vector<16xi32>
        %reduce_max3A_1207 = arith.xori %select_n3A_1203, %reduce_max3A_1206 : vector<16xi32>
        %reduce_max3A_1208 = tpu.scan <max>, %reduce_max3A_1207 masked %reduce_max3A_1204 : vector<16xi32>, vector<16xi1> -> vector<16xi32>
        %reduce_max3A_1209 = arith.xori %reduce_max3A_1208, %reduce_max3A_1206 : vector<16xi32>
        %reduce_max3A_1210 = vector.extract %reduce_max3A_1209[15] : i32 from vector<16xi32>
        %broadcast_in_dim3A_1211 = vector.broadcast %reduce_max3A_1210 : i32 to vector<16xi32>
        %select_n3A_1212 = arith.select %lt3A_1200, %get3A_1198, %broadcast_in_dim3A_1211 : vector<16xi1>, vector<16xi32>
        %select_n3A_1213 = arith.select %lt3A_1169, %select_n3A_1184, %select_n3A_1212 : vector<16xi32>
        %dma_start3A = arith.constant 0 : i32
        %dma_start3A_1214 = arith.constant 0 : i32
        %dma_start3A_1215 = tpu.memref_slice %arg5[%dma_start3A, %dma_start3A_1214] : memref<16384x2048xf32, #tpu.memory_space<hbm>> -> memref<16384x2048xf32, #tpu.memory_space<hbm>>
        tpu.enqueue_indirect_dma source(%arg10 : memref<16x2048xf32, #tpu.memory_space<vmem>>) target(%dma_start3A_1215 : memref<16384x2048xf32, #tpu.memory_space<hbm>>) offsets(%select_n3A_1213 : vector<16xi32>) semaphore(%arg16 : memref<!tpu.dma_semaphore, #tpu.memory_space<semaphore_mem>>)
      } else {
      }
      %add3A_1158 = arith.constant 2 : i32
      %add3A_1159 = arith.addi %mul3A_1128, %add3A_1158 : i32
      %lt3A_1160 = arith.cmpi slt, %add3A_1159, %add3A_1074 : i32
      %convert_element_type3A_1161 = arith.extui %lt3A_1160 : i1 to i32
      %cond3A_1162 = arith.constant 0 : i32
      %cond3A_1163 = arith.cmpi ne, %convert_element_type3A_1161, %cond3A_1162 : i32
      scf.if %cond3A_1163 {
        %dma_wait3A = arith.constant 0 : i32
        %dma_wait3A_1164 = arith.constant 0 : i32
        %dma_wait3A_1165 = tpu.memref_slice %arg2[%dma_wait3A, %dma_wait3A_1164] : memref<16384x2048xf32, #tpu.memory_space<hbm>> -> memref<16x2048xf32, #tpu.memory_space<hbm>>
        %dma_wait3A_1166 = arith.constant 0 : i32
        %dma_wait3A_1167 = arith.constant 0 : i32
        %dma_wait3A_1168 = tpu.memref_slice %arg2[%dma_wait3A_1166, %dma_wait3A_1167] : memref<16384x2048xf32, #tpu.memory_space<hbm>> -> memref<16x2048xf32, #tpu.memory_space<hbm>>
        tpu.wait_dma2 semaphore(%arg14 : memref<!tpu.dma_semaphore, #tpu.memory_space<semaphore_mem>>) src(%dma_wait3A_1168 : memref<16x2048xf32, #tpu.memory_space<hbm>>) dst(%arg9 : memref<16x2048xf32, #tpu.memory_space<vmem>>)
        %lt3A_1169 = arith.cmpi slt, %add3A_1159, %select_n3A : i32
        %sub3A_1170 = arith.constant 1 : i32
        %sub3A_1171 = arith.subi %select_n3A, %sub3A_1170 : i32
        %min3A = arith.minsi %add3A_1159, %sub3A_1171 : i32
        %max3A = arith.constant 0 : i32
        %max3A_1172 = arith.maxsi %min3A, %max3A : i32
        %mul3A_1173 = arith.constant 16 : i32
        %mul3A_1174 = arith.muli %max3A_1172, %mul3A_1173 : i32
        %get3A_1175 = arith.index_cast %mul3A_1174 : i32 to index
        %get3A_1176 = tpu.vector_load %arg8[%get3A_1175] {strides = array<i32>} : memref<512xi32, #tpu.memory_space<vmem>>, vector<16xi32>,
        %mul3A_1177 = arith.constant 16 : i32
        %mul3A_1178 = arith.muli %max3A_1172, %mul3A_1177 : i32
        %add3A_1179 = vector.broadcast %mul3A_1178 : i32 to vector<16xi32>
        %add3A_1180 = arith.addi %add3A_1179, %iota3A : vector<16xi32>
        %lt3A_1181 = vector.broadcast %sub3A_1015 : i32 to vector<16xi32>
        %lt3A_1182 = arith.cmpi slt, %add3A_1180, %lt3A_1181 : vector<16xi32>
        %broadcast_in_dim3A_1183 = vector.broadcast %reduce_min3A_1024 : i32 to vector<16xi32>
        %select_n3A_1184 = arith.select %lt3A_1182, %get3A_1176, %broadcast_in_dim3A_1183 : vector<16xi1>, vector<16xi32>
        %sub3A_1185 = arith.subi %add3A_1159, %select_n3A : i32
        %sub3A_1186 = arith.constant 1 : i32
        %sub3A_1187 = arith.subi %select_n3A_1073, %sub3A_1186 : i32
        %min3A_1188 = arith.minsi %sub3A_1185, %sub3A_1187 : i32
        %max3A_1189 = arith.constant 0 : i32
        %max3A_1190 = arith.maxsi %min3A_1188, %max3A_1189 : i32
        %mul3A_1191 = arith.constant 16 : i32
        %mul3A_1192 = arith.muli %max3A_1190, %mul3A_1191 : i32
        %add3A_1193 = vector.broadcast %mul3A_1192 : i32 to vector<16xi32>
        %add3A_1194 = arith.addi %add3A_1193, %iota3A : vector<16xi32>
        %mul3A_1195 = arith.constant 16 : i32
        %mul3A_1196 = arith.muli %max3A_1190, %mul3A_1195 : i32
        %get3A_1197 = arith.index_cast %mul3A_1196 : i32 to index
        %get3A_1198 = tpu.vector_load %arg7[%get3A_1197] {strides = array<i32>} : memref<512xi32, #tpu.memory_space<vmem>>, vector<16xi32>,
        %lt3A_1199 = vector.broadcast %add3A_1013 : i32 to vector<16xi32>
        %lt3A_1200 = arith.cmpi slt, %add3A_1194, %lt3A_1199 : vector<16xi32>
        %jit3A_1201 = arith.constant -2147483647 : i32
        %broadcast_in_dim3A_1202 = vector.broadcast %jit3A_1201 : i32 to vector<16xi32>
        %select_n3A_1203 = arith.select %lt3A_1200, %get3A_1198, %broadcast_in_dim3A_1202 : vector<16xi1>, vector<16xi32>
        %reduce_max3A = arith.constant true
        %reduce_max3A_1204 = vector.broadcast %reduce_max3A : i1 to vector<16xi1>
        %reduce_max3A_1205 = arith.constant -2147483648 : i32
        %reduce_max3A_1206 = vector.broadcast %reduce_max3A_1205 : i32 to vector<16xi32>
        %reduce_max3A_1207 = arith.xori %select_n3A_1203, %reduce_max3A_1206 : vector<16xi32>
        %reduce_max3A_1208 = tpu.scan <max>, %reduce_max3A_1207 masked %reduce_max3A_1204 : vector<16xi32>, vector<16xi1> -> vector<16xi32>
        %reduce_max3A_1209 = arith.xori %reduce_max3A_1208, %reduce_max3A_1206 : vector<16xi32>
        %reduce_max3A_1210 = vector.extract %reduce_max3A_1209[15] : i32 from vector<16xi32>
        %broadcast_in_dim3A_1211 = vector.broadcast %reduce_max3A_1210 : i32 to vector<16xi32>
        %select_n3A_1212 = arith.select %lt3A_1200, %get3A_1198, %broadcast_in_dim3A_1211 : vector<16xi1>, vector<16xi32>
        %select_n3A_1213 = arith.select %lt3A_1169, %select_n3A_1184, %select_n3A_1212 : vector<16xi32>
        %dma_start3A = arith.constant 0 : i32
        %dma_start3A_1214 = arith.constant 0 : i32
        %dma_start3A_1215 = tpu.memref_slice %arg5[%dma_start3A, %dma_start3A_1214] : memref<16384x2048xf32, #tpu.memory_space<hbm>> -> memref<16384x2048xf32, #tpu.memory_space<hbm>>
        tpu.enqueue_indirect_dma source(%arg11 : memref<16x2048xf32, #tpu.memory_space<vmem>>) target(%dma_start3A_1215 : memref<16384x2048xf32, #tpu.memory_space<hbm>>) offsets(%select_n3A_1213 : vector<16xi32>) semaphore(%arg17 : memref<!tpu.dma_semaphore, #tpu.memory_space<semaphore_mem>>)
      } else {
      }
    }
    %while3A_1112 = arith.constant 1 : i32
    scf.for %while3A_1126 = %while3A_1110 to %while3A_1106 step %while3A_1112  : i32 {
      %mul3A_1127 = arith.constant 3 : i32
      %mul3A_1128 = arith.muli %while3A_1126, %mul3A_1127 : i32
      %add3A_1129 = arith.constant 0 : i32
      %add3A_1130 = arith.addi %mul3A_1128, %add3A_1129 : i32
      %lt3A = arith.cmpi slt, %add3A_1130, %add3A_1074 : i32
      %convert_element_type3A_1131 = arith.extui %lt3A : i1 to i32
      %cond3A_1132 = arith.constant 0 : i32
      %cond3A_1133 = arith.cmpi ne, %convert_element_type3A_1131, %cond3A_1132 : i32
      scf.if %cond3A_1133 {
        %ge3A = arith.constant 3 : i32
        %ge3A_1164 = arith.cmpi sge, %add3A_1130, %ge3A : i32
        %convert_element_type3A_1165 = arith.extui %ge3A_1164 : i1 to i32
        %cond3A_1166 = arith.constant 0 : i32
        %cond3A_1167 = arith.cmpi ne, %convert_element_type3A_1165, %cond3A_1166 : i32
        scf.if %cond3A_1167 {
          %dma_wait3A = arith.constant 0 : i32
          %dma_wait3A_1176 = arith.constant 0 : i32
          %dma_wait3A_1177 = tpu.memref_slice %arg2[%dma_wait3A, %dma_wait3A_1176] : memref<16384x2048xf32, #tpu.memory_space<hbm>> -> memref<16x2048xf32, #tpu.memory_space<hbm>>
          %dma_wait3A_1178 = arith.constant 0 : i32
          %dma_wait3A_1179 = arith.constant 0 : i32
          %dma_wait3A_1180 = tpu.memref_slice %arg2[%dma_wait3A_1178, %dma_wait3A_1179] : memref<16384x2048xf32, #tpu.memory_space<hbm>> -> memref<16x2048xf32, #tpu.memory_space<hbm>>
          tpu.wait_dma2 semaphore(%arg15 : memref<!tpu.dma_semaphore, #tpu.memory_space<semaphore_mem>>) src(%dma_wait3A_1180 : memref<16x2048xf32, #tpu.memory_space<hbm>>) dst(%arg9 : memref<16x2048xf32, #tpu.memory_space<vmem>>)
        } else {
        }
        %lt3A_1168 = arith.cmpi slt, %add3A_1130, %select_n3A : i32
        %convert_element_type3A_1169 = arith.extui %lt3A_1168 : i1 to i32
        %cond3A_1170 = arith.constant 0 : i32
        %cond3A_1171 = arith.cmpi ne, %convert_element_type3A_1169, %cond3A_1170 : i32
        scf.if %cond3A_1171 {
          %sub3A_1176 = arith.constant 1 : i32
          %sub3A_1177 = arith.subi %select_n3A, %sub3A_1176 : i32
          %min3A = arith.minsi %add3A_1130, %sub3A_1177 : i32
          %max3A = arith.constant 0 : i32
          %max3A_1178 = arith.maxsi %min3A, %max3A : i32
          %mul3A_1179 = arith.constant 16 : i32
          %mul3A_1180 = arith.muli %max3A_1178, %mul3A_1179 : i32
          %get3A_1181 = arith.index_cast %mul3A_1180 : i32 to index
          %get3A_1182 = tpu.vector_load %arg8[%get3A_1181] {strides = array<i32>} : memref<512xi32, #tpu.memory_space<vmem>>, vector<16xi32>,
          %mul3A_1183 = arith.constant 16 : i32
          %mul3A_1184 = arith.muli %max3A_1178, %mul3A_1183 : i32
          %add3A_1185 = vector.broadcast %mul3A_1184 : i32 to vector<16xi32>
          %add3A_1186 = arith.addi %add3A_1185, %iota3A : vector<16xi32>
          %lt3A_1187 = vector.broadcast %sub3A_1015 : i32 to vector<16xi32>
          %lt3A_1188 = arith.cmpi slt, %add3A_1186, %lt3A_1187 : vector<16xi32>
          %broadcast_in_dim3A_1189 = vector.broadcast %reduce_min3A_1024 : i32 to vector<16xi32>
          %select_n3A_1190 = arith.select %lt3A_1188, %get3A_1182, %broadcast_in_dim3A_1189 : vector<16xi1>, vector<16xi32>
          %dma_start3A = arith.constant 0 : i32
          %dma_start3A_1191 = arith.constant 0 : i32
          %dma_start3A_1192 = tpu.memref_slice %arg2[%dma_start3A, %dma_start3A_1191] : memref<16384x2048xf32, #tpu.memory_space<hbm>> -> memref<16384x2048xf32, #tpu.memory_space<hbm>>
          tpu.enqueue_indirect_dma source(%dma_start3A_1192 : memref<16384x2048xf32, #tpu.memory_space<hbm>>) target(%arg9 : memref<16x2048xf32, #tpu.memory_space<vmem>>) offsets(%select_n3A_1190 : vector<16xi32>) semaphore(%arg12 : memref<!tpu.dma_semaphore, #tpu.memory_space<semaphore_mem>>)
        } else {
        }
        %ge3A_1172 = arith.cmpi sge, %add3A_1130, %select_n3A : i32
        %convert_element_type3A_1173 = arith.extui %ge3A_1172 : i1 to i32
        %cond3A_1174 = arith.constant 0 : i32
        %cond3A_1175 = arith.cmpi ne, %convert_element_type3A_1173, %cond3A_1174 : i32
        scf.if %cond3A_1175 {
          %sub3A_1176 = arith.subi %add3A_1130, %select_n3A : i32
          %sub3A_1177 = arith.constant 1 : i32
          %sub3A_1178 = arith.subi %select_n3A_1073, %sub3A_1177 : i32
          %min3A = arith.minsi %sub3A_1176, %sub3A_1178 : i32
          %max3A = arith.constant 0 : i32
          %max3A_1179 = arith.maxsi %min3A, %max3A : i32
          %mul3A_1180 = arith.constant 16 : i32
          %mul3A_1181 = arith.muli %max3A_1179, %mul3A_1180 : i32
          %add3A_1182 = vector.broadcast %mul3A_1181 : i32 to vector<16xi32>
          %add3A_1183 = arith.addi %add3A_1182, %iota3A : vector<16xi32>
          %lt3A_1184 = vector.broadcast %add3A_1013 : i32 to vector<16xi32>
          %lt3A_1185 = arith.cmpi slt, %add3A_1183, %lt3A_1184 : vector<16xi32>
          %add3A_1186 = vector.broadcast %reduce_sum3A_21 : i32 to vector<16xi32>
          %add3A_1187 = arith.addi %add3A_1186, %add3A_1183 : vector<16xi32>
          %add3A_1188 = arith.addi %reduce_sum3A_21, %add3A_1013 : i32
          %sub3A_1189 = arith.constant 1 : i32
          %sub3A_1190 = arith.subi %add3A_1188, %sub3A_1189 : i32
          %broadcast_in_dim3A_1191 = vector.broadcast %sub3A_1190 : i32 to vector<16xi32>
          %select_n3A_1192 = arith.select %lt3A_1185, %add3A_1187, %broadcast_in_dim3A_1191 : vector<16xi1>, vector<16xi32>
          %dma_start3A = arith.constant 0 : i32
          %dma_start3A_1193 = arith.constant 0 : i32
          %dma_start3A_1194 = tpu.memref_slice %arg4[%dma_start3A, %dma_start3A_1193] : memref<16384x2048xf32, #tpu.memory_space<hbm>> -> memref<16384x2048xf32, #tpu.memory_space<hbm>>
          tpu.enqueue_indirect_dma source(%dma_start3A_1194 : memref<16384x2048xf32, #tpu.memory_space<hbm>>) target(%arg9 : memref<16x2048xf32, #tpu.memory_space<vmem>>) offsets(%select_n3A_1192 : vector<16xi32>) semaphore(%arg12 : memref<!tpu.dma_semaphore, #tpu.memory_space<semaphore_mem>>)
        } else {
        }
      } else {
      }
      %add3A_1134 = arith.constant 1 : i32
      %add3A_1135 = arith.addi %mul3A_1128, %add3A_1134 : i32
      %lt3A_1136 = arith.cmpi slt, %add3A_1135, %add3A_1074 : i32
      %convert_element_type3A_1137 = arith.extui %lt3A_1136 : i1 to i32
      %cond3A_1138 = arith.constant 0 : i32
      %cond3A_1139 = arith.cmpi ne, %convert_element_type3A_1137, %cond3A_1138 : i32
      scf.if %cond3A_1139 {
        %ge3A = arith.constant 3 : i32
        %ge3A_1164 = arith.cmpi sge, %add3A_1135, %ge3A : i32
        %convert_element_type3A_1165 = arith.extui %ge3A_1164 : i1 to i32
        %cond3A_1166 = arith.constant 0 : i32
        %cond3A_1167 = arith.cmpi ne, %convert_element_type3A_1165, %cond3A_1166 : i32
        scf.if %cond3A_1167 {
          %dma_wait3A = arith.constant 0 : i32
          %dma_wait3A_1176 = arith.constant 0 : i32
          %dma_wait3A_1177 = tpu.memref_slice %arg2[%dma_wait3A, %dma_wait3A_1176] : memref<16384x2048xf32, #tpu.memory_space<hbm>> -> memref<16x2048xf32, #tpu.memory_space<hbm>>
          %dma_wait3A_1178 = arith.constant 0 : i32
          %dma_wait3A_1179 = arith.constant 0 : i32
          %dma_wait3A_1180 = tpu.memref_slice %arg2[%dma_wait3A_1178, %dma_wait3A_1179] : memref<16384x2048xf32, #tpu.memory_space<hbm>> -> memref<16x2048xf32, #tpu.memory_space<hbm>>
          tpu.wait_dma2 semaphore(%arg16 : memref<!tpu.dma_semaphore, #tpu.memory_space<semaphore_mem>>) src(%dma_wait3A_1180 : memref<16x2048xf32, #tpu.memory_space<hbm>>) dst(%arg9 : memref<16x2048xf32, #tpu.memory_space<vmem>>)
        } else {
        }
        %lt3A_1168 = arith.cmpi slt, %add3A_1135, %select_n3A : i32
        %convert_element_type3A_1169 = arith.extui %lt3A_1168 : i1 to i32
        %cond3A_1170 = arith.constant 0 : i32
        %cond3A_1171 = arith.cmpi ne, %convert_element_type3A_1169, %cond3A_1170 : i32
        scf.if %cond3A_1171 {
          %sub3A_1176 = arith.constant 1 : i32
          %sub3A_1177 = arith.subi %select_n3A, %sub3A_1176 : i32
          %min3A = arith.minsi %add3A_1135, %sub3A_1177 : i32
          %max3A = arith.constant 0 : i32
          %max3A_1178 = arith.maxsi %min3A, %max3A : i32
          %mul3A_1179 = arith.constant 16 : i32
          %mul3A_1180 = arith.muli %max3A_1178, %mul3A_1179 : i32
          %get3A_1181 = arith.index_cast %mul3A_1180 : i32 to index
          %get3A_1182 = tpu.vector_load %arg8[%get3A_1181] {strides = array<i32>} : memref<512xi32, #tpu.memory_space<vmem>>, vector<16xi32>,
          %mul3A_1183 = arith.constant 16 : i32
          %mul3A_1184 = arith.muli %max3A_1178, %mul3A_1183 : i32
          %add3A_1185 = vector.broadcast %mul3A_1184 : i32 to vector<16xi32>
          %add3A_1186 = arith.addi %add3A_1185, %iota3A : vector<16xi32>
          %lt3A_1187 = vector.broadcast %sub3A_1015 : i32 to vector<16xi32>
          %lt3A_1188 = arith.cmpi slt, %add3A_1186, %lt3A_1187 : vector<16xi32>
          %broadcast_in_dim3A_1189 = vector.broadcast %reduce_min3A_1024 : i32 to vector<16xi32>
          %select_n3A_1190 = arith.select %lt3A_1188, %get3A_1182, %broadcast_in_dim3A_1189 : vector<16xi1>, vector<16xi32>
          %dma_start3A = arith.constant 0 : i32
          %dma_start3A_1191 = arith.constant 0 : i32
          %dma_start3A_1192 = tpu.memref_slice %arg2[%dma_start3A, %dma_start3A_1191] : memref<16384x2048xf32, #tpu.memory_space<hbm>> -> memref<16384x2048xf32, #tpu.memory_space<hbm>>
          tpu.enqueue_indirect_dma source(%dma_start3A_1192 : memref<16384x2048xf32, #tpu.memory_space<hbm>>) target(%arg10 : memref<16x2048xf32, #tpu.memory_space<vmem>>) offsets(%select_n3A_1190 : vector<16xi32>) semaphore(%arg13 : memref<!tpu.dma_semaphore, #tpu.memory_space<semaphore_mem>>)
        } else {
        }
        %ge3A_1172 = arith.cmpi sge, %add3A_1135, %select_n3A : i32
        %convert_element_type3A_1173 = arith.extui %ge3A_1172 : i1 to i32
        %cond3A_1174 = arith.constant 0 : i32
        %cond3A_1175 = arith.cmpi ne, %convert_element_type3A_1173, %cond3A_1174 : i32
        scf.if %cond3A_1175 {
          %sub3A_1176 = arith.subi %add3A_1135, %select_n3A : i32
          %sub3A_1177 = arith.constant 1 : i32
          %sub3A_1178 = arith.subi %select_n3A_1073, %sub3A_1177 : i32
          %min3A = arith.minsi %sub3A_1176, %sub3A_1178 : i32
          %max3A = arith.constant 0 : i32
          %max3A_1179 = arith.maxsi %min3A, %max3A : i32
          %mul3A_1180 = arith.constant 16 : i32
          %mul3A_1181 = arith.muli %max3A_1179, %mul3A_1180 : i32
          %add3A_1182 = vector.broadcast %mul3A_1181 : i32 to vector<16xi32>
          %add3A_1183 = arith.addi %add3A_1182, %iota3A : vector<16xi32>
          %lt3A_1184 = vector.broadcast %add3A_1013 : i32 to vector<16xi32>
          %lt3A_1185 = arith.cmpi slt, %add3A_1183, %lt3A_1184 : vector<16xi32>
          %add3A_1186 = vector.broadcast %reduce_sum3A_21 : i32 to vector<16xi32>
          %add3A_1187 = arith.addi %add3A_1186, %add3A_1183 : vector<16xi32>
          %add3A_1188 = arith.addi %reduce_sum3A_21, %add3A_1013 : i32
          %sub3A_1189 = arith.constant 1 : i32
          %sub3A_1190 = arith.subi %add3A_1188, %sub3A_1189 : i32
          %broadcast_in_dim3A_1191 = vector.broadcast %sub3A_1190 : i32 to vector<16xi32>
          %select_n3A_1192 = arith.select %lt3A_1185, %add3A_1187, %broadcast_in_dim3A_1191 : vector<16xi1>, vector<16xi32>
          %dma_start3A = arith.constant 0 : i32
          %dma_start3A_1193 = arith.constant 0 : i32
          %dma_start3A_1194 = tpu.memref_slice %arg4[%dma_start3A, %dma_start3A_1193] : memref<16384x2048xf32, #tpu.memory_space<hbm>> -> memref<16384x2048xf32, #tpu.memory_space<hbm>>
          tpu.enqueue_indirect_dma source(%dma_start3A_1194 : memref<16384x2048xf32, #tpu.memory_space<hbm>>) target(%arg10 : memref<16x2048xf32, #tpu.memory_space<vmem>>) offsets(%select_n3A_1192 : vector<16xi32>) semaphore(%arg13 : memref<!tpu.dma_semaphore, #tpu.memory_space<semaphore_mem>>)
        } else {
        }
      } else {
      }
      %add3A_1140 = arith.constant 2 : i32
      %add3A_1141 = arith.addi %mul3A_1128, %add3A_1140 : i32
      %lt3A_1142 = arith.cmpi slt, %add3A_1141, %add3A_1074 : i32
      %convert_element_type3A_1143 = arith.extui %lt3A_1142 : i1 to i32
      %cond3A_1144 = arith.constant 0 : i32
      %cond3A_1145 = arith.cmpi ne, %convert_element_type3A_1143, %cond3A_1144 : i32
      scf.if %cond3A_1145 {
        %ge3A = arith.constant 3 : i32
        %ge3A_1164 = arith.cmpi sge, %add3A_1141, %ge3A : i32
        %convert_element_type3A_1165 = arith.extui %ge3A_1164 : i1 to i32
        %cond3A_1166 = arith.constant 0 : i32
        %cond3A_1167 = arith.cmpi ne, %convert_element_type3A_1165, %cond3A_1166 : i32
        scf.if %cond3A_1167 {
          %dma_wait3A = arith.constant 0 : i32
          %dma_wait3A_1176 = arith.constant 0 : i32
          %dma_wait3A_1177 = tpu.memref_slice %arg2[%dma_wait3A, %dma_wait3A_1176] : memref<16384x2048xf32, #tpu.memory_space<hbm>> -> memref<16x2048xf32, #tpu.memory_space<hbm>>
          %dma_wait3A_1178 = arith.constant 0 : i32
          %dma_wait3A_1179 = arith.constant 0 : i32
          %dma_wait3A_1180 = tpu.memref_slice %arg2[%dma_wait3A_1178, %dma_wait3A_1179] : memref<16384x2048xf32, #tpu.memory_space<hbm>> -> memref<16x2048xf32, #tpu.memory_space<hbm>>
          tpu.wait_dma2 semaphore(%arg17 : memref<!tpu.dma_semaphore, #tpu.memory_space<semaphore_mem>>) src(%dma_wait3A_1180 : memref<16x2048xf32, #tpu.memory_space<hbm>>) dst(%arg9 : memref<16x2048xf32, #tpu.memory_space<vmem>>)
        } else {
        }
        %lt3A_1168 = arith.cmpi slt, %add3A_1141, %select_n3A : i32
        %convert_element_type3A_1169 = arith.extui %lt3A_1168 : i1 to i32
        %cond3A_1170 = arith.constant 0 : i32
        %cond3A_1171 = arith.cmpi ne, %convert_element_type3A_1169, %cond3A_1170 : i32
        scf.if %cond3A_1171 {
          %sub3A_1176 = arith.constant 1 : i32
          %sub3A_1177 = arith.subi %select_n3A, %sub3A_1176 : i32
          %min3A = arith.minsi %add3A_1141, %sub3A_1177 : i32
          %max3A = arith.constant 0 : i32
          %max3A_1178 = arith.maxsi %min3A, %max3A : i32
          %mul3A_1179 = arith.constant 16 : i32
          %mul3A_1180 = arith.muli %max3A_1178, %mul3A_1179 : i32
          %get3A_1181 = arith.index_cast %mul3A_1180 : i32 to index
          %get3A_1182 = tpu.vector_load %arg8[%get3A_1181] {strides = array<i32>} : memref<512xi32, #tpu.memory_space<vmem>>, vector<16xi32>,
          %mul3A_1183 = arith.constant 16 : i32
          %mul3A_1184 = arith.muli %max3A_1178, %mul3A_1183 : i32
          %add3A_1185 = vector.broadcast %mul3A_1184 : i32 to vector<16xi32>
          %add3A_1186 = arith.addi %add3A_1185, %iota3A : vector<16xi32>
          %lt3A_1187 = vector.broadcast %sub3A_1015 : i32 to vector<16xi32>
          %lt3A_1188 = arith.cmpi slt, %add3A_1186, %lt3A_1187 : vector<16xi32>
          %broadcast_in_dim3A_1189 = vector.broadcast %reduce_min3A_1024 : i32 to vector<16xi32>
          %select_n3A_1190 = arith.select %lt3A_1188, %get3A_1182, %broadcast_in_dim3A_1189 : vector<16xi1>, vector<16xi32>
          %dma_start3A = arith.constant 0 : i32
          %dma_start3A_1191 = arith.constant 0 : i32
          %dma_start3A_1192 = tpu.memref_slice %arg2[%dma_start3A, %dma_start3A_1191] : memref<16384x2048xf32, #tpu.memory_space<hbm>> -> memref<16384x2048xf32, #tpu.memory_space<hbm>>
          tpu.enqueue_indirect_dma source(%dma_start3A_1192 : memref<16384x2048xf32, #tpu.memory_space<hbm>>) target(%arg11 : memref<16x2048xf32, #tpu.memory_space<vmem>>) offsets(%select_n3A_1190 : vector<16xi32>) semaphore(%arg14 : memref<!tpu.dma_semaphore, #tpu.memory_space<semaphore_mem>>)
        } else {
        }
        %ge3A_1172 = arith.cmpi sge, %add3A_1141, %select_n3A : i32
        %convert_element_type3A_1173 = arith.extui %ge3A_1172 : i1 to i32
        %cond3A_1174 = arith.constant 0 : i32
        %cond3A_1175 = arith.cmpi ne, %convert_element_type3A_1173, %cond3A_1174 : i32
        scf.if %cond3A_1175 {
          %sub3A_1176 = arith.subi %add3A_1141, %select_n3A : i32
          %sub3A_1177 = arith.constant 1 : i32
          %sub3A_1178 = arith.subi %select_n3A_1073, %sub3A_1177 : i32
          %min3A = arith.minsi %sub3A_1176, %sub3A_1178 : i32
          %max3A = arith.constant 0 : i32
          %max3A_1179 = arith.maxsi %min3A, %max3A : i32
          %mul3A_1180 = arith.constant 16 : i32
          %mul3A_1181 = arith.muli %max3A_1179, %mul3A_1180 : i32
          %add3A_1182 = vector.broadcast %mul3A_1181 : i32 to vector<16xi32>
          %add3A_1183 = arith.addi %add3A_1182, %iota3A : vector<16xi32>
          %lt3A_1184 = vector.broadcast %add3A_1013 : i32 to vector<16xi32>
          %lt3A_1185 = arith.cmpi slt, %add3A_1183, %lt3A_1184 : vector<16xi32>
          %add3A_1186 = vector.broadcast %reduce_sum3A_21 : i32 to vector<16xi32>
          %add3A_1187 = arith.addi %add3A_1186, %add3A_1183 : vector<16xi32>
          %add3A_1188 = arith.addi %reduce_sum3A_21, %add3A_1013 : i32
          %sub3A_1189 = arith.constant 1 : i32
          %sub3A_1190 = arith.subi %add3A_1188, %sub3A_1189 : i32
          %broadcast_in_dim3A_1191 = vector.broadcast %sub3A_1190 : i32 to vector<16xi32>
          %select_n3A_1192 = arith.select %lt3A_1185, %add3A_1187, %broadcast_in_dim3A_1191 : vector<16xi1>, vector<16xi32>
          %dma_start3A = arith.constant 0 : i32
          %dma_start3A_1193 = arith.constant 0 : i32
          %dma_start3A_1194 = tpu.memref_slice %arg4[%dma_start3A, %dma_start3A_1193] : memref<16384x2048xf32, #tpu.memory_space<hbm>> -> memref<16384x2048xf32, #tpu.memory_space<hbm>>
          tpu.enqueue_indirect_dma source(%dma_start3A_1194 : memref<16384x2048xf32, #tpu.memory_space<hbm>>) target(%arg11 : memref<16x2048xf32, #tpu.memory_space<vmem>>) offsets(%select_n3A_1192 : vector<16xi32>) semaphore(%arg14 : memref<!tpu.dma_semaphore, #tpu.memory_space<semaphore_mem>>)
        } else {
        }
      } else {
      }
      %add3A_1146 = arith.constant 0 : i32
      %add3A_1147 = arith.addi %mul3A_1128, %add3A_1146 : i32
      %lt3A_1148 = arith.cmpi slt, %add3A_1147, %add3A_1074 : i32
      %convert_element_type3A_1149 = arith.extui %lt3A_1148 : i1 to i32
      %cond3A_1150 = arith.constant 0 : i32
      %cond3A_1151 = arith.cmpi ne, %convert_element_type3A_1149, %cond3A_1150 : i32
      scf.if %cond3A_1151 {
        %dma_wait3A = arith.constant 0 : i32
        %dma_wait3A_1164 = arith.constant 0 : i32
        %dma_wait3A_1165 = tpu.memref_slice %arg2[%dma_wait3A, %dma_wait3A_1164] : memref<16384x2048xf32, #tpu.memory_space<hbm>> -> memref<16x2048xf32, #tpu.memory_space<hbm>>
        %dma_wait3A_1166 = arith.constant 0 : i32
        %dma_wait3A_1167 = arith.constant 0 : i32
        %dma_wait3A_1168 = tpu.memref_slice %arg2[%dma_wait3A_1166, %dma_wait3A_1167] : memref<16384x2048xf32, #tpu.memory_space<hbm>> -> memref<16x2048xf32, #tpu.memory_space<hbm>>
        tpu.wait_dma2 semaphore(%arg12 : memref<!tpu.dma_semaphore, #tpu.memory_space<semaphore_mem>>) src(%dma_wait3A_1168 : memref<16x2048xf32, #tpu.memory_space<hbm>>) dst(%arg9 : memref<16x2048xf32, #tpu.memory_space<vmem>>)
        %lt3A_1169 = arith.cmpi slt, %add3A_1147, %select_n3A : i32
        %sub3A_1170 = arith.constant 1 : i32
        %sub3A_1171 = arith.subi %select_n3A, %sub3A_1170 : i32
        %min3A = arith.minsi %add3A_1147, %sub3A_1171 : i32
        %max3A = arith.constant 0 : i32
        %max3A_1172 = arith.maxsi %min3A, %max3A : i32
        %mul3A_1173 = arith.constant 16 : i32
        %mul3A_1174 = arith.muli %max3A_1172, %mul3A_1173 : i32
        %get3A_1175 = arith.index_cast %mul3A_1174 : i32 to index
        %get3A_1176 = tpu.vector_load %arg8[%get3A_1175] {strides = array<i32>} : memref<512xi32, #tpu.memory_space<vmem>>, vector<16xi32>,
        %mul3A_1177 = arith.constant 16 : i32
        %mul3A_1178 = arith.muli %max3A_1172, %mul3A_1177 : i32
        %add3A_1179 = vector.broadcast %mul3A_1178 : i32 to vector<16xi32>
        %add3A_1180 = arith.addi %add3A_1179, %iota3A : vector<16xi32>
        %lt3A_1181 = vector.broadcast %sub3A_1015 : i32 to vector<16xi32>
        %lt3A_1182 = arith.cmpi slt, %add3A_1180, %lt3A_1181 : vector<16xi32>
        %broadcast_in_dim3A_1183 = vector.broadcast %reduce_min3A_1024 : i32 to vector<16xi32>
        %select_n3A_1184 = arith.select %lt3A_1182, %get3A_1176, %broadcast_in_dim3A_1183 : vector<16xi1>, vector<16xi32>
        %sub3A_1185 = arith.subi %add3A_1147, %select_n3A : i32
        %sub3A_1186 = arith.constant 1 : i32
        %sub3A_1187 = arith.subi %select_n3A_1073, %sub3A_1186 : i32
        %min3A_1188 = arith.minsi %sub3A_1185, %sub3A_1187 : i32
        %max3A_1189 = arith.constant 0 : i32
        %max3A_1190 = arith.maxsi %min3A_1188, %max3A_1189 : i32
        %mul3A_1191 = arith.constant 16 : i32
        %mul3A_1192 = arith.muli %max3A_1190, %mul3A_1191 : i32
        %add3A_1193 = vector.broadcast %mul3A_1192 : i32 to vector<16xi32>
        %add3A_1194 = arith.addi %add3A_1193, %iota3A : vector<16xi32>
        %mul3A_1195 = arith.constant 16 : i32
        %mul3A_1196 = arith.muli %max3A_1190, %mul3A_1195 : i32
        %get3A_1197 = arith.index_cast %mul3A_1196 : i32 to index
        %get3A_1198 = tpu.vector_load %arg7[%get3A_1197] {strides = array<i32>} : memref<512xi32, #tpu.memory_space<vmem>>, vector<16xi32>,
        %lt3A_1199 = vector.broadcast %add3A_1013 : i32 to vector<16xi32>
        %lt3A_1200 = arith.cmpi slt, %add3A_1194, %lt3A_1199 : vector<16xi32>
        %jit3A_1201 = arith.constant -2147483647 : i32
        %broadcast_in_dim3A_1202 = vector.broadcast %jit3A_1201 : i32 to vector<16xi32>
        %select_n3A_1203 = arith.select %lt3A_1200, %get3A_1198, %broadcast_in_dim3A_1202 : vector<16xi1>, vector<16xi32>
        %reduce_max3A = arith.constant true
        %reduce_max3A_1204 = vector.broadcast %reduce_max3A : i1 to vector<16xi1>
        %reduce_max3A_1205 = arith.constant -2147483648 : i32
        %reduce_max3A_1206 = vector.broadcast %reduce_max3A_1205 : i32 to vector<16xi32>
        %reduce_max3A_1207 = arith.xori %select_n3A_1203, %reduce_max3A_1206 : vector<16xi32>
        %reduce_max3A_1208 = tpu.scan <max>, %reduce_max3A_1207 masked %reduce_max3A_1204 : vector<16xi32>, vector<16xi1> -> vector<16xi32>
        %reduce_max3A_1209 = arith.xori %reduce_max3A_1208, %reduce_max3A_1206 : vector<16xi32>
        %reduce_max3A_1210 = vector.extract %reduce_max3A_1209[15] : i32 from vector<16xi32>
        %broadcast_in_dim3A_1211 = vector.broadcast %reduce_max3A_1210 : i32 to vector<16xi32>
        %select_n3A_1212 = arith.select %lt3A_1200, %get3A_1198, %broadcast_in_dim3A_1211 : vector<16xi1>, vector<16xi32>
        %select_n3A_1213 = arith.select %lt3A_1169, %select_n3A_1184, %select_n3A_1212 : vector<16xi32>
        %dma_start3A = arith.constant 0 : i32
        %dma_start3A_1214 = arith.constant 0 : i32
        %dma_start3A_1215 = tpu.memref_slice %arg5[%dma_start3A, %dma_start3A_1214] : memref<16384x2048xf32, #tpu.memory_space<hbm>> -> memref<16384x2048xf32, #tpu.memory_space<hbm>>
        tpu.enqueue_indirect_dma source(%arg9 : memref<16x2048xf32, #tpu.memory_space<vmem>>) target(%dma_start3A_1215 : memref<16384x2048xf32, #tpu.memory_space<hbm>>) offsets(%select_n3A_1213 : vector<16xi32>) semaphore(%arg15 : memref<!tpu.dma_semaphore, #tpu.memory_space<semaphore_mem>>)
      } else {
      }
      %add3A_1152 = arith.constant 1 : i32
      %add3A_1153 = arith.addi %mul3A_1128, %add3A_1152 : i32
      %lt3A_1154 = arith.cmpi slt, %add3A_1153, %add3A_1074 : i32
      %convert_element_type3A_1155 = arith.extui %lt3A_1154 : i1 to i32
      %cond3A_1156 = arith.constant 0 : i32
      %cond3A_1157 = arith.cmpi ne, %convert_element_type3A_1155, %cond3A_1156 : i32
      scf.if %cond3A_1157 {
        %dma_wait3A = arith.constant 0 : i32
        %dma_wait3A_1164 = arith.constant 0 : i32
        %dma_wait3A_1165 = tpu.memref_slice %arg2[%dma_wait3A, %dma_wait3A_1164] : memref<16384x2048xf32, #tpu.memory_space<hbm>> -> memref<16x2048xf32, #tpu.memory_space<hbm>>
        %dma_wait3A_1166 = arith.constant 0 : i32
        %dma_wait3A_1167 = arith.constant 0 : i32
        %dma_wait3A_1168 = tpu.memref_slice %arg2[%dma_wait3A_1166, %dma_wait3A_1167] : memref<16384x2048xf32, #tpu.memory_space<hbm>> -> memref<16x2048xf32, #tpu.memory_space<hbm>>
        tpu.wait_dma2 semaphore(%arg13 : memref<!tpu.dma_semaphore, #tpu.memory_space<semaphore_mem>>) src(%dma_wait3A_1168 : memref<16x2048xf32, #tpu.memory_space<hbm>>) dst(%arg9 : memref<16x2048xf32, #tpu.memory_space<vmem>>)
        %lt3A_1169 = arith.cmpi slt, %add3A_1153, %select_n3A : i32
        %sub3A_1170 = arith.constant 1 : i32
        %sub3A_1171 = arith.subi %select_n3A, %sub3A_1170 : i32
        %min3A = arith.minsi %add3A_1153, %sub3A_1171 : i32
        %max3A = arith.constant 0 : i32
        %max3A_1172 = arith.maxsi %min3A, %max3A : i32
        %mul3A_1173 = arith.constant 16 : i32
        %mul3A_1174 = arith.muli %max3A_1172, %mul3A_1173 : i32
        %get3A_1175 = arith.index_cast %mul3A_1174 : i32 to index
        %get3A_1176 = tpu.vector_load %arg8[%get3A_1175] {strides = array<i32>} : memref<512xi32, #tpu.memory_space<vmem>>, vector<16xi32>,
        %mul3A_1177 = arith.constant 16 : i32
        %mul3A_1178 = arith.muli %max3A_1172, %mul3A_1177 : i32
        %add3A_1179 = vector.broadcast %mul3A_1178 : i32 to vector<16xi32>
        %add3A_1180 = arith.addi %add3A_1179, %iota3A : vector<16xi32>
        %lt3A_1181 = vector.broadcast %sub3A_1015 : i32 to vector<16xi32>
        %lt3A_1182 = arith.cmpi slt, %add3A_1180, %lt3A_1181 : vector<16xi32>
        %broadcast_in_dim3A_1183 = vector.broadcast %reduce_min3A_1024 : i32 to vector<16xi32>
        %select_n3A_1184 = arith.select %lt3A_1182, %get3A_1176, %broadcast_in_dim3A_1183 : vector<16xi1>, vector<16xi32>
        %sub3A_1185 = arith.subi %add3A_1153, %select_n3A : i32
        %sub3A_1186 = arith.constant 1 : i32
        %sub3A_1187 = arith.subi %select_n3A_1073, %sub3A_1186 : i32
        %min3A_1188 = arith.minsi %sub3A_1185, %sub3A_1187 : i32
        %max3A_1189 = arith.constant 0 : i32
        %max3A_1190 = arith.maxsi %min3A_1188, %max3A_1189 : i32
        %mul3A_1191 = arith.constant 16 : i32
        %mul3A_1192 = arith.muli %max3A_1190, %mul3A_1191 : i32
        %add3A_1193 = vector.broadcast %mul3A_1192 : i32 to vector<16xi32>
        %add3A_1194 = arith.addi %add3A_1193, %iota3A : vector<16xi32>
        %mul3A_1195 = arith.constant 16 : i32
        %mul3A_1196 = arith.muli %max3A_1190, %mul3A_1195 : i32
        %get3A_1197 = arith.index_cast %mul3A_1196 : i32 to index
        %get3A_1198 = tpu.vector_load %arg7[%get3A_1197] {strides = array<i32>} : memref<512xi32, #tpu.memory_space<vmem>>, vector<16xi32>,
        %lt3A_1199 = vector.broadcast %add3A_1013 : i32 to vector<16xi32>
        %lt3A_1200 = arith.cmpi slt, %add3A_1194, %lt3A_1199 : vector<16xi32>
        %jit3A_1201 = arith.constant -2147483647 : i32
        %broadcast_in_dim3A_1202 = vector.broadcast %jit3A_1201 : i32 to vector<16xi32>
        %select_n3A_1203 = arith.select %lt3A_1200, %get3A_1198, %broadcast_in_dim3A_1202 : vector<16xi1>, vector<16xi32>
        %reduce_max3A = arith.constant true
        %reduce_max3A_1204 = vector.broadcast %reduce_max3A : i1 to vector<16xi1>
        %reduce_max3A_1205 = arith.constant -2147483648 : i32
        %reduce_max3A_1206 = vector.broadcast %reduce_max3A_1205 : i32 to vector<16xi32>
        %reduce_max3A_1207 = arith.xori %select_n3A_1203, %reduce_max3A_1206 : vector<16xi32>
        %reduce_max3A_1208 = tpu.scan <max>, %reduce_max3A_1207 masked %reduce_max3A_1204 : vector<16xi32>, vector<16xi1> -> vector<16xi32>
        %reduce_max3A_1209 = arith.xori %reduce_max3A_1208, %reduce_max3A_1206 : vector<16xi32>
        %reduce_max3A_1210 = vector.extract %reduce_max3A_1209[15] : i32 from vector<16xi32>
        %broadcast_in_dim3A_1211 = vector.broadcast %reduce_max3A_1210 : i32 to vector<16xi32>
        %select_n3A_1212 = arith.select %lt3A_1200, %get3A_1198, %broadcast_in_dim3A_1211 : vector<16xi1>, vector<16xi32>
        %select_n3A_1213 = arith.select %lt3A_1169, %select_n3A_1184, %select_n3A_1212 : vector<16xi32>
        %dma_start3A = arith.constant 0 : i32
        %dma_start3A_1214 = arith.constant 0 : i32
        %dma_start3A_1215 = tpu.memref_slice %arg5[%dma_start3A, %dma_start3A_1214] : memref<16384x2048xf32, #tpu.memory_space<hbm>> -> memref<16384x2048xf32, #tpu.memory_space<hbm>>
        tpu.enqueue_indirect_dma source(%arg10 : memref<16x2048xf32, #tpu.memory_space<vmem>>) target(%dma_start3A_1215 : memref<16384x2048xf32, #tpu.memory_space<hbm>>) offsets(%select_n3A_1213 : vector<16xi32>) semaphore(%arg16 : memref<!tpu.dma_semaphore, #tpu.memory_space<semaphore_mem>>)
      } else {
      }
      %add3A_1158 = arith.constant 2 : i32
      %add3A_1159 = arith.addi %mul3A_1128, %add3A_1158 : i32
      %lt3A_1160 = arith.cmpi slt, %add3A_1159, %add3A_1074 : i32
      %convert_element_type3A_1161 = arith.extui %lt3A_1160 : i1 to i32
      %cond3A_1162 = arith.constant 0 : i32
      %cond3A_1163 = arith.cmpi ne, %convert_element_type3A_1161, %cond3A_1162 : i32
      scf.if %cond3A_1163 {
        %dma_wait3A = arith.constant 0 : i32
        %dma_wait3A_1164 = arith.constant 0 : i32
        %dma_wait3A_1165 = tpu.memref_slice %arg2[%dma_wait3A, %dma_wait3A_1164] : memref<16384x2048xf32, #tpu.memory_space<hbm>> -> memref<16x2048xf32, #tpu.memory_space<hbm>>
        %dma_wait3A_1166 = arith.constant 0 : i32
        %dma_wait3A_1167 = arith.constant 0 : i32
        %dma_wait3A_1168 = tpu.memref_slice %arg2[%dma_wait3A_1166, %dma_wait3A_1167] : memref<16384x2048xf32, #tpu.memory_space<hbm>> -> memref<16x2048xf32, #tpu.memory_space<hbm>>
        tpu.wait_dma2 semaphore(%arg14 : memref<!tpu.dma_semaphore, #tpu.memory_space<semaphore_mem>>) src(%dma_wait3A_1168 : memref<16x2048xf32, #tpu.memory_space<hbm>>) dst(%arg9 : memref<16x2048xf32, #tpu.memory_space<vmem>>)
        %lt3A_1169 = arith.cmpi slt, %add3A_1159, %select_n3A : i32
        %sub3A_1170 = arith.constant 1 : i32
        %sub3A_1171 = arith.subi %select_n3A, %sub3A_1170 : i32
        %min3A = arith.minsi %add3A_1159, %sub3A_1171 : i32
        %max3A = arith.constant 0 : i32
        %max3A_1172 = arith.maxsi %min3A, %max3A : i32
        %mul3A_1173 = arith.constant 16 : i32
        %mul3A_1174 = arith.muli %max3A_1172, %mul3A_1173 : i32
        %get3A_1175 = arith.index_cast %mul3A_1174 : i32 to index
        %get3A_1176 = tpu.vector_load %arg8[%get3A_1175] {strides = array<i32>} : memref<512xi32, #tpu.memory_space<vmem>>, vector<16xi32>,
        %mul3A_1177 = arith.constant 16 : i32
        %mul3A_1178 = arith.muli %max3A_1172, %mul3A_1177 : i32
        %add3A_1179 = vector.broadcast %mul3A_1178 : i32 to vector<16xi32>
        %add3A_1180 = arith.addi %add3A_1179, %iota3A : vector<16xi32>
        %lt3A_1181 = vector.broadcast %sub3A_1015 : i32 to vector<16xi32>
        %lt3A_1182 = arith.cmpi slt, %add3A_1180, %lt3A_1181 : vector<16xi32>
        %broadcast_in_dim3A_1183 = vector.broadcast %reduce_min3A_1024 : i32 to vector<16xi32>
        %select_n3A_1184 = arith.select %lt3A_1182, %get3A_1176, %broadcast_in_dim3A_1183 : vector<16xi1>, vector<16xi32>
        %sub3A_1185 = arith.subi %add3A_1159, %select_n3A : i32
        %sub3A_1186 = arith.constant 1 : i32
        %sub3A_1187 = arith.subi %select_n3A_1073, %sub3A_1186 : i32
        %min3A_1188 = arith.minsi %sub3A_1185, %sub3A_1187 : i32
        %max3A_1189 = arith.constant 0 : i32
        %max3A_1190 = arith.maxsi %min3A_1188, %max3A_1189 : i32
        %mul3A_1191 = arith.constant 16 : i32
        %mul3A_1192 = arith.muli %max3A_1190, %mul3A_1191 : i32
        %add3A_1193 = vector.broadcast %mul3A_1192 : i32 to vector<16xi32>
        %add3A_1194 = arith.addi %add3A_1193, %iota3A : vector<16xi32>
        %mul3A_1195 = arith.constant 16 : i32
        %mul3A_1196 = arith.muli %max3A_1190, %mul3A_1195 : i32
        %get3A_1197 = arith.index_cast %mul3A_1196 : i32 to index
        %get3A_1198 = tpu.vector_load %arg7[%get3A_1197] {strides = array<i32>} : memref<512xi32, #tpu.memory_space<vmem>>, vector<16xi32>,
        %lt3A_1199 = vector.broadcast %add3A_1013 : i32 to vector<16xi32>
        %lt3A_1200 = arith.cmpi slt, %add3A_1194, %lt3A_1199 : vector<16xi32>
        %jit3A_1201 = arith.constant -2147483647 : i32
        %broadcast_in_dim3A_1202 = vector.broadcast %jit3A_1201 : i32 to vector<16xi32>
        %select_n3A_1203 = arith.select %lt3A_1200, %get3A_1198, %broadcast_in_dim3A_1202 : vector<16xi1>, vector<16xi32>
        %reduce_max3A = arith.constant true
        %reduce_max3A_1204 = vector.broadcast %reduce_max3A : i1 to vector<16xi1>
        %reduce_max3A_1205 = arith.constant -2147483648 : i32
        %reduce_max3A_1206 = vector.broadcast %reduce_max3A_1205 : i32 to vector<16xi32>
        %reduce_max3A_1207 = arith.xori %select_n3A_1203, %reduce_max3A_1206 : vector<16xi32>
        %reduce_max3A_1208 = tpu.scan <max>, %reduce_max3A_1207 masked %reduce_max3A_1204 : vector<16xi32>, vector<16xi1> -> vector<16xi32>
        %reduce_max3A_1209 = arith.xori %reduce_max3A_1208, %reduce_max3A_1206 : vector<16xi32>
        %reduce_max3A_1210 = vector.extract %reduce_max3A_1209[15] : i32 from vector<16xi32>
        %broadcast_in_dim3A_1211 = vector.broadcast %reduce_max3A_1210 : i32 to vector<16xi32>
        %select_n3A_1212 = arith.select %lt3A_1200, %get3A_1198, %broadcast_in_dim3A_1211 : vector<16xi1>, vector<16xi32>
        %select_n3A_1213 = arith.select %lt3A_1169, %select_n3A_1184, %select_n3A_1212 : vector<16xi32>
        %dma_start3A = arith.constant 0 : i32
        %dma_start3A_1214 = arith.constant 0 : i32
        %dma_start3A_1215 = tpu.memref_slice %arg5[%dma_start3A, %dma_start3A_1214] : memref<16384x2048xf32, #tpu.memory_space<hbm>> -> memref<16384x2048xf32, #tpu.memory_space<hbm>>
        tpu.enqueue_indirect_dma source(%arg11 : memref<16x2048xf32, #tpu.memory_space<vmem>>) target(%dma_start3A_1215 : memref<16384x2048xf32, #tpu.memory_space<hbm>>) offsets(%select_n3A_1213 : vector<16xi32>) semaphore(%arg17 : memref<!tpu.dma_semaphore, #tpu.memory_space<semaphore_mem>>)
      } else {
      }
    }
    %gt3A_1113 = arith.constant 0 : i32
    %gt3A_1114 = arith.cmpi sgt, %add3A_1074, %gt3A_1113 : i32
    %convert_element_type3A = arith.extui %gt3A_1114 : i1 to i32
    %cond3A = arith.constant 0 : i32
    %cond3A_1115 = arith.cmpi ne, %convert_element_type3A, %cond3A : i32
    scf.if %cond3A_1115 {
      %dma_wait3A = arith.constant 0 : i32
      %dma_wait3A_1126 = arith.constant 0 : i32
      %dma_wait3A_1127 = tpu.memref_slice %arg2[%dma_wait3A, %dma_wait3A_1126] : memref<16384x2048xf32, #tpu.memory_space<hbm>> -> memref<16x2048xf32, #tpu.memory_space<hbm>>
      %dma_wait3A_1128 = arith.constant 0 : i32
      %dma_wait3A_1129 = arith.constant 0 : i32
      %dma_wait3A_1130 = tpu.memref_slice %arg2[%dma_wait3A_1128, %dma_wait3A_1129] : memref<16384x2048xf32, #tpu.memory_space<hbm>> -> memref<16x2048xf32, #tpu.memory_space<hbm>>
      tpu.wait_dma2 semaphore(%arg15 : memref<!tpu.dma_semaphore, #tpu.memory_space<semaphore_mem>>) src(%dma_wait3A_1130 : memref<16x2048xf32, #tpu.memory_space<hbm>>) dst(%arg9 : memref<16x2048xf32, #tpu.memory_space<vmem>>)
    } else {
    }
    %gt3A_1116 = arith.constant 1 : i32
    %gt3A_1117 = arith.cmpi sgt, %add3A_1074, %gt3A_1116 : i32
    %convert_element_type3A_1118 = arith.extui %gt3A_1117 : i1 to i32
    %cond3A_1119 = arith.constant 0 : i32
    %cond3A_1120 = arith.cmpi ne, %convert_element_type3A_1118, %cond3A_1119 : i32
    scf.if %cond3A_1120 {
      %dma_wait3A = arith.constant 0 : i32
      %dma_wait3A_1126 = arith.constant 0 : i32
      %dma_wait3A_1127 = tpu.memref_slice %arg2[%dma_wait3A, %dma_wait3A_1126] : memref<16384x2048xf32, #tpu.memory_space<hbm>> -> memref<16x2048xf32, #tpu.memory_space<hbm>>
      %dma_wait3A_1128 = arith.constant 0 : i32
      %dma_wait3A_1129 = arith.constant 0 : i32
      %dma_wait3A_1130 = tpu.memref_slice %arg2[%dma_wait3A_1128, %dma_wait3A_1129] : memref<16384x2048xf32, #tpu.memory_space<hbm>> -> memref<16x2048xf32, #tpu.memory_space<hbm>>
      tpu.wait_dma2 semaphore(%arg16 : memref<!tpu.dma_semaphore, #tpu.memory_space<semaphore_mem>>) src(%dma_wait3A_1130 : memref<16x2048xf32, #tpu.memory_space<hbm>>) dst(%arg9 : memref<16x2048xf32, #tpu.memory_space<vmem>>)
    } else {
    }
    %gt3A_1121 = arith.constant 2 : i32
    %gt3A_1122 = arith.cmpi sgt, %add3A_1074, %gt3A_1121 : i32
    %convert_element_type3A_1123 = arith.extui %gt3A_1122 : i1 to i32
    %cond3A_1124 = arith.constant 0 : i32
    %cond3A_1125 = arith.cmpi ne, %convert_element_type3A_1123, %cond3A_1124 : i32
    scf.if %cond3A_1125 {
      %dma_wait3A = arith.constant 0 : i32
      %dma_wait3A_1126 = arith.constant 0 : i32
      %dma_wait3A_1127 = tpu.memref_slice %arg2[%dma_wait3A, %dma_wait3A_1126] : memref<16384x2048xf32, #tpu.memory_space<hbm>> -> memref<16x2048xf32, #tpu.memory_space<hbm>>
      %dma_wait3A_1128 = arith.constant 0 : i32
      %dma_wait3A_1129 = arith.constant 0 : i32
      %dma_wait3A_1130 = tpu.memref_slice %arg2[%dma_wait3A_1128, %dma_wait3A_1129] : memref<16384x2048xf32, #tpu.memory_space<hbm>> -> memref<16x2048xf32, #tpu.memory_space<hbm>>
      tpu.wait_dma2 semaphore(%arg17 : memref<!tpu.dma_semaphore, #tpu.memory_space<semaphore_mem>>) src(%dma_wait3A_1130 : memref<16x2048xf32, #tpu.memory_space<hbm>>) dst(%arg9 : memref<16x2048xf32, #tpu.memory_space<vmem>>)
    } else {
    }
    return
  }
}

</mosaic_0001>

<sc_bundles>
// kernel: kernel.3.cloned.1.call-start
scs
__scs_entry_jumppad:
0x0: {  	(pc) =	sbr.rel $0x88, $3  }
0x1: {  	(tag) =	ssettag $0x0;
	lr =	simm.s32 $0x1  }
0x2: {  	[smem:$0x3F9E] =	sst lr;
	_ =	strace $0xD0000000  }
0x3: {  	_ = 	snop  }
0x4: {  	_ = 	snop  }
0x5: {  	_ = 	snop  }
0x6: {  	_ = 	snop  }
0x7: {  	_ = 	snop  }
__scs_overlays_trampoline_lowered:
0x8: {  	[smem:$0x3FAD] =	sst s0  }
0x9: {  	[smem:$0x3FAE] =	sst s1  }
0xa: {  	[smem:$0x3FAF] =	sst s2  }
0xb: {  	[smem:$0x3FB0] =	sst s3  }
0xc: {  	[smem:$0x3FB1] =	sst s4  }
0xd: {  	[smem:$0x3FB2] =	sst s5  }
0xe: {  	[smem:$0x3FB3] =	sst s6  }
0xf: {  	[smem:$0x3FB4] =	sst s7  }
0x10: {  	[smem:$0x3FB5] =	sst s8  }
0x11: {  	[smem:$0x3FB6] =	sst s9;
	s0 =	simm.s32 @!p0 $0x0  }
0x12: {  	s1 =	sld [smem:$0x3F9C];
	s0 =	simm.s32 @p0 $0x1  }
0x13: {  	[smem:$0x3FB7] =	sst s0;
	s0 =	simm.s32 @!p1 $0x0  }
0x14: {  	s2 =	sld [smem:$0x3F9B];
	s0 =	simm.s32 @p1 $0x1  }
0x15: {  	[smem:$0x3FB8] =	sst s0;
	s0 =	simm.s32 @!p2 $0x0  }
0x16: {  	s3 =	sld [smem:$0x3FDB];
	s0 =	simm.s32 @p2 $0x1  }
0x17: {  	s4 =	simm.s32 $0x1BF5;
	[smem:$0x3FBA] =	sst s0  }
0x18: {  	s0 =	sld [smem:$0x3F9D];
	_ =	swait.ge [sflag:s4], $0x0  }
0x19: {  	s7 =	sld [smem:$0x3F9E]  }
0x1a: {  	s8 =	sadd.s32 $0xFFFFE003, lr  }
0x1b: {  	s9 =	sadd.s32 $0xFFFFFEF7, lr;
	s5 =	simm.s32 $0xFFFFFFFF;
	p2 =	slt.u32 s8, $0xFFFFF086  }
0x1c: {  	p1 =	slt.u32 s9, $0xF7A;
	s5 =	simm.s32 @!p2 $0x0  }
0x1d: {  	s5 =	simm.s32 @p1 $0x1;
	p0 =	seq.s32 s7, s2  }
0x1e: {  	s7 =	smul.u32 @!p0 $0xF7A, s2;
	p2 =	seq.s32 @!p0 s5, $0x0  }
0x1f: {  	s9 =	smul.u32 $0xF7A, s1;
	s8 =	simm.s32 @!p0 $0x1BF5;
	p2 =	por !p2, p0  }
0x20: {  	[sflag:s8] =	ssyncset.s32 @!p0 $0xFFFFF086;
	s6 =	sadd.s32 @!p0 s3, s7;
	s7 =	simm.s32 @!p0 $0x108  }
0x21: {  	s3 =	sadd.s32 s3, s9;
	s6 =	sadd.s32 @!p0 $0x88, s6;
	s7 =	simm.s32 @p2 $0x1082  }
0x22: {  	[simem:s7], [sflag:s8] =	dma.local @!p0 [hbm:s6], $0xF7A  }
0x23: {  	s9 =	sor.u32 $0xD0000000, s2;
	s6 =	simm.s32 $0x108;
	_ =	swait.ge @!p0 [sflag:s8], $0x0  }
0x24: {  	s3 =	sadd.s32 $0x88, s3;
	s6 =	simm.s32 @!p1 $0x1082;
	[sflag:s4] =	ssyncset.s32 $0xFFFFF086  }
0x25: {  	[simem:s6], [sflag:s4] =	dma.local [hbm:s3], $0xF7A  }
0x26: {  	[smem:$0x3F9E] =	sst s1;
	(tag) =	ssettag s2;
	_ =	strace s9  }
0x27: {  	s1 =	sld [smem:$0x3FAE]  }
0x28: {  	s2 =	sld [smem:$0x3FAF]  }
0x29: {  	s4 =	sld [smem:$0x3FB1]  }
0x2a: {  	p0 =	seq.s32 s5, $0x0;
	s5 =	sld [smem:$0x3FB2]  }
0x2b: {  	s6 =	sld [smem:$0x3FB3]  }
0x2c: {  	s7 =	sld [smem:$0x3FB4]  }
0x2d: {  	s3 =	simm.s32 $0x108;
	s8 =	sld [smem:$0x3FB5]  }
0x2e: {  	s3 =	simm.s32 @!p0 $0x1082;
	s9 =	sld [smem:$0x3FB6]  }
0x2f: {  	lr =	sadd.s32 s0, s3;
	s0 =	sld [smem:$0x3FAD]  }
0x30: {  	s3 =	sld [smem:$0x3FB0]  }
0x31: {  	[smem:$0x3FB9] =	sst s10  }
0x32: {  	s10 =	sld [smem:$0x3FB7];
	_ =	sdelay $0x3  }
0x33: {  	p0 =	seq.s32 s10, $0x1;
	s10 =	sld [smem:$0x3FB9];
	_ =	sdelay $0x3  }
0x34: {  	[smem:$0x3FB9] =	sst s10  }
0x35: {  	s10 =	sld [smem:$0x3FB8];
	_ =	sdelay $0x3  }
0x36: {  	p1 =	seq.s32 s10, $0x1;
	s10 =	sld [smem:$0x3FB9];
	_ =	sdelay $0x3  }
0x37: {  	[smem:$0x3FB9] =	sst s10  }
0x38: {  	s10 =	sld [smem:$0x3FBA]  }
0x39: {  	_ = 	snop;
	(pc) =	sbr.ind lr, $3  }
0x3a: {  	_ = 	snop  }
0x3b: {  	_ = 	snop  }
0x3c: {  	p2 =	seq.s32 s10, $0x1;
	s10 =	sld [smem:$0x3FB9]  }
0x3d: {  	_ =	shalt  }
0x3e: {  	_ =	shalt  }
0x3f: {  	_ =	shalt  }
0x40: {  	_ =	shalt  }
0x41: {  	_ =	shalt  }
0x42: {  	_ =	shalt  }
0x43: {  	_ =	shalt  }
0x44: {  	_ =	shalt  }
0x45: {  	_ =	shalt  }
0x46: {  	_ =	shalt  }
0x47: {  	_ =	shalt  }
0x48: {  	_ =	shalt  }
0x49: {  	_ =	shalt  }
0x4a: {  	_ =	shalt  }
0x4b: {  	_ =	shalt  }
0x4c: {  	_ =	shalt  }
0x4d: {  	_ =	shalt  }
0x4e: {  	_ =	shalt  }
0x4f: {  	_ =	shalt  }
0x50: {  	_ =	shalt  }
0x51: {  	_ =	shalt  }
0x52: {  	_ =	shalt  }
0x53: {  	_ =	shalt  }
0x54: {  	_ =	shalt  }
0x55: {  	_ =	shalt  }
0x56: {  	_ =	shalt  }
0x57: {  	_ =	shalt  }
0x58: {  	_ =	shalt  }
0x59: {  	_ =	shalt  }
0x5a: {  	_ =	shalt  }
0x5b: {  	_ =	shalt  }
0x5c: {  	_ =	shalt  }
0x5d: {  	_ =	shalt  }
0x5e: {  	_ =	shalt  }
0x5f: {  	_ =	shalt  }
0x60: {  	_ =	shalt  }
0x61: {  	_ =	shalt  }
0x62: {  	_ =	shalt  }
0x63: {  	_ =	shalt  }
0x64: {  	_ =	shalt  }
0x65: {  	_ =	shalt  }
0x66: {  	_ =	shalt  }
0x67: {  	_ =	shalt  }
0x68: {  	_ =	shalt  }
0x69: {  	_ =	shalt  }
0x6a: {  	_ =	shalt  }
0x6b: {  	_ =	shalt  }
0x6c: {  	_ =	shalt  }
0x6d: {  	_ =	shalt  }
0x6e: {  	_ =	shalt  }
0x6f: {  	_ =	shalt  }
0x70: {  	_ =	shalt  }
0x71: {  	_ =	shalt  }
0x72: {  	_ =	shalt  }
0x73: {  	_ =	shalt  }
0x74: {  	_ =	shalt  }
0x75: {  	_ =	shalt  }
0x76: {  	_ =	shalt  }
0x77: {  	_ =	shalt  }
0x78: {  	_ =	shalt  }
0x79: {  	_ =	shalt  }
0x7a: {  	_ =	shalt  }
0x7b: {  	_ =	shalt  }
0x7c: {  	_ =	shalt  }
0x7d: {  	_ =	shalt  }
0x7e: {  	_ =	shalt  }
0x7f: {  	_ =	shalt  }
0x80: {  	_ =	shalt  }
0x81: {  	_ =	shalt  }
0x82: {  	_ =	shalt  }
0x83: {  	_ =	shalt  }
0x84: {  	_ =	shalt  }
0x85: {  	_ =	shalt  }
0x86: {  	_ =	shalt  }
0x87: {  	_ =	shalt  }
.Lfunc_end0:
.L_simem_size_0:
called_computation_lowered:
.L_overlay_start_0:
0x88: {  	s2 =	sld [smem:$0x3FD9]  }
0x89: {  	s3 =	sld [smem:$0x3FFE];
	_ =	sdelay $0x1  }
0x8a: {  	s1 =	srdreg.scid  }
0x8b: {  	s0 =	sand.u32 $0x1, s1  }
0x8c: {  	s17 =	sshll.u32 s0, $0xA;
	s2 =	sadd.s32 s3, s2  }
0x8d: {  	s2 =	sadd.s32 s2, s17  }
0x8e: {  	[smem:$0x3FC5] =	sst s2  }
0x8f: {  	_ = 	snop  }
0x90: {  	s2 =	sld [smem:$0x3FC9]  }
0x91: {  	s18 =	sld [smem:$0x3FC7]  }
0x92: {  	s4 =	sld [smem:$0x3FD0];
	(tm) =	ssettm $0x1  }
0x93: {  	s5 =	sld [smem:$0x3FFB];
	_ =	sdelay $0x3  }
0x94: {  	_ =	strace s5  }
0x95: {  	s5 =	sld [smem:$0x3FFC];
	_ =	sdelay $0x3  }
0x96: {  	_ =	strace s5  }
0x97: {  	s5 =	sld [smem:$0x3FFD];
	_ =	sdelay $0x3  }
0x98: {  	_ =	strace s5  }
0x99: {  	_ =	strace $0x8FFFFFFF  }
0x9a: {  	s19 =	sld [smem:$0x3FDB];
	_ =	sdelay $0x1  }
0x9b: {  	s6 =	simm.s32 $_scs_section_size  }
0x9c: {  	s7 =	simm.s32 $_size__tile_overlayer_lowered;
	s8 =	simm.s32 $_tile_overlayer_lowered  }
0x9d: {  	s22 =	simm.s32 $0x1BFF;
	s21 =	sshll.u32 s8, $0x1;
	s5 =	sadd.s32 s6, s19  }
0x9e: {  	s9 =	simm.s32 $0x0;
	s20 =	sshll.u32 s7, $0x1;
	s7 =	sadd.s32 s21, s5  }
0x9f: {  	[timem:s9], [sflag:s22] =	dma.local [hbm:s7], s20  }
0xa0: {  	_ =	swait.ge [sflag:s22], s20  }
0xa1: {  	s6 =	ssub.s32 $0x0, s20;
	[sflag:s22] =	ssyncset.done $0x0  }
0xa2: {  	[sflag:s22] =	ssyncadd.s32 s6;
	_ =	sdelay $0x1  }
0xa3: {  	s23 =	simm.s32 $0x1B8B  }
0xa4: {  	_ =	swait.ge [sflag:s23], $0x1  }
0xa5: {  	[sflag:s23] =	ssyncset.done $0x0  }
0xa6: {  	s25 =	simm.s32 $0x1B8E;
	s24 =	sld [smem:$0x3FFE];
	[sflag:s23] =	ssyncadd.s32 $0xFFFFFFFF  }
0xa7: {  	s26 =	simm.s32 $execute0_lowered;
	[smem:$0x3FD2] =	sst s25  }
0xa8: {  	s7 =	sshll.u32 s26, $0x1;
	_ =	strace $0x80000046;
	[dreg:$0x1] =	wrdreg $0xFFFFFFFF  }
0xa9: {  	s28 =	simm.s32 $_size_execute0_lowered;
	s5 =	sadd.s32 s5, s7;
	[dreg:$0x0] =	wrdreg $0x0  }
0xaa: {  	s7 =	sshll.u32 s28, $0x1;
	[dreg:$0x2] =	wrdreg s5  }
0xab: {  	[dreg:$0x3] =	wrdreg s7  }
0xac: {  	[dreg:$0x4] =	wrdreg $0xC0  }
0xad: {  	_ =	task [dreg:s9], $0x5FFFF  }
0xae: {  	[dreg:$0x1] =	wrdreg $0xFFFFFFFF  }
0xaf: {  	[dreg:$0x0] =	wrdreg $0x60  }
0xb0: {  	[dreg:$0x2] =	wrdreg s2  }
0xb1: {  	[dreg:$0x3] =	wrdreg s24  }
0xb2: {  	[dreg:$0x4] =	wrdreg s18  }
0xb3: {  	[dreg:$0x5] =	wrdreg s4  }
0xb4: {  	[dreg:$0x6] =	wrdreg $0x9  }
0xb5: {  	_ =	task.clear_ibuf [dreg:s9], $0x7FFFF;
	_ =	strace $0x90000046  }
0xb6: {  	s29 =	simm.s32 $0x9;
	_ =	strace $0x80000048  }
0xb7: {  	_ =	swait.ge [sflag:s29], $0x1  }
0xb8: {  	[sflag:s29] =	ssyncadd.s32 $0xFFFFFFFF  }
0xb9: {  	_ =	strace $0x90000048  }
0xba: {  	_ =	sfence  }
0xbb: {  	s30 =	sld [smem:$0x0];
	_ =	sdelay $0x2  }
0xbc: {  	s31 =	sshll.u32 s1, $0xD;
	s1 =	sshrl.u32 s1, $0x2  }
0xbd: {  	s3 =	sand.u32 $0x4000, s31;
	s1 =	sadd.s32 s1, s30  }
0xbe: {  	s0 =	sor.u32 s3, s0;
	s1 =	sshll.u32 s1, $0x11  }
0xbf: {  	s0 =	sor.u32 s1, s0  }
0xc0: {  	s0 =	sadd.s32 $0x8F2B, s0  }
0xc1: {  	[sflag:s0] =	ssyncadd.remote.s32 $0x1  }
0xc2: {  	_ =	sfence.sel $0xFFFF  }
0xc3: {  	[dreg:$0x0] =	wrdreg $0xFFFFFFFF;
	(pc) =	sbr.abs _section_cstart, $3  }
0xc4: {  	[dreg:$0x1] =	wrdreg $0xFFFFFFFF  }
0xc5: {  	_ =	task.clear_ibuf [dreg:s9], $0x2FFFF;
	_ =	strace $0x9FFFFFFF  }
0xc6: {  	(tm) =	ssettm $0x7FFFFFFF  }
0xc7: {  	_ =	shalt  }
tec
execute0_lowered:
.L_overlay_start_1:
0x0: {  	(tag) =	ssettag $0x1  }
0x1: {  	s15 =	rddreg [dreg:$0x0]  }
0x2: {  	s0 =	rddreg [dreg:$0x1]  }
0x3: {  	s1 =	srdreg.scid;
	s12 =	stileid.u32  }
0x4: {  	s16 =	rddreg [dreg:$0x2];
	s1 =	sand.u32 $0x1, s1;
	s3 =	sshll.u32 s12, $0x1  }
0x5: {  	s20 =	rddreg [dreg:$0x3];
	s0 =	sadd.s32 $0x400, s0;
	s5 =	sor.u32 s1, s3  }
0x6: {  	_ =	strace $0x80000047;
	[dreg:$0x5] =	wrdreg s0;
	s21 =	sshll.u32 s5, $0x9  }
0x7: {  	s13 =	sor.u32 $0xB0, s21;
	[dreg:$0x6] =	wrdreg s21  }
0x8: {  	s12 =	sshll.u32 s12, $0x4;
	s26 =	sor.u32 $0xC0, s21;
	[smem:$0x7F6] =	sst s13  }
0x9: {  	s2 =	ssub.s32 $0x2, s1;
	s14 =	sor.u32 $0xD0, s21;
	[smem:$0x7F7] =	sst s26  }
0xa: {  	s1 =	sshll.u32 s1, $0x3;
	s17 =	sor.u32 $0xE0, s21;
	[smem:$0x7F8] =	sst s14  }
0xb: {  	s1 =	sor.u32 s1, s12;
	s18 =	sor.u32 $0xF0, s21;
	[smem:$0x7F9] =	sst s17  }
0xc: {  	s1 =	smax.u32 s1, $0x1;
	[smem:$0x7FA] =	sst s18  }
0xd: {  	s19 =	sor.u32 $0x120, s21;
	[dreg:$0xa] =	wrdreg s1  }
0xe: {  	s24 =	sor.u32 $0x150, s21;
	[smem:$0x7FB] =	sst s19  }
0xf: {  	s25 =	sor.u32 $0x160, s21;
	[dreg:$0x1f] =	wrdreg s24  }
0x10: {  	p0 =	seq.s32 s5, $0x0;
	s5 =	sor.u32 $0x1A0, s21;
	[smem:$0x7FC] =	sst s25  }
0x11: {  	s4 =	sshrl.u32 s2, $0x1;
	s22 =	sor.u32 $0x80, s21;
	[dreg:$0x1d] =	wrdreg s5  }
0x12: {  	s2 =	ssub.s32 s2, s4;
	s23 =	sor.u32 $0x100, s21;
	[dreg:$0x7] =	wrdreg s22  }
0x13: {  	s2 =	smax.u32 s2, $0x1;
	[dreg:$0x8] =	wrdreg s23  }
0x14: {  	s26 =	sor.u32 $0x170, s21;
	[dreg:$0x9] =	wrdreg s2  }
0x15: {  	s17 =	sor.u32 $0x1B0, s21;
	[smem:$0x7FD] =	sst s26  }
0x16: {  	s18 =	sor.u32 $0x1D0, s21;
	[dreg:$0x1e] =	wrdreg s17  }
0x17: {  	s19 =	sor.u32 $0x1E0, s21;
	[dreg:$0x1a] =	wrdreg s18  }
0x18: {  	s5 =	sadd.s32 $0x300, s16;
	[dreg:$0x1b] =	wrdreg s19  }
0x19: {  	v0 =	vlaneseq.u32;
	s4 =	sor.u32 $0x30, s21;
	[dreg:$0xe] =	wrdreg s5  }
0x1a: {  	s6 =	sor.u32 $0x40, s21;
	v3 =	vor.u32 s4, v0;
	s4 =	sld [smem:$0x7F6]  }
0x1b: {  	s7 =	sor.u32 $0x50, s21;
	v4 =	vor.u32 s6, v0;
	s6 =	sld [smem:$0x7F7]  }
0x1c: {  	s8 =	sor.u32 $0x60, s21;
	v5 =	vor.u32 s7, v0;
	s7 =	sld [smem:$0x7F8]  }
0x1d: {  	s9 =	sor.u32 $0x90, s21;
	v6 =	vor.u32 s8, v0;
	s8 =	sld [smem:$0x7F9]  }
0x1e: {  	s10 =	sor.u32 $0xA0, s21;
	v8 =	vor.u32 s9, v0;
	s9 =	sld [smem:$0x7FA]  }
0x1f: {  	s11 =	sor.u32 $0x70, s21;
	v9 =	vor.u32 s10, v0;
	s10 =	sld [smem:$0x7FB]  }
0x20: {  	s12 =	sor.u32 $0x110, s21;
	v7 =	vor.u32 s11, v0;
	s11 =	rddreg [dreg:$0x1f]  }
0x21: {  	s24 =	sor.u32 $0x180, s21;
	v15 =	vor.u32 s12, v0;
	s12 =	sld [smem:$0x7FC]  }
0x22: {  	s2 =	sor.u32 $0x190, s21;
	[dreg:$0xb] =	wrdreg s24  }
0x23: {  	s26 =	sadd.s32 $0x100, s16;
	[dreg:$0x1c] =	wrdreg s2  }
0x24: {  	s28 =	sadd.s32 $0x500, s15;
	s17 =	sadd.s32 $0x400, s16;
	[dreg:$0xc] =	wrdreg s26  }
0x25: {  	s29 =	sadd.s32 $0x600, s15;
	s19 =	sadd.s32 $0x500, s16;
	[dreg:$0xf] =	wrdreg s17  }
0x26: {  	s30 =	sadd.s32 $0x700, s15;
	s13 =	sor.u32 $0x130, s21;
	[dreg:$0x10] =	wrdreg s19  }
0x27: {  	s31 =	sadd.s32 $0x100, s20;
	s25 =	sor.u32 $0x1C0, s21;
	v17 =	vor.u32 s13, v0;
	s13 =	sld [smem:$0x7FD]  }
0x28: {  	s0 =	sor.u32 $0x10, s21;
	v25 =	vor.u32 s25, v0;
	s2 =	sadd.s32 $0x200, s16;
	s25 =	rddreg [dreg:$0x1b]  }
0x29: {  	s3 =	sor.u32 $0x20, s21;
	s26 =	sadd.s32 $0x600, s16;
	[dreg:$0xd] =	wrdreg s2  }
0x2a: {  	s14 =	sor.u32 $0x140, s21;
	s5 =	sadd.s32 $0x100, s15;
	[dreg:$0x11] =	wrdreg s26  }
0x2b: {  	v18 =	vor.u32 s14, v0;
	s19 =	sadd.s32 $0x200, s15;
	s2 =	sadd.s32 $0x700, s16;
	s14 =	rddreg [dreg:$0x1c]  }
0x2c: {  	s17 =	sadd.s32 $0x300, s15;
	s16 =	sadd.s32 $0x400, s20;
	[dreg:$0x12] =	wrdreg s2  }
0x2d: {  	v33 =	vimm.s32 $0x40000000;
	s26 =	sadd.s32 $0x400, s15;
	s15 =	sadd.s32 $0x500, s20;
	[dreg:$0x13] =	wrdreg s16  }
0x2e: {  	v29 =	vor.u32 s21, v0;
	s1 =	sadd.s32 $0x200, s20;
	v1 =	vor.u32 s0, v0;
	v2 =	vor.u32 s3, v0;
	s18 =	sor.u32 $0x1F0, s21;
	[dreg:$0x14] =	wrdreg s15  }
0x2f: {  	v30 =	vor.u32 s22, v0;
	v31 =	vor.u32 s23, v0;
	v32 =	vor.u32 s24, v0;
	s2 =	sadd.s32 $0x300, s20;
	s16 =	sadd.s32 $0x600, s20;
	s15 =	rddreg [dreg:$0x1d]  }
.Ltmp0:
0x30: {  	v19 =	vor.u32 s11, v0;
	v28 =	vor.u32 s18, v0;
	v27 =	vor.u32 s25, v0;
	s20 =	sadd.s32 $0x700, s20;
	[dreg:$0x15] =	wrdreg s16;
	(pc) =	sbr.rel .LBB2_1-.Ltmp0, $4  }
0x31: {  	v10 =	vor.u32 s4, v0;
	v11 =	vor.u32 s6, v0;
	v12 =	vor.u32 s7, v0;
	[dreg:$0x16] =	wrdreg s20  }
0x32: {  	v13 =	vor.u32 s8, v0;
	v14 =	vor.u32 s9, v0;
	v16 =	vor.u32 s10, v0;
	s16 =	rddreg [dreg:$0x1e]  }
0x33: {  	v20 =	vor.u32 s12, v0;
	v22 =	vor.u32 s14, v0;
	v21 =	vor.u32 s13, v0;
	s20 =	rddreg [dreg:$0x1a]  }
0x34: {  	[dreg:$0x17] =	wrdreg s5;
	s5 =	simm.s32 $0x0;
	s4 =	simm.s32 $0x0;
	v23 =	vor.u32 s15, v0;
	v24 =	vor.u32 s16, v0;
	v26 =	vor.u32 s20, v0  }
.LBB2_21:
0x35: {  	p1 =	slt.s32 s3, $0x1  }
0x36: {  	s0 =	simm.s32 @!p1 $0x4  }
0x37: {  	p2 =	seq.s32 @!p1 s3, $0x1;
	_ =	swait.ge @!p1 [sflag:s0], $0x8000  }
0x38: {  	p3 =	por p2, p1;
	[sflag:s0] =	ssyncset.done @!p1 $0x0  }
0x39: {  	p4 =	slt.u32 @!p3 s3, $0x3;
	[sflag:s0] =	ssyncadd.s32 @!p1 $0xFFFF8000;
	s0 =	simm.s32 @!p3 $0x5  }
0x3a: {  	p2 =	por @!p1 p4, p2;
	_ =	swait.ge @!p3 [sflag:s0], $0x8000  }
0x3b: {  	p1 =	por p2, p1;
	[sflag:s0] =	ssyncset.done @!p3 $0x0  }
0x3c: {  	[sflag:s0] =	ssyncadd.s32 @!p3 $0xFFFF8000;
	s0 =	simm.s32 @!p1 $0x6  }
0x3d: {  	_ =	swait.ge @!p1 [sflag:s0], $0x8000  }
0x3e: {  	s4 =	rddreg [dreg:$0x18]  }
0x3f: {  	s25 =	rddreg [dreg:$0x9];
	s4 =	sadd.s32 $0x1, s4  }
0x40: {  	p2 =	sne.s32 s4, s25  }
.Ltmp1:
0x41: {  	_ = 	snop;
	(pc) =	sbr.rel @!p2 .LBB2_22-.Ltmp1, $3  }
0x42: {  	_ =	sdelay $0x1  }
0x43: {  	[sflag:s0] =	ssyncset.done @!p1 $0x0  }
0x44: {  	[sflag:s0] =	ssyncadd.s32 @!p1 $0xFFFF8000  }
.LBB2_1:
.Ltmp2:
0x45: {  	s0 =	rddreg [dreg:$0x5];
	s25 =	simm.s32 $0x7;
	(pc) =	sbr.rel @p0 .LBB2_2-.Ltmp2, $4  }
0x46: {  	[tilespmem:s5], [sflag:$0x7] =	stream.linear.gather [hbm4b:s0+s5], $0x4000, $0x38;
	[tilespmem:$0x1C400] =	vst v63  }
0x47: {  	_ =	swait.ge [sflag:s25], $0x4000  }
0x48: {  	[sflag:s25] =	ssyncset.done $0x0  }
0x49: {  	s3 =	simm.s32 $0x20;
	v34 =	vimm.s32 $0x0;
	[dreg:$0x18] =	wrdreg s4;
	[sflag:s25] =	ssyncadd.s32 $0xFFFFC000  }
0x4a: {  	s0 =	rddreg [dreg:$0xa]  }
0x4b: {  	v35 =	vld [tilespmem:s3+$0x10];
	p1 =	sne.s32 s0, $0x1  }
.Ltmp3:
0x4c: {  	v36 =	vld [tilespmem:s3+$0xFFFFFFF0];
	(pc) =	sbr.rel @!p1 .LBB2_5-.Ltmp3, $3  }
0x4d: {  	v37 =	vld [tilespmem:s3+$0x0]  }
0x4e: {  	v38 =	vld [tilespmem:s3+$0xFFFFFFE0];
	_ =	sdelay $0x1  }
0x4f: {  	s3 =	sadd.s32 $0x40, s3;
	v39 =	vimm.s32 $0x0;
	v40 =	vimm.s32 $0x0;
	s0 =	sadd.s32 $0xFFFFFFFF, s0;
	v35 =	vadd.s32 v34, v35  }
.LBB2_4:
0x50: {  	v41 =	vld [tilespmem:s3+$0x10];
	p1 =	sne.s32 s0, $0x1;
	s0 =	sadd.s32 $0xFFFFFFFF, s0;
	v34 =	vadd.s32 v34, v36  }
.Ltmp4:
0x51: {  	v36 =	vld [tilespmem:s3+$0xFFFFFFF0];
	v39 =	vadd.s32 v39, v37;
	(pc) =	sbr.rel @p1 .LBB2_4-.Ltmp4, $3  }
0x52: {  	v37 =	vld [tilespmem:s3+$0x0];
	v40 =	vadd.s32 v40, v38  }
0x53: {  	v38 =	vld [tilespmem:s3+$0xFFFFFFE0];
	_ =	sdelay $0x1  }
0x54: {  	s3 =	sadd.s32 $0x40, s3;
	v35 =	vadd.s32 v35, v41  }
.LBB2_5:
.Ltmp5:
0x55: {  	(pc) =	sbr.rel .LBB2_6-.Ltmp5, $2  }
0x56: {  	_ =	sdelay $0x2  }
0x57: {  	v36 =	vadd.s32 v34, v36;
	v37 =	vadd.s32 v39, v37;
	v34 =	vadd.s32 v40, v38  }
.LBB2_2:
0x58: {  	v36 =	vimm.s32 $0x0;
	v37 =	vimm.s32 $0x0;
	v35 =	vimm.s32 $0x0  }
.LBB2_6:
0x59: {  	[tilespmem:$0x4200] =	vst v33  }
0x5a: {  	[tilespmem:$0x4210] =	vst v33  }
0x5b: {  	[tilespmem:$0x4220] =	vst v33  }
0x5c: {  	[tilespmem:$0x4230] =	vst v33  }
0x5d: {  	[tilespmem:$0x4240] =	vst v33  }
0x5e: {  	[tilespmem:$0x4250] =	vst v33  }
0x5f: {  	[tilespmem:$0x4260] =	vst v33  }
0x60: {  	[tilespmem:$0x4270] =	vst v33  }
0x61: {  	[tilespmem:$0x4280] =	vst v33  }
0x62: {  	[tilespmem:$0x4290] =	vst v33  }
0x63: {  	[tilespmem:$0x42A0] =	vst v33  }
0x64: {  	[tilespmem:$0x42B0] =	vst v33  }
0x65: {  	[tilespmem:$0x42C0] =	vst v33  }
0x66: {  	[tilespmem:$0x42D0] =	vst v33  }
0x67: {  	[tilespmem:$0x42E0] =	vst v33  }
0x68: {  	[tilespmem:$0x42F0] =	vst v33  }
0x69: {  	[tilespmem:$0x4300] =	vst v33  }
0x6a: {  	[tilespmem:$0x4310] =	vst v33  }
0x6b: {  	[tilespmem:$0x4320] =	vst v33  }
0x6c: {  	[tilespmem:$0x4330] =	vst v33  }
0x6d: {  	[tilespmem:$0x4340] =	vst v33  }
0x6e: {  	[tilespmem:$0x4350] =	vst v33  }
0x6f: {  	[tilespmem:$0x4360] =	vst v33  }
0x70: {  	[tilespmem:$0x4370] =	vst v33  }
0x71: {  	[tilespmem:$0x4380] =	vst v33  }
0x72: {  	[tilespmem:$0x4390] =	vst v33  }
0x73: {  	[tilespmem:$0x43A0] =	vst v33  }
0x74: {  	[tilespmem:$0x43B0] =	vst v33  }
0x75: {  	[tilespmem:$0x43C0] =	vst v33  }
0x76: {  	[tilespmem:$0x43D0] =	vst v33  }
0x77: {  	[tilespmem:$0x43E0] =	vst v33  }
0x78: {  	[tilespmem:$0x43F0] =	vst v33;
	s4 =	rddreg [dreg:$0x6]  }
0x79: {  	v38 =	vld [tilespmem:s4+$0x0];
	_ =	sdelay $0x4  }
0x7a: {  	(xrf0) =	vadd.scan.msk.s32 $0xffff, v38;
	_ =	sdelay $0x5  }
0x7b: {  	vm0 =	vgt.s32 v38, $0x0;
	v39, _, _ =	vpop (xrf0)  }
0x7c: {  	vm1 =	vle.s32 v38, $0x0;
	v38 =	vsub.s32 v39, v38  }
0x7d: {  	v40 =	vsub.s32 v0, v38;
	_ =	sdelay $0x1  }
0x7e: {  	(v2sf) =	vpush v39, $0xF  }
0x7f: {  	s13 =	simm.s32 $0x4000  }
0x80: {  	s14 =	simm.s32 $0x4200;
	[tilespmem:v38+s13+$0x0] =	vst.idx.msk vm0, v29  }
0x81: {  	[tilespmem:v40+s14+$0x0] =	vst.idx.msk vm1, v29  }
0x82: {  	v38 =	vld [tilespmem:s4+$0x10];
	_ =	sdelay $0x4  }
0x83: {  	(xrf0) =	vadd.scan.msk.s32 $0xffff, v38;
	_ =	sdelay $0x5  }
0x84: {  	v39 =	vbroadcast v39, $0xF;
	s0 =	spop (v2sf);
	v51, _, _ =	vpop (xrf0)  }
0x85: {  	vm14 =	vgt.s32 v38, $0x0;
	s3 =	ssub.s32 $0x10, s0;
	v41 =	vsub.s32 v51, v38  }
0x86: {  	vm15 =	vle.s32 v38, $0x0;
	v52 =	vadd.s32 v39, v41;
	v53 =	vsub.s32 s3, v41  }
0x87: {  	v39 =	vadd.s32 v0, v53  }
0x88: {  	(v2sf) =	vpush v51, $0xF;
	_ =	sdelay $0x2  }
0x89: {  	[tilespmem:v52+s13+$0x0] =	vst.idx.msk vm14, v1  }
0x8a: {  	[tilespmem:v39+s14+$0x0] =	vst.idx.msk vm15, v1  }
0x8b: {  	v38 =	vld [tilespmem:s4+$0x20];
	_ =	sdelay $0x4  }
0x8c: {  	(xrf0) =	vadd.scan.msk.s32 $0xffff, v38;
	_ =	sdelay $0x4  }
0x8d: {  	s21 =	spop (v2sf)  }
0x8e: {  	s0 =	sadd.s32 s0, s21;
	v54, _, _ =	vpop (xrf0)  }
0x8f: {  	vm4 =	vgt.s32 v38, $0x0;
	s3 =	ssub.s32 $0x20, s0;
	v55 =	vsub.s32 v54, v38  }
0x90: {  	vm5 =	vle.s32 v38, $0x0;
	v56 =	vadd.s32 s0, v55;
	v40 =	vsub.s32 s3, v55  }
0x91: {  	v40 =	vadd.s32 v0, v40  }
0x92: {  	(v2sf) =	vpush v54, $0xF;
	_ =	sdelay $0x2  }
0x93: {  	[tilespmem:v56+s13+$0x0] =	vst.idx.msk vm4, v2  }
0x94: {  	[tilespmem:v40+s14+$0x0] =	vst.idx.msk vm5, v2  }
0x95: {  	v38 =	vld [tilespmem:s4+$0x30];
	_ =	sdelay $0x4  }
0x96: {  	(xrf0) =	vadd.scan.msk.s32 $0xffff, v38;
	_ =	sdelay $0x4  }
0x97: {  	s22 =	spop (v2sf)  }
0x98: {  	s0 =	sadd.s32 s0, s22;
	v57, _, _ =	vpop (xrf0)  }
0x99: {  	vm6 =	vgt.s32 v38, $0x0;
	s3 =	ssub.s32 $0x30, s0;
	v58 =	vsub.s32 v57, v38  }
0x9a: {  	vm7 =	vle.s32 v38, $0x0;
	v59 =	vadd.s32 s0, v58;
	v40 =	vsub.s32 s3, v58  }
0x9b: {  	v40 =	vadd.s32 v0, v40  }
0x9c: {  	(v2sf) =	vpush v57, $0xF;
	_ =	sdelay $0x2  }
0x9d: {  	[tilespmem:v59+s13+$0x0] =	vst.idx.msk vm6, v3  }
0x9e: {  	[tilespmem:v40+s14+$0x0] =	vst.idx.msk vm7, v3  }
0x9f: {  	v38 =	vld [tilespmem:s4+$0x40];
	_ =	sdelay $0x4  }
0xa0: {  	(xrf0) =	vadd.scan.msk.s32 $0xffff, v38;
	_ =	sdelay $0x4  }
0xa1: {  	s23 =	spop (v2sf)  }
0xa2: {  	s0 =	sadd.s32 s0, s23;
	v60, _, _ =	vpop (xrf0)  }
0xa3: {  	vm8 =	vgt.s32 v38, $0x0;
	s3 =	ssub.s32 $0x40, s0;
	v61 =	vsub.s32 v60, v38  }
0xa4: {  	vm9 =	vle.s32 v38, $0x0;
	v62 =	vadd.s32 s0, v61;
	v40 =	vsub.s32 s3, v61  }
0xa5: {  	v40 =	vadd.s32 v0, v40  }
0xa6: {  	(v2sf) =	vpush v60, $0xF;
	_ =	sdelay $0x2  }
0xa7: {  	[tilespmem:v62+s13+$0x0] =	vst.idx.msk vm8, v4  }
0xa8: {  	[tilespmem:v40+s14+$0x0] =	vst.idx.msk vm9, v4  }
0xa9: {  	v38 =	vld [tilespmem:s4+$0x50];
	_ =	sdelay $0x4  }
0xaa: {  	(xrf0) =	vadd.scan.msk.s32 $0xffff, v38;
	_ =	sdelay $0x4  }
0xab: {  	s24 =	spop (v2sf)  }
0xac: {  	s0 =	sadd.s32 s0, s24;
	v63, _, _ =	vpop (xrf0)  }
0xad: {  	vm10 =	vgt.s32 v38, $0x0;
	s3 =	ssub.s32 $0x50, s0;
	v44 =	vsub.s32 v63, v38  }
0xae: {  	vm11 =	vle.s32 v38, $0x0;
	v45 =	vadd.s32 s0, v44;
	v40 =	vsub.s32 s3, v44  }
0xaf: {  	v40 =	vadd.s32 v0, v40  }
0xb0: {  	(v2sf) =	vpush v63, $0xF;
	_ =	sdelay $0x2  }
0xb1: {  	[tilespmem:v45+s13+$0x0] =	vst.idx.msk vm10, v5  }
0xb2: {  	[tilespmem:v40+s14+$0x0] =	vst.idx.msk vm11, v5  }
0xb3: {  	v38 =	vld [tilespmem:s4+$0x60];
	_ =	sdelay $0x4  }
0xb4: {  	(xrf0) =	vadd.scan.msk.s32 $0xffff, v38;
	_ =	sdelay $0x4  }
0xb5: {  	s25 =	spop (v2sf)  }
0xb6: {  	s0 =	sadd.s32 s0, s25;
	v46, _, _ =	vpop (xrf0)  }
0xb7: {  	vm12 =	vgt.s32 v38, $0x0;
	s3 =	ssub.s32 $0x60, s0;
	v47 =	vsub.s32 v46, v38  }
0xb8: {  	vm13 =	vle.s32 v38, $0x0;
	v48 =	vadd.s32 s0, v47;
	v40 =	vsub.s32 s3, v47  }
0xb9: {  	v40 =	vadd.s32 v0, v40  }
0xba: {  	(v2sf) =	vpush v46, $0xF;
	_ =	sdelay $0x2  }
0xbb: {  	[tilespmem:v48+s13+$0x0] =	vst.idx.msk vm12, v6  }
0xbc: {  	[tilespmem:v40+s14+$0x0] =	vst.idx.msk vm13, v6  }
0xbd: {  	v38 =	vld [tilespmem:s4+$0x70];
	_ =	sdelay $0x4  }
0xbe: {  	(xrf0) =	vadd.scan.msk.s32 $0xffff, v38;
	_ =	sdelay $0x4  }
0xbf: {  	s6 =	spop (v2sf)  }
0xc0: {  	s0 =	sadd.s32 s0, s6;
	v49, _, _ =	vpop (xrf0)  }
0xc1: {  	vm14 =	vgt.s32 v38, $0x0;
	s3 =	ssub.s32 $0x70, s0;
	v50 =	vsub.s32 v49, v38  }
0xc2: {  	vm15 =	vle.s32 v38, $0x0;
	v51 =	vadd.s32 s0, v50;
	v40 =	vsub.s32 s3, v50  }
0xc3: {  	v40 =	vadd.s32 v0, v40  }
0xc4: {  	(v2sf) =	vpush v49, $0xF;
	_ =	sdelay $0x2  }
0xc5: {  	[tilespmem:v51+s13+$0x0] =	vst.idx.msk vm14, v7  }
0xc6: {  	s7 =	rddreg [dreg:$0x7];
	[tilespmem:v40+s14+$0x0] =	vst.idx.msk vm15, v7  }
0xc7: {  	v38 =	vld [tilespmem:s7+$0x0];
	_ =	sdelay $0x4  }
0xc8: {  	(xrf0) =	vadd.scan.msk.s32 $0xffff, v38;
	_ =	sdelay $0x4  }
0xc9: {  	s8 =	spop (v2sf)  }
0xca: {  	s0 =	sadd.s32 s0, s8;
	v52, _, _ =	vpop (xrf0)  }
0xcb: {  	vm4 =	vgt.s32 v38, $0x0;
	s3 =	ssub.s32 $0x80, s0;
	v53 =	vsub.s32 v52, v38  }
0xcc: {  	vm5 =	vle.s32 v38, $0x0;
	v54 =	vadd.s32 s0, v53;
	v40 =	vsub.s32 s3, v53  }
0xcd: {  	v40 =	vadd.s32 v0, v40  }
0xce: {  	(v2sf) =	vpush v52, $0xF;
	_ =	sdelay $0x2  }
0xcf: {  	[tilespmem:v54+s13+$0x0] =	vst.idx.msk vm4, v30  }
0xd0: {  	[tilespmem:v40+s14+$0x0] =	vst.idx.msk vm5, v30  }
0xd1: {  	v38 =	vld [tilespmem:s4+$0x90];
	_ =	sdelay $0x4  }
0xd2: {  	(xrf0) =	vadd.scan.msk.s32 $0xffff, v38;
	_ =	sdelay $0x4  }
0xd3: {  	s9 =	spop (v2sf)  }
0xd4: {  	s0 =	sadd.s32 s0, s9;
	v55, _, _ =	vpop (xrf0)  }
0xd5: {  	vm6 =	vgt.s32 v38, $0x0;
	s3 =	ssub.s32 $0x90, s0;
	v56 =	vsub.s32 v55, v38  }
0xd6: {  	vm7 =	vle.s32 v38, $0x0;
	v57 =	vadd.s32 s0, v56;
	v40 =	vsub.s32 s3, v56  }
0xd7: {  	v40 =	vadd.s32 v0, v40  }
0xd8: {  	(v2sf) =	vpush v55, $0xF;
	_ =	sdelay $0x2  }
0xd9: {  	[tilespmem:v57+s13+$0x0] =	vst.idx.msk vm6, v8  }
0xda: {  	[tilespmem:v40+s14+$0x0] =	vst.idx.msk vm7, v8  }
0xdb: {  	v38 =	vld [tilespmem:s4+$0xA0];
	_ =	sdelay $0x4  }
0xdc: {  	(xrf0) =	vadd.scan.msk.s32 $0xffff, v38;
	_ =	sdelay $0x4  }
0xdd: {  	s10 =	spop (v2sf)  }
0xde: {  	s0 =	sadd.s32 s0, s10;
	v58, _, _ =	vpop (xrf0)  }
0xdf: {  	vm8 =	vgt.s32 v38, $0x0;
	s3 =	ssub.s32 $0xA0, s0;
	v59 =	vsub.s32 v58, v38  }
0xe0: {  	vm9 =	vle.s32 v38, $0x0;
	v60 =	vadd.s32 s0, v59;
	v40 =	vsub.s32 s3, v59  }
0xe1: {  	v40 =	vadd.s32 v0, v40  }
0xe2: {  	(v2sf) =	vpush v58, $0xF;
	_ =	sdelay $0x2  }
0xe3: {  	[tilespmem:v60+s13+$0x0] =	vst.idx.msk vm8, v9  }
0xe4: {  	[tilespmem:v40+s14+$0x0] =	vst.idx.msk vm9, v9  }
0xe5: {  	v38 =	vld [tilespmem:s4+$0xB0];
	_ =	sdelay $0x4  }
0xe6: {  	(xrf0) =	vadd.scan.msk.s32 $0xffff, v38;
	_ =	sdelay $0x4  }
0xe7: {  	s11 =	spop (v2sf)  }
0xe8: {  	s0 =	sadd.s32 s0, s11;
	v61, _, _ =	vpop (xrf0)  }
0xe9: {  	vm10 =	vgt.s32 v38, $0x0;
	s3 =	ssub.s32 $0xB0, s0;
	v62 =	vsub.s32 v61, v38  }
0xea: {  	vm11 =	vle.s32 v38, $0x0;
	v63 =	vadd.s32 s0, v62;
	v40 =	vsub.s32 s3, v62  }
0xeb: {  	v40 =	vadd.s32 v0, v40  }
0xec: {  	(v2sf) =	vpush v61, $0xF;
	_ =	sdelay $0x2  }
0xed: {  	[tilespmem:v63+s13+$0x0] =	vst.idx.msk vm10, v10  }
0xee: {  	[tilespmem:v40+s14+$0x0] =	vst.idx.msk vm11, v10  }
0xef: {  	v38 =	vld [tilespmem:s4+$0xC0];
	_ =	sdelay $0x4  }
0xf0: {  	(xrf0) =	vadd.scan.msk.s32 $0xffff, v38;
	_ =	sdelay $0x4  }
0xf1: {  	s12 =	spop (v2sf)  }
0xf2: {  	s0 =	sadd.s32 s0, s12;
	v44, _, _ =	vpop (xrf0)  }
0xf3: {  	vm12 =	vgt.s32 v38, $0x0;
	s3 =	ssub.s32 $0xC0, s0;
	v45 =	vsub.s32 v44, v38  }
0xf4: {  	vm13 =	vle.s32 v38, $0x0;
	v46 =	vadd.s32 s0, v45;
	v40 =	vsub.s32 s3, v45  }
0xf5: {  	v40 =	vadd.s32 v0, v40  }
0xf6: {  	(v2sf) =	vpush v44, $0xF;
	_ =	sdelay $0x2  }
0xf7: {  	[tilespmem:v46+s13+$0x0] =	vst.idx.msk vm12, v11  }
0xf8: {  	[tilespmem:v40+s14+$0x0] =	vst.idx.msk vm13, v11  }
0xf9: {  	v38 =	vld [tilespmem:s4+$0xD0];
	_ =	sdelay $0x4  }
0xfa: {  	(xrf0) =	vadd.scan.msk.s32 $0xffff, v38;
	_ =	sdelay $0x4  }
0xfb: {  	s15 =	spop (v2sf)  }
0xfc: {  	s0 =	sadd.s32 s0, s15;
	v47, _, _ =	vpop (xrf0)  }
0xfd: {  	vm14 =	vgt.s32 v38, $0x0;
	s3 =	ssub.s32 $0xD0, s0;
	v48 =	vsub.s32 v47, v38  }
0xfe: {  	vm15 =	vle.s32 v38, $0x0;
	v49 =	vadd.s32 s0, v48;
	v40 =	vsub.s32 s3, v48  }
0xff: {  	v40 =	vadd.s32 v0, v40  }
0x100: {  	(v2sf) =	vpush v47, $0xF;
	_ =	sdelay $0x2  }
0x101: {  	[tilespmem:v49+s13+$0x0] =	vst.idx.msk vm14, v12  }
0x102: {  	[tilespmem:v40+s14+$0x0] =	vst.idx.msk vm15, v12  }
0x103: {  	v38 =	vld [tilespmem:s4+$0xE0];
	_ =	sdelay $0x4  }
0x104: {  	(xrf0) =	vadd.scan.msk.s32 $0xffff, v38;
	_ =	sdelay $0x4  }
0x105: {  	s16 =	spop (v2sf)  }
0x106: {  	s0 =	sadd.s32 s0, s16;
	v50, _, _ =	vpop (xrf0)  }
0x107: {  	vm4 =	vgt.s32 v38, $0x0;
	s3 =	ssub.s32 $0xE0, s0;
	v51 =	vsub.s32 v50, v38  }
0x108: {  	vm5 =	vle.s32 v38, $0x0;
	v52 =	vadd.s32 s0, v51;
	v40 =	vsub.s32 s3, v51  }
0x109: {  	v40 =	vadd.s32 v0, v40  }
0x10a: {  	(v2sf) =	vpush v50, $0xF;
	_ =	sdelay $0x2  }
0x10b: {  	[tilespmem:v52+s13+$0x0] =	vst.idx.msk vm4, v13  }
0x10c: {  	[tilespmem:v40+s14+$0x0] =	vst.idx.msk vm5, v13  }
0x10d: {  	v38 =	vld [tilespmem:s4+$0xF0];
	_ =	sdelay $0x4  }
0x10e: {  	(xrf0) =	vadd.scan.msk.s32 $0xffff, v38;
	_ =	sdelay $0x4  }
0x10f: {  	s18 =	spop (v2sf)  }
0x110: {  	s0 =	sadd.s32 s0, s18;
	v53, _, _ =	vpop (xrf0)  }
0x111: {  	vm6 =	vgt.s32 v38, $0x0;
	s3 =	ssub.s32 $0xF0, s0;
	v54 =	vsub.s32 v53, v38  }
0x112: {  	vm7 =	vle.s32 v38, $0x0;
	v55 =	vadd.s32 s0, v54;
	v40 =	vsub.s32 s3, v54  }
0x113: {  	v40 =	vadd.s32 v0, v40  }
0x114: {  	(v2sf) =	vpush v53, $0xF;
	_ =	sdelay $0x2  }
0x115: {  	[tilespmem:v55+s13+$0x0] =	vst.idx.msk vm6, v14  }
0x116: {  	s20 =	rddreg [dreg:$0x8];
	[tilespmem:v40+s14+$0x0] =	vst.idx.msk vm7, v14  }
0x117: {  	v38 =	vld [tilespmem:s20+$0x0];
	_ =	sdelay $0x4  }
0x118: {  	(xrf0) =	vadd.scan.msk.s32 $0xffff, v38;
	_ =	sdelay $0x4  }
0x119: {  	s21 =	spop (v2sf)  }
0x11a: {  	s0 =	sadd.s32 s0, s21;
	v56, _, _ =	vpop (xrf0)  }
0x11b: {  	vm8 =	vgt.s32 v38, $0x0;
	s3 =	ssub.s32 $0x100, s0;
	v57 =	vsub.s32 v56, v38  }
0x11c: {  	vm9 =	vle.s32 v38, $0x0;
	v58 =	vadd.s32 s0, v57;
	v40 =	vsub.s32 s3, v57  }
0x11d: {  	v40 =	vadd.s32 v0, v40  }
0x11e: {  	(v2sf) =	vpush v56, $0xF;
	_ =	sdelay $0x2  }
0x11f: {  	[tilespmem:v58+s13+$0x0] =	vst.idx.msk vm8, v31  }
0x120: {  	[tilespmem:v40+s14+$0x0] =	vst.idx.msk vm9, v31  }
0x121: {  	v38 =	vld [tilespmem:s4+$0x110];
	_ =	sdelay $0x4  }
0x122: {  	(xrf0) =	vadd.scan.msk.s32 $0xffff, v38;
	_ =	sdelay $0x4  }
0x123: {  	s22 =	spop (v2sf)  }
0x124: {  	s0 =	sadd.s32 s0, s22;
	v59, _, _ =	vpop (xrf0)  }
0x125: {  	vm10 =	vgt.s32 v38, $0x0;
	s3 =	ssub.s32 $0x110, s0;
	v60 =	vsub.s32 v59, v38  }
0x126: {  	vm11 =	vle.s32 v38, $0x0;
	v61 =	vadd.s32 s0, v60;
	v40 =	vsub.s32 s3, v60  }
0x127: {  	v40 =	vadd.s32 v0, v40  }
0x128: {  	(v2sf) =	vpush v59, $0xF;
	_ =	sdelay $0x2  }
0x129: {  	[tilespmem:v61+s13+$0x0] =	vst.idx.msk vm10, v15  }
0x12a: {  	[tilespmem:v40+s14+$0x0] =	vst.idx.msk vm11, v15  }
0x12b: {  	v38 =	vld [tilespmem:s4+$0x120];
	_ =	sdelay $0x4  }
0x12c: {  	(xrf0) =	vadd.scan.msk.s32 $0xffff, v38;
	_ =	sdelay $0x4  }
0x12d: {  	s23 =	spop (v2sf)  }
0x12e: {  	s0 =	sadd.s32 s0, s23;
	v62, _, _ =	vpop (xrf0)  }
0x12f: {  	vm12 =	vgt.s32 v38, $0x0;
	s3 =	ssub.s32 $0x120, s0;
	v63 =	vsub.s32 v62, v38  }
0x130: {  	vm13 =	vle.s32 v38, $0x0;
	v44 =	vadd.s32 s0, v63;
	v40 =	vsub.s32 s3, v63  }
0x131: {  	v40 =	vadd.s32 v0, v40  }
0x132: {  	(v2sf) =	vpush v62, $0xF;
	_ =	sdelay $0x2  }
0x133: {  	[tilespmem:v44+s13+$0x0] =	vst.idx.msk vm12, v16  }
0x134: {  	[tilespmem:v40+s14+$0x0] =	vst.idx.msk vm13, v16  }
0x135: {  	v38 =	vld [tilespmem:s4+$0x130];
	_ =	sdelay $0x4  }
0x136: {  	(xrf0) =	vadd.scan.msk.s32 $0xffff, v38;
	_ =	sdelay $0x4  }
0x137: {  	s24 =	spop (v2sf)  }
0x138: {  	s0 =	sadd.s32 s0, s24;
	v45, _, _ =	vpop (xrf0)  }
0x139: {  	vm14 =	vgt.s32 v38, $0x0;
	s3 =	ssub.s32 $0x130, s0;
	v46 =	vsub.s32 v45, v38  }
0x13a: {  	vm15 =	vle.s32 v38, $0x0;
	v47 =	vadd.s32 s0, v46;
	v40 =	vsub.s32 s3, v46  }
0x13b: {  	v40 =	vadd.s32 v0, v40  }
0x13c: {  	(v2sf) =	vpush v45, $0xF;
	_ =	sdelay $0x2  }
0x13d: {  	[tilespmem:v47+s13+$0x0] =	vst.idx.msk vm14, v17  }
0x13e: {  	[tilespmem:v40+s14+$0x0] =	vst.idx.msk vm15, v17  }
0x13f: {  	v38 =	vld [tilespmem:s4+$0x140];
	_ =	sdelay $0x4  }
0x140: {  	(xrf0) =	vadd.scan.msk.s32 $0xffff, v38;
	_ =	sdelay $0x4  }
0x141: {  	s25 =	spop (v2sf)  }
0x142: {  	s0 =	sadd.s32 s0, s25;
	v48, _, _ =	vpop (xrf0)  }
0x143: {  	vm4 =	vgt.s32 v38, $0x0;
	s3 =	ssub.s32 $0x140, s0;
	v49 =	vsub.s32 v48, v38  }
0x144: {  	vm5 =	vle.s32 v38, $0x0;
	v50 =	vadd.s32 s0, v49;
	v40 =	vsub.s32 s3, v49  }
0x145: {  	v40 =	vadd.s32 v0, v40  }
0x146: {  	(v2sf) =	vpush v48, $0xF;
	_ =	sdelay $0x2  }
0x147: {  	[tilespmem:v50+s13+$0x0] =	vst.idx.msk vm4, v18  }
0x148: {  	[tilespmem:v40+s14+$0x0] =	vst.idx.msk vm5, v18  }
0x149: {  	v38 =	vld [tilespmem:s4+$0x150];
	_ =	sdelay $0x4  }
0x14a: {  	(xrf0) =	vadd.scan.msk.s32 $0xffff, v38;
	_ =	sdelay $0x4  }
0x14b: {  	s6 =	spop (v2sf)  }
0x14c: {  	s0 =	sadd.s32 s0, s6;
	v51, _, _ =	vpop (xrf0)  }
0x14d: {  	vm6 =	vgt.s32 v38, $0x0;
	s3 =	ssub.s32 $0x150, s0;
	v52 =	vsub.s32 v51, v38  }
0x14e: {  	vm7 =	vle.s32 v38, $0x0;
	v53 =	vadd.s32 s0, v52;
	v40 =	vsub.s32 s3, v52  }
0x14f: {  	v40 =	vadd.s32 v0, v40  }
0x150: {  	(v2sf) =	vpush v51, $0xF;
	_ =	sdelay $0x2  }
0x151: {  	[tilespmem:v53+s13+$0x0] =	vst.idx.msk vm6, v19  }
0x152: {  	[tilespmem:v40+s14+$0x0] =	vst.idx.msk vm7, v19  }
0x153: {  	v38 =	vld [tilespmem:s4+$0x160];
	_ =	sdelay $0x4  }
0x154: {  	(xrf0) =	vadd.scan.msk.s32 $0xffff, v38;
	_ =	sdelay $0x4  }
0x155: {  	s7 =	spop (v2sf)  }
0x156: {  	s0 =	sadd.s32 s0, s7;
	v54, _, _ =	vpop (xrf0)  }
0x157: {  	vm8 =	vgt.s32 v38, $0x0;
	s3 =	ssub.s32 $0x160, s0;
	v55 =	vsub.s32 v54, v38  }
0x158: {  	vm9 =	vle.s32 v38, $0x0;
	v56 =	vadd.s32 s0, v55;
	v40 =	vsub.s32 s3, v55  }
0x159: {  	v40 =	vadd.s32 v0, v40  }
0x15a: {  	(v2sf) =	vpush v54, $0xF;
	_ =	sdelay $0x2  }
0x15b: {  	[tilespmem:v56+s13+$0x0] =	vst.idx.msk vm8, v20  }
0x15c: {  	[tilespmem:v40+s14+$0x0] =	vst.idx.msk vm9, v20  }
0x15d: {  	v38 =	vld [tilespmem:s4+$0x170];
	_ =	sdelay $0x4  }
0x15e: {  	(xrf0) =	vadd.scan.msk.s32 $0xffff, v38;
	_ =	sdelay $0x4  }
0x15f: {  	s8 =	spop (v2sf)  }
0x160: {  	s0 =	sadd.s32 s0, s8;
	v57, _, _ =	vpop (xrf0)  }
0x161: {  	vm10 =	vgt.s32 v38, $0x0;
	s3 =	ssub.s32 $0x170, s0;
	v58 =	vsub.s32 v57, v38  }
0x162: {  	vm11 =	vle.s32 v38, $0x0;
	v59 =	vadd.s32 s0, v58;
	v40 =	vsub.s32 s3, v58  }
0x163: {  	v40 =	vadd.s32 v0, v40  }
0x164: {  	(v2sf) =	vpush v57, $0xF;
	_ =	sdelay $0x2  }
0x165: {  	[tilespmem:v59+s13+$0x0] =	vst.idx.msk vm10, v21  }
0x166: {  	s9 =	rddreg [dreg:$0xb];
	[tilespmem:v40+s14+$0x0] =	vst.idx.msk vm11, v21  }
0x167: {  	v38 =	vld [tilespmem:s9+$0x0];
	_ =	sdelay $0x4  }
0x168: {  	(xrf0) =	vadd.scan.msk.s32 $0xffff, v38;
	_ =	sdelay $0x4  }
0x169: {  	s10 =	spop (v2sf)  }
0x16a: {  	s0 =	sadd.s32 s0, s10;
	v60, _, _ =	vpop (xrf0)  }
0x16b: {  	vm12 =	vgt.s32 v38, $0x0;
	s3 =	ssub.s32 $0x180, s0;
	v61 =	vsub.s32 v60, v38  }
0x16c: {  	vm13 =	vle.s32 v38, $0x0;
	v62 =	vadd.s32 s0, v61;
	v40 =	vsub.s32 s3, v61  }
0x16d: {  	v40 =	vadd.s32 v0, v40  }
0x16e: {  	(v2sf) =	vpush v60, $0xF;
	_ =	sdelay $0x2  }
0x16f: {  	[tilespmem:v62+s13+$0x0] =	vst.idx.msk vm12, v32  }
0x170: {  	[tilespmem:v40+s14+$0x0] =	vst.idx.msk vm13, v32  }
0x171: {  	v38 =	vld [tilespmem:s4+$0x190];
	_ =	sdelay $0x4  }
0x172: {  	(xrf0) =	vadd.scan.msk.s32 $0xffff, v38;
	_ =	sdelay $0x4  }
0x173: {  	s11 =	spop (v2sf)  }
0x174: {  	s0 =	sadd.s32 s0, s11;
	v63, _, _ =	vpop (xrf0)  }
0x175: {  	vm14 =	vgt.s32 v38, $0x0;
	s3 =	ssub.s32 $0x190, s0;
	v44 =	vsub.s32 v63, v38  }
0x176: {  	vm15 =	vle.s32 v38, $0x0;
	v45 =	vadd.s32 s0, v44;
	v40 =	vsub.s32 s3, v44  }
0x177: {  	v40 =	vadd.s32 v0, v40  }
0x178: {  	(v2sf) =	vpush v63, $0xF;
	_ =	sdelay $0x2  }
0x179: {  	[tilespmem:v45+s13+$0x0] =	vst.idx.msk vm14, v22  }
0x17a: {  	[tilespmem:v40+s14+$0x0] =	vst.idx.msk vm15, v22  }
0x17b: {  	v38 =	vld [tilespmem:s4+$0x1A0];
	_ =	sdelay $0x4  }
0x17c: {  	(xrf0) =	vadd.scan.msk.s32 $0xffff, v38;
	_ =	sdelay $0x4  }
0x17d: {  	s12 =	spop (v2sf)  }
0x17e: {  	s0 =	sadd.s32 s0, s12;
	v46, _, _ =	vpop (xrf0)  }
0x17f: {  	vm4 =	vgt.s32 v38, $0x0;
	s3 =	ssub.s32 $0x1A0, s0;
	v47 =	vsub.s32 v46, v38  }
0x180: {  	vm5 =	vle.s32 v38, $0x0;
	v48 =	vadd.s32 s0, v47;
	v40 =	vsub.s32 s3, v47  }
0x181: {  	v40 =	vadd.s32 v0, v40  }
0x182: {  	(v2sf) =	vpush v46, $0xF;
	_ =	sdelay $0x2  }
0x183: {  	[tilespmem:v48+s13+$0x0] =	vst.idx.msk vm4, v23  }
0x184: {  	[tilespmem:v40+s14+$0x0] =	vst.idx.msk vm5, v23  }
0x185: {  	v38 =	vld [tilespmem:s4+$0x1B0];
	_ =	sdelay $0x4  }
0x186: {  	(xrf0) =	vadd.scan.msk.s32 $0xffff, v38;
	_ =	sdelay $0x4  }
0x187: {  	s15 =	spop (v2sf)  }
0x188: {  	s0 =	sadd.s32 s0, s15;
	v49, _, _ =	vpop (xrf0)  }
0x189: {  	vm6 =	vgt.s32 v38, $0x0;
	s3 =	ssub.s32 $0x1B0, s0;
	v50 =	vsub.s32 v49, v38  }
0x18a: {  	vm7 =	vle.s32 v38, $0x0;
	v51 =	vadd.s32 s0, v50;
	v40 =	vsub.s32 s3, v50  }
0x18b: {  	v40 =	vadd.s32 v0, v40  }
0x18c: {  	(v2sf) =	vpush v49, $0xF;
	_ =	sdelay $0x2  }
0x18d: {  	[tilespmem:v51+s13+$0x0] =	vst.idx.msk vm6, v24  }
0x18e: {  	[tilespmem:v40+s14+$0x0] =	vst.idx.msk vm7, v24  }
0x18f: {  	v38 =	vld [tilespmem:s4+$0x1C0];
	_ =	sdelay $0x4  }
0x190: {  	(xrf0) =	vadd.scan.msk.s32 $0xffff, v38;
	_ =	sdelay $0x4  }
0x191: {  	s16 =	spop (v2sf)  }
0x192: {  	s0 =	sadd.s32 s0, s16;
	v52, _, _ =	vpop (xrf0)  }
0x193: {  	vm8 =	vgt.s32 v38, $0x0;
	s3 =	ssub.s32 $0x1C0, s0;
	v53 =	vsub.s32 v52, v38  }
0x194: {  	vm9 =	vle.s32 v38, $0x0;
	v54 =	vadd.s32 s0, v53;
	v40 =	vsub.s32 s3, v53  }
0x195: {  	v40 =	vadd.s32 v0, v40  }
0x196: {  	(v2sf) =	vpush v52, $0xF;
	_ =	sdelay $0x2  }
0x197: {  	[tilespmem:v54+s13+$0x0] =	vst.idx.msk vm8, v25  }
0x198: {  	[tilespmem:v40+s14+$0x0] =	vst.idx.msk vm9, v25  }
0x199: {  	v38 =	vld [tilespmem:s4+$0x1D0];
	_ =	sdelay $0x4  }
0x19a: {  	(xrf0) =	vadd.scan.msk.s32 $0xffff, v38;
	_ =	sdelay $0x4  }
0x19b: {  	s18 =	spop (v2sf)  }
0x19c: {  	s0 =	sadd.s32 s0, s18;
	v55, _, _ =	vpop (xrf0)  }
0x19d: {  	vm10 =	vgt.s32 v38, $0x0;
	s3 =	ssub.s32 $0x1D0, s0;
	v56 =	vsub.s32 v55, v38  }
0x19e: {  	vm11 =	vle.s32 v38, $0x0;
	v57 =	vadd.s32 s0, v56;
	v40 =	vsub.s32 s3, v56  }
0x19f: {  	v40 =	vadd.s32 v0, v40  }
0x1a0: {  	(v2sf) =	vpush v55, $0xF;
	_ =	sdelay $0x2  }
0x1a1: {  	[tilespmem:v57+s13+$0x0] =	vst.idx.msk vm10, v26  }
0x1a2: {  	[tilespmem:v40+s14+$0x0] =	vst.idx.msk vm11, v26  }
0x1a3: {  	v38 =	vld [tilespmem:s4+$0x1E0];
	_ =	sdelay $0x4  }
0x1a4: {  	(xrf0) =	vadd.scan.msk.s32 $0xffff, v38;
	_ =	sdelay $0x4  }
0x1a5: {  	s20 =	spop (v2sf)  }
0x1a6: {  	s0 =	sadd.s32 s0, s20;
	v58, _, _ =	vpop (xrf0)  }
0x1a7: {  	vm12 =	vgt.s32 v38, $0x0;
	s3 =	ssub.s32 $0x1E0, s0;
	v59 =	vsub.s32 v58, v38  }
0x1a8: {  	vm13 =	vle.s32 v38, $0x0;
	v60 =	vadd.s32 s0, v59;
	v40 =	vsub.s32 s3, v59  }
0x1a9: {  	v40 =	vadd.s32 v0, v40;
	_ =	sdelay $0x3  }
0x1aa: {  	[tilespmem:v60+s13+$0x0] =	vst.idx.msk vm12, v27  }
0x1ab: {  	[tilespmem:v40+s14+$0x0] =	vst.idx.msk vm13, v27  }
0x1ac: {  	v38 =	vld [tilespmem:s4+$0x1F0];
	_ =	sdelay $0x4  }
0x1ad: {  	(xrf0) =	vadd.scan.msk.s32 $0xffff, v38;
	_ =	sdelay $0x5  }
0x1ae: {  	(v2sf) =	vpush v58, $0xF;
	v61, _, _ =	vpop (xrf0)  }
0x1af: {  	(v2sf) =	vpush v61, $0xF;
	_ =	sdelay $0xd  }
0x1b0: {  	s21 =	spop (v2sf)  }
0x1b1: {  	s7 =	sadd.s32 s0, s21;
	s22 =	spop (v2sf)  }
0x1b2: {  	s3 =	simm.s32 $0x1;
	s4 =	sadd.s32 s7, s22  }
0x1b3: {  	s0 =	ssub.s32 $0x20F, s4;
	p1 =	sne.s32 s4, $0x20F;
	s23 =	sadd.s32 $0xF, s4  }
0x1b4: {  	s6 =	sshra.s32 s0, $0x1F;
	s3 =	simm.s32 @!p1 $0x0;
	s8 =	sand.u32 $0xF, s0  }
0x1b5: {  	s24 =	sand.u32 $0xF, s23;
	s25 =	sshra.s32 s23, $0x1F;
	p4 =	slt.s32 s23, $0x1  }
0x1b6: {  	s3 =	sor.u32 s3, s6;
	s6 =	sshrl.u32 s6, $0x1C;
	p2 =	sne.s32 s8, $0x0  }
0x1b7: {  	s8 =	sshrl.u32 s25, $0x1C;
	p3 =	sne.s32 s3, $0x1;
	s0 =	sadd.s32 s6, s0  }
0x1b8: {  	s3 =	sadd.s32 s8, s23;
	p1 =	por !p2, !p3;
	p3 =	sne.s32 s24, $0x0  }
0x1b9: {  	s8 =	simm.s32 $0x1;
	s6 =	sshra.s32 s0, $0x4;
	p2 =	por !p4, !p3  }
0x1ba: {  	s0 =	simm.s32 $0x1;
	p1 =	por !p1, !p1;
	p2 =	por !p2, !p2  }
0x1bb: {  	s3 =	sshra.s32 s3, $0x4;
	s0 =	simm.s32 @!p1 $0x0;
	s8 =	simm.s32 @!p2 $0x0  }
0x1bc: {  	s0 =	ssub.s32 s6, s0;
	s8 =	ssub.s32 s3, s8  }
0x1bd: {  	s3 =	sadd.s32 s8, s0  }
0x1be: {  	s9 =	sadd.s32 $0x2, s3  }
0x1bf: {  	s10 =	smulhi.u32 $0x55555556, s9;
	s9 =	sshra.s32 s9, $0x1F  }
0x1c0: {  	s9 =	smul.u32 $0x55555556, s9;
	_ =	sdelay $0x1  }
0x1c1: {  	s9 =	sadd.s32 s9, s10  }
0x1c2: {  	s10 =	sshrl.u32 s9, $0x1F  }
0x1c3: {  	s9 =	sadd.s32 s10, s9  }
0x1c4: {  	s10 =	smul.u32 $0xFFFFFFFD, s9  }
0x1c5: {  	s12 =	ssub.s32 $0xFFFFFFFE, s3  }
0x1c6: {  	p5 =	slt.s32 s3, $0xFFFFFFFF;
	p6 =	sne.s32 s10, s12  }
0x1c7: {  	v39 =	vsub.s32 v61, v38;
	p2 =	por !p5, !p6  }
0x1c8: {  	s11 =	ssub.s32 $0x1F0, s7;
	v62 =	vadd.s32 s7, v39;
	s7 =	simm.s32 $0x1;
	p2 =	por !p2, !p2  }
0x1c9: {  	vm14 =	vgt.s32 v38, $0x0;
	s7 =	simm.s32 @!p2 $0x0  }
0x1ca: {  	vm15 =	vle.s32 v38, $0x0;
	v39 =	vsub.s32 s11, v39;
	s11 =	ssub.s32 s9, s7  }
0x1cb: {  	v63 =	vadd.s32 v0, v39;
	p2 =	slt.s32 s11, $0x1  }
.Ltmp6:
0x1cc: {  	_ = 	snop;
	(pc) =	sbr.rel @p2 .LBB2_21-.Ltmp6, $3  }
0x1cd: {  	_ =	sdelay $0x1  }
0x1ce: {  	[tilespmem:v62+s13+$0x0] =	vst.idx.msk vm14, v28  }
0x1cf: {  	[tilespmem:v63+s14+$0x0] =	vst.idx.msk vm15, v28  }
0x1d0: {  	v38 =	vld [tilespmem:$0x4200];
	_ =	sdelay $0x3  }
0x1d1: {  	v34 =	vadd.s32 v34, v36  }
0x1d2: {  	v34 =	vadd.s32 v37, v34;
	v61 =	vxor.u32 $0x80000000, v38  }
0x1d3: {  	v34 =	vadd.s32 v35, v34;
	(xrf0) =	vmin.scan.msk.u32 $0xffff, v61  }
0x1d4: {  	(xrf0) =	vadd.scan.msk.s32 $0xffff, v34;
	_ =	sdelay $0x4  }
0x1d5: {  	v62, _, _ =	vpop (xrf0)  }
0x1d6: {  	v63, _, _ =	vpop (xrf0)  }
0x1d7: {  	(v2sf) =	vpush v63, $0xF;
	_ =	sdelay $0xb  }
0x1d8: {  	s7 =	simm.s32 $0xFFFFFFFF;
	s12 =	ssub.s32 $0x200, s4  }
0x1d9: {  	s24 =	sshll.u32 s6, $0x4;
	s8 =	sadd.s32 $0xFFFFFFFF, s8;
	s7 =	simm.s32 @!p1 $0x0  }
.Ltmp7:
0x1da: {  	s10 =	sadd.s32 s7, s6;
	s7 =	sshll.u32 s7, $0x4;
	(pc) =	sbr.rel .LBB2_8-.Ltmp7, $4  }
0x1db: {  	v37 =	vmov s12;
	s12 =	simm.s32 $0x0;
	s6 =	sadd.s32 s7, s24;
	s9 =	spop (v2sf)  }
0x1dc: {  	s25 =	ssub.s32 $0x0, s10;
	s10 =	rddreg [dreg:$0x13];
	s9 =	sadd.s32 s4, s9  }
0x1dd: {  	s7 =	sadd.s32 $0xFFFFFFFF, s0;
	[dreg:$0x19] =	wrdreg s25;
	v34 =	vmov s4;
	s13 =	sadd.s32 $0xFFFFFFFF, s9  }
0x1de: {  	v38 =	vbroadcast v62, $0xF;
	v35 =	vbroadcast v63, $0xF;
	s4 =	simm.s32 $0x0;
	s9 =	ssub.s32 $0x0, s6;
	s6 =	simm.s32 $0x4210;
	v36 =	vmov s13  }
.LBB2_20:
0x1df: {  	s11 =	sadd.s32 $0xFFFFFFFF, s11  }
0x1e0: {  	p1 =	sne.s32 s11, $0x0  }
.Ltmp8:
0x1e1: {  	_ = 	snop;
	(pc) =	sbr.rel @!p1 .LBB2_21-.Ltmp8, $2  }
0x1e2: {  	_ =	sdelay $0x2  }
0x1e3: {  	s12 =	sadd.s32 $0x3, s12;
	s4 =	sadd.s32 $0x30, s4;
	s6 =	sadd.s32 $0x30, s6  }
.LBB2_8:
0x1e4: {  	p1 =	sge.s32 s12, s3  }
.Ltmp9:
0x1e5: {  	_ = 	snop;
	(pc) =	sbr.rel @p1 .LBB2_10-.Ltmp9, $2  }
0x1e6: {  	_ =	sdelay $0x2  }
0x1e7: {  	p4 =	seq.s32 s12, $0x0  }
0x1e8: {  	s13 =	simm.s32 @!p4 $0x4  }
0x1e9: {  	_ =	swait.ge @!p4 [sflag:s13], $0x8000  }
0x1ea: {  	[sflag:s13] =	ssyncset.done @!p4 $0x0  }
0x1eb: {  	p2 =	sge.s32 s12, s0;
	[sflag:s13] =	ssyncadd.s32 @!p4 $0xFFFF8000  }
0x1ec: {  	v39 =	vld @!p2 [tilespmem:s6+$0xFFFFFFF0];
	_ =	sdelay $0x1  }
0x1ed: {  	v40 =	vlaneseq.u32 @p2;
	v41 =	vlaneseq.u32 @!p2;
	s13 =	sadd.s32 @p2 s4, s9  }
0x1ee: {  	v41 =	vor.u32 @!p2 s4, v41;
	v40 =	vor.u32 @p2 s13, v40  }
0x1ef: {  	vm1 =	vlt.s32 @!p2 v41, v37;
	vm0 =	vlt.s32 @p2 v40, v34;
	v40 =	vadd.s32 @p2 v35, v40  }
0x1f0: {  	v40 =	vsel @p2 vm0, v40, v36;
	v39 =	vsel @!p2 vm1, v39, v38  }
0x1f1: {  	v39 =	vpsel p2, v40, v39  }
0x1f2: {  	v40 =	vshll.u32 v39, $0x4  }
0x1f3: {  	v39 =	vand.u32 $0x7, v39;
	v40 =	vand.u32 $0xFFFFFF80, v40  }
0x1f4: {  	v62 =	vand.u32 $0x7, v0;
	v63 =	vshrl.u32 v0, $0x3;
	v39 =	vor.u32 v39, v40  }
0x1f5: {  	v41 =	vmul.u32 $0x8, v63;
	v40 =	vperm.xlane v39, v62;
	_ =	sdelay $0x1  }
0x1f6: {  	v40 =	vadd.s32 v41, v40;
	_ =	sdelay $0x1  }
0x1f7: {  	s15 =	simm.s32 $0x4400;
	s20 =	smov.u32 s19;
	s13 =	rddreg [dreg:$0x0]  }
0x1f8: {  	s22 =	simm.s32 $0x4C00;
	s21 =	smov.u32 s17;
	s14 =	rddreg [dreg:$0x2]  }
0x1f9: {  	vm15 =	vmmov $0xffff;
	s23 =	simm.s32 $0x5400;
	s13 =	smov.u32 @p2 s14;
	s14 =	rddreg [dreg:$0x17]  }
0x1fa: {  	[tilespmem:s15], [sflag:$0x1] =	stream.indirect_vreg.gather [hbm4b:s13+s5], $0x80, v40, vm15, $0xb8;
	[tilespmem:$0x1C400] =	vst v63  }
0x1fb: {  	s24 =	simm.s32 $0x5C00;
	s25 =	simm.s32 $0x6400;
	s15 =	rddreg [dreg:$0xc]  }
0x1fc: {  	s16 =	simm.s32 $0x6C00;
	s14 =	smov.u32 @p2 s15;
	s15 =	rddreg [dreg:$0xd]  }
0x1fd: {  	[tilespmem:s22], [sflag:$0x1] =	stream.indirect_vreg.gather [hbm4b:s14+s5], $0x80, v40, vm15, $0xb8;
	[tilespmem:$0x1C400] =	vst v63  }
0x1fe: {  	s18 =	simm.s32 $0x7400;
	s20 =	smov.u32 @p2 s15;
	s15 =	rddreg [dreg:$0xe]  }
0x1ff: {  	[tilespmem:s23], [sflag:$0x1] =	stream.indirect_vreg.gather [hbm4b:s20+s5], $0x80, v40, vm15, $0xb8;
	[tilespmem:$0x1C400] =	vst v63  }
0x200: {  	s22 =	smov.u32 s26;
	s21 =	smov.u32 @p2 s15;
	s15 =	rddreg [dreg:$0xf]  }
0x201: {  	[tilespmem:s24], [sflag:$0x1] =	stream.indirect_vreg.gather [hbm4b:s21+s5], $0x80, v40, vm15, $0xb8;
	[tilespmem:$0x1C400] =	vst v63  }
0x202: {  	s22 =	smov.u32 @p2 s15;
	s23 =	smov.u32 s28;
	s15 =	rddreg [dreg:$0x10]  }
0x203: {  	v42 =	vor.u32 $0x8, v0;
	[tilespmem:s25], [sflag:$0x1] =	stream.indirect_vreg.gather [hbm4b:s22+s5], $0x80, v40, vm15, $0xb8;
	[tilespmem:$0x1C400] =	vst v63  }
0x204: {  	v39 =	vperm.xlane v39, v42;
	s23 =	smov.u32 @p2 s15;
	s15 =	rddreg [dreg:$0x11];
	s24 =	smov.u32 s29  }
0x205: {  	[tilespmem:s16], [sflag:$0x1] =	stream.indirect_vreg.gather [hbm4b:s23+s5], $0x80, v40, vm15, $0xb8;
	[tilespmem:$0x1C400] =	vst v63  }
0x206: {  	v39 =	vadd.s32 v41, v39;
	s24 =	smov.u32 @p2 s15;
	s15 =	rddreg [dreg:$0x12];
	s25 =	smov.u32 s30  }
0x207: {  	[tilespmem:s18], [sflag:$0x1] =	stream.indirect_vreg.gather [hbm4b:s24+s5], $0x80, v40, vm15, $0xb8;
	[tilespmem:$0x1C400] =	vst v63  }
0x208: {  	s25 =	smov.u32 @p2 s15;
	s16 =	simm.s32 $0x7C00  }
0x209: {  	[tilespmem:s16], [sflag:$0x1] =	stream.indirect_vreg.gather [hbm4b:s25+s5], $0x80, v40, vm15, $0xb8;
	[tilespmem:$0x1C400] =	vst v63  }
0x20a: {  	s18 =	simm.s32 $0x8400  }
0x20b: {  	[tilespmem:s18], [sflag:$0x1] =	stream.indirect_vreg.gather [hbm4b:s13+s5], $0x80, v39, vm15, $0xb8;
	[tilespmem:$0x1C400] =	vst v63  }
0x20c: {  	s16 =	simm.s32 $0x8C00  }
0x20d: {  	[tilespmem:s16], [sflag:$0x1] =	stream.indirect_vreg.gather [hbm4b:s14+s5], $0x80, v39, vm15, $0xb8;
	[tilespmem:$0x1C400] =	vst v63  }
0x20e: {  	s18 =	simm.s32 $0x9400  }
0x20f: {  	[tilespmem:s18], [sflag:$0x1] =	stream.indirect_vreg.gather [hbm4b:s20+s5], $0x80, v39, vm15, $0xb8;
	[tilespmem:$0x1C400] =	vst v63  }
0x210: {  	s20 =	simm.s32 $0x9C00  }
0x211: {  	[tilespmem:s20], [sflag:$0x1] =	stream.indirect_vreg.gather [hbm4b:s21+s5], $0x80, v39, vm15, $0xb8;
	[tilespmem:$0x1C400] =	vst v63  }
0x212: {  	s21 =	simm.s32 $0xA400  }
0x213: {  	[tilespmem:s21], [sflag:$0x1] =	stream.indirect_vreg.gather [hbm4b:s22+s5], $0x80, v39, vm15, $0xb8;
	[tilespmem:$0x1C400] =	vst v63  }
0x214: {  	s22 =	simm.s32 $0xAC00  }
0x215: {  	[tilespmem:s22], [sflag:$0x1] =	stream.indirect_vreg.gather [hbm4b:s23+s5], $0x80, v39, vm15, $0xb8;
	[tilespmem:$0x1C400] =	vst v63  }
0x216: {  	s23 =	simm.s32 $0xB400  }
0x217: {  	[tilespmem:s23], [sflag:$0x1] =	stream.indirect_vreg.gather [hbm4b:s24+s5], $0x80, v39, vm15, $0xb8;
	[tilespmem:$0x1C400] =	vst v63  }
0x218: {  	s24 =	simm.s32 $0xBC00  }
0x219: {  	[tilespmem:s24], [sflag:$0x1] =	stream.indirect_vreg.gather [hbm4b:s25+s5], $0x80, v39, vm15, $0xb8;
	[tilespmem:$0x1C400] =	vst v63  }
.LBB2_10:
0x21a: {  	s13 =	sadd.s32 $0x1, s12  }
0x21b: {  	p2 =	sge.s32 s13, s3  }
.Ltmp10:
0x21c: {  	_ = 	snop;
	(pc) =	sbr.rel @p2 .LBB2_12-.Ltmp10, $1  }
0x21d: {  	_ =	sdelay $0x3  }
0x21e: {  	s14 =	simm.s32 @!p4 $0x5  }
0x21f: {  	_ =	swait.ge @!p4 [sflag:s14], $0x8000  }
0x220: {  	[sflag:s14] =	ssyncset.done @!p4 $0x0  }
0x221: {  	p3 =	sge.s32 s13, s0;
	[sflag:s14] =	ssyncadd.s32 @!p4 $0xFFFF8000  }
0x222: {  	v39 =	vld @!p3 [tilespmem:s6+$0x0]  }
0x223: {  	s14 =	sadd.s32 @p3 s4, s9  }
0x224: {  	v40 =	vlaneseq.u32 @p3;
	s20 =	sadd.s32 @!p3 $0x10, s4;
	v41 =	vlaneseq.u32 @!p3;
	s14 =	sadd.s32 @p3 $0x10, s14  }
0x225: {  	v41 =	vor.u32 @!p3 s20, v41;
	v40 =	vor.u32 @p3 s14, v40  }
0x226: {  	vm1 =	vlt.s32 @!p3 v41, v37;
	vm0 =	vlt.s32 @p3 v40, v34;
	v40 =	vadd.s32 @p3 v35, v40  }
0x227: {  	v40 =	vsel @p3 vm0, v40, v36;
	v39 =	vsel @!p3 vm1, v39, v38  }
0x228: {  	v39 =	vpsel p3, v40, v39  }
0x229: {  	v40 =	vshll.u32 v39, $0x4  }
0x22a: {  	v39 =	vand.u32 $0x7, v39;
	v40 =	vand.u32 $0xFFFFFF80, v40  }
0x22b: {  	v62 =	vand.u32 $0x7, v0;
	v63 =	vshrl.u32 v0, $0x3;
	v39 =	vor.u32 v39, v40  }
0x22c: {  	v41 =	vmul.u32 $0x8, v63;
	v40 =	vperm.xlane v39, v62;
	_ =	sdelay $0x1  }
0x22d: {  	v40 =	vadd.s32 v41, v40  }
0x22e: {  	s21 =	simm.s32 $0xC400;
	s20 =	rddreg [dreg:$0x17]  }
0x22f: {  	s22 =	simm.s32 $0xCC00;
	s23 =	simm.s32 $0xD400;
	s15 =	rddreg [dreg:$0x2]  }
0x230: {  	s24 =	simm.s32 $0xDC00;
	s25 =	simm.s32 $0xE400;
	s14 =	rddreg [dreg:$0x0]  }
0x231: {  	vm15 =	vmmov $0xffff;
	s16 =	simm.s32 $0xEC00;
	s14 =	smov.u32 @p3 s15;
	s15 =	rddreg [dreg:$0xc]  }
0x232: {  	[tilespmem:s21], [sflag:$0x2] =	stream.indirect_vreg.gather [hbm4b:s14+s5], $0x80, v40, vm15, $0xb8;
	[tilespmem:$0x1C400] =	vst v63  }
0x233: {  	s20 =	smov.u32 @p3 s15;
	s15 =	rddreg [dreg:$0xd];
	s21 =	smov.u32 s19  }
0x234: {  	[tilespmem:s22], [sflag:$0x2] =	stream.indirect_vreg.gather [hbm4b:s20+s5], $0x80, v40, vm15, $0xb8;
	[tilespmem:$0x1C400] =	vst v63  }
0x235: {  	s21 =	smov.u32 @p3 s15;
	s15 =	rddreg [dreg:$0xe];
	s22 =	smov.u32 s17  }
0x236: {  	[tilespmem:s23], [sflag:$0x2] =	stream.indirect_vreg.gather [hbm4b:s21+s5], $0x80, v40, vm15, $0xb8;
	[tilespmem:$0x1C400] =	vst v63  }
0x237: {  	s22 =	smov.u32 @p3 s15;
	s15 =	rddreg [dreg:$0xf];
	s23 =	smov.u32 s26  }
0x238: {  	[tilespmem:s24], [sflag:$0x2] =	stream.indirect_vreg.gather [hbm4b:s22+s5], $0x80, v40, vm15, $0xb8;
	[tilespmem:$0x1C400] =	vst v63  }
0x239: {  	s23 =	smov.u32 @p3 s15;
	s15 =	rddreg [dreg:$0x10];
	s24 =	smov.u32 s28  }
0x23a: {  	[tilespmem:s25], [sflag:$0x2] =	stream.indirect_vreg.gather [hbm4b:s23+s5], $0x80, v40, vm15, $0xb8;
	[tilespmem:$0x1C400] =	vst v63  }
0x23b: {  	v42 =	vor.u32 $0x8, v0;
	s24 =	smov.u32 @p3 s15;
	s15 =	rddreg [dreg:$0x11];
	s25 =	smov.u32 s29  }
0x23c: {  	v39 =	vperm.xlane v39, v42;
	[tilespmem:s16], [sflag:$0x2] =	stream.indirect_vreg.gather [hbm4b:s24+s5], $0x80, v40, vm15, $0xb8;
	[tilespmem:$0x1C400] =	vst v63  }
0x23d: {  	s25 =	smov.u32 @p3 s15;
	s16 =	simm.s32 $0xF400  }
0x23e: {  	v39 =	vadd.s32 v41, v39;
	[tilespmem:s16], [sflag:$0x2] =	stream.indirect_vreg.gather [hbm4b:s25+s5], $0x80, v40, vm15, $0xb8;
	[tilespmem:$0x1C400] =	vst v63  }
0x23f: {  	s15 =	smov.u32 s30;
	s16 =	rddreg [dreg:$0x12]  }
0x240: {  	s18 =	simm.s32 $0xFC00;
	s15 =	smov.u32 @p3 s16  }
0x241: {  	[tilespmem:s18], [sflag:$0x2] =	stream.indirect_vreg.gather [hbm4b:s15+s5], $0x80, v40, vm15, $0xb8;
	[tilespmem:$0x1C400] =	vst v63  }
0x242: {  	s18 =	simm.s32 $0x10400  }
0x243: {  	[tilespmem:s18], [sflag:$0x2] =	stream.indirect_vreg.gather [hbm4b:s14+s5], $0x80, v39, vm15, $0xb8;
	[tilespmem:$0x1C400] =	vst v63  }
0x244: {  	s18 =	simm.s32 $0x10C00  }
0x245: {  	[tilespmem:s18], [sflag:$0x2] =	stream.indirect_vreg.gather [hbm4b:s20+s5], $0x80, v39, vm15, $0xb8;
	[tilespmem:$0x1C400] =	vst v63  }
0x246: {  	s20 =	simm.s32 $0x11400  }
0x247: {  	[tilespmem:s20], [sflag:$0x2] =	stream.indirect_vreg.gather [hbm4b:s21+s5], $0x80, v39, vm15, $0xb8;
	[tilespmem:$0x1C400] =	vst v63  }
0x248: {  	s21 =	simm.s32 $0x11C00  }
0x249: {  	[tilespmem:s21], [sflag:$0x2] =	stream.indirect_vreg.gather [hbm4b:s22+s5], $0x80, v39, vm15, $0xb8;
	[tilespmem:$0x1C400] =	vst v63  }
0x24a: {  	s22 =	simm.s32 $0x12400  }
0x24b: {  	[tilespmem:s22], [sflag:$0x2] =	stream.indirect_vreg.gather [hbm4b:s23+s5], $0x80, v39, vm15, $0xb8;
	[tilespmem:$0x1C400] =	vst v63  }
0x24c: {  	s23 =	simm.s32 $0x12C00  }
0x24d: {  	[tilespmem:s23], [sflag:$0x2] =	stream.indirect_vreg.gather [hbm4b:s24+s5], $0x80, v39, vm15, $0xb8;
	[tilespmem:$0x1C400] =	vst v63  }
0x24e: {  	s24 =	simm.s32 $0x13400  }
0x24f: {  	[tilespmem:s24], [sflag:$0x2] =	stream.indirect_vreg.gather [hbm4b:s25+s5], $0x80, v39, vm15, $0xb8;
	[tilespmem:$0x1C400] =	vst v63  }
0x250: {  	s25 =	simm.s32 $0x13C00  }
0x251: {  	[tilespmem:s25], [sflag:$0x2] =	stream.indirect_vreg.gather [hbm4b:s15+s5], $0x80, v39, vm15, $0xb8;
	[tilespmem:$0x1C400] =	vst v63  }
.LBB2_12:
0x252: {  	s14 =	sadd.s32 $0x2, s12  }
0x253: {  	p3 =	sge.s32 s14, s3  }
.Ltmp11:
0x254: {  	_ = 	snop;
	(pc) =	sbr.rel @p3 .LBB2_14-.Ltmp11, $1  }
0x255: {  	_ =	sdelay $0x3  }
0x256: {  	s15 =	simm.s32 @!p4 $0x6  }
0x257: {  	_ =	swait.ge @!p4 [sflag:s15], $0x8000  }
0x258: {  	[sflag:s15] =	ssyncset.done @!p4 $0x0  }
0x259: {  	[sflag:s15] =	ssyncadd.s32 @!p4 $0xFFFF8000;
	p4 =	sge.s32 s14, s0  }
0x25a: {  	v39 =	vld @!p4 [tilespmem:s6+$0x10]  }
0x25b: {  	s15 =	sadd.s32 @p4 s4, s9  }
0x25c: {  	v40 =	vlaneseq.u32 @p4;
	s20 =	sadd.s32 @!p4 $0x20, s4;
	v41 =	vlaneseq.u32 @!p4;
	s15 =	sadd.s32 @p4 $0x20, s15  }
0x25d: {  	v41 =	vor.u32 @!p4 s20, v41;
	v40 =	vor.u32 @p4 s15, v40  }
0x25e: {  	vm1 =	vlt.s32 @!p4 v41, v37;
	vm0 =	vlt.s32 @p4 v40, v34;
	v40 =	vadd.s32 @p4 v35, v40  }
0x25f: {  	v40 =	vsel @p4 vm0, v40, v36;
	v39 =	vsel @!p4 vm1, v39, v38  }
0x260: {  	v39 =	vpsel p4, v40, v39  }
0x261: {  	v40 =	vshll.u32 v39, $0x4  }
0x262: {  	v39 =	vand.u32 $0x7, v39;
	v40 =	vand.u32 $0xFFFFFF80, v40  }
0x263: {  	v62 =	vand.u32 $0x7, v0;
	v63 =	vshrl.u32 v0, $0x3;
	v39 =	vor.u32 v39, v40  }
0x264: {  	v41 =	vmul.u32 $0x8, v63;
	v40 =	vperm.xlane v39, v62;
	_ =	sdelay $0x1  }
0x265: {  	v40 =	vadd.s32 v41, v40  }
0x266: {  	s16 =	rddreg [dreg:$0x2]  }
0x267: {  	s10 =	simm.s32 $0x14400;
	s21 =	smov.u32 s19;
	s20 =	rddreg [dreg:$0x17]  }
0x268: {  	s22 =	simm.s32 $0x14C00;
	s23 =	simm.s32 $0x15400;
	s15 =	rddreg [dreg:$0x0]  }
0x269: {  	vm15 =	vmmov $0xffff;
	s24 =	simm.s32 $0x15C00;
	s15 =	smov.u32 @p4 s16;
	s16 =	rddreg [dreg:$0xc]  }
0x26a: {  	[tilespmem:s10], [sflag:$0x3] =	stream.indirect_vreg.gather [hbm4b:s15+s5], $0x80, v40, vm15, $0xb8;
	[tilespmem:$0x1C400] =	vst v63  }
0x26b: {  	s25 =	simm.s32 $0x16400;
	s20 =	smov.u32 @p4 s16;
	s16 =	rddreg [dreg:$0xd]  }
0x26c: {  	[tilespmem:s22], [sflag:$0x3] =	stream.indirect_vreg.gather [hbm4b:s20+s5], $0x80, v40, vm15, $0xb8;
	[tilespmem:$0x1C400] =	vst v63  }
0x26d: {  	s21 =	smov.u32 @p4 s16;
	s16 =	rddreg [dreg:$0xe];
	s22 =	smov.u32 s17  }
0x26e: {  	[tilespmem:s23], [sflag:$0x3] =	stream.indirect_vreg.gather [hbm4b:s21+s5], $0x80, v40, vm15, $0xb8;
	[tilespmem:$0x1C400] =	vst v63  }
0x26f: {  	s22 =	smov.u32 @p4 s16;
	s16 =	rddreg [dreg:$0xf];
	s23 =	smov.u32 s26  }
0x270: {  	[tilespmem:s24], [sflag:$0x3] =	stream.indirect_vreg.gather [hbm4b:s22+s5], $0x80, v40, vm15, $0xb8;
	[tilespmem:$0x1C400] =	vst v63  }
0x271: {  	s23 =	smov.u32 @p4 s16;
	s16 =	rddreg [dreg:$0x10];
	s24 =	smov.u32 s28  }
0x272: {  	[tilespmem:s25], [sflag:$0x3] =	stream.indirect_vreg.gather [hbm4b:s23+s5], $0x80, v40, vm15, $0xb8;
	[tilespmem:$0x1C400] =	vst v63  }
0x273: {  	s24 =	smov.u32 @p4 s16;
	s16 =	simm.s32 $0x16C00  }
0x274: {  	v42 =	vor.u32 $0x8, v0;
	[tilespmem:s16], [sflag:$0x3] =	stream.indirect_vreg.gather [hbm4b:s24+s5], $0x80, v40, vm15, $0xb8;
	[tilespmem:$0x1C400] =	vst v63  }
0x275: {  	v39 =	vperm.xlane v39, v42;
	s25 =	smov.u32 s29;
	s16 =	rddreg [dreg:$0x11]  }
0x276: {  	s18 =	simm.s32 $0x17400;
	s25 =	smov.u32 @p4 s16  }
0x277: {  	v39 =	vadd.s32 v41, v39;
	[tilespmem:s18], [sflag:$0x3] =	stream.indirect_vreg.gather [hbm4b:s25+s5], $0x80, v40, vm15, $0xb8;
	[tilespmem:$0x1C400] =	vst v63  }
0x278: {  	s16 =	smov.u32 s30;
	s18 =	rddreg [dreg:$0x12]  }
0x279: {  	s16 =	smov.u32 @p4 s18;
	s18 =	simm.s32 $0x17C00  }
0x27a: {  	[tilespmem:s18], [sflag:$0x3] =	stream.indirect_vreg.gather [hbm4b:s16+s5], $0x80, v40, vm15, $0xb8;
	[tilespmem:$0x1C400] =	vst v63  }
0x27b: {  	s10 =	smov.u32 s2;
	s18 =	simm.s32 $0x18400  }
0x27c: {  	[tilespmem:s18], [sflag:$0x3] =	stream.indirect_vreg.gather [hbm4b:s15+s5], $0x80, v39, vm15, $0xb8;
	[tilespmem:$0x1C400] =	vst v63  }
0x27d: {  	s2 =	smov.u32 s1;
	s1 =	smov.u32 s31;
	s18 =	simm.s32 $0x18C00  }
0x27e: {  	[tilespmem:s18], [sflag:$0x3] =	stream.indirect_vreg.gather [hbm4b:s20+s5], $0x80, v39, vm15, $0xb8;
	[tilespmem:$0x1C400] =	vst v63  }
0x27f: {  	s31 =	smov.u32 s30;
	s30 =	smov.u32 s29;
	s20 =	simm.s32 $0x19400  }
0x280: {  	[tilespmem:s20], [sflag:$0x3] =	stream.indirect_vreg.gather [hbm4b:s21+s5], $0x80, v39, vm15, $0xb8;
	[tilespmem:$0x1C400] =	vst v63  }
0x281: {  	s29 =	smov.u32 s28;
	s28 =	smov.u32 s26;
	s21 =	simm.s32 $0x19C00  }
0x282: {  	[tilespmem:s21], [sflag:$0x3] =	stream.indirect_vreg.gather [hbm4b:s22+s5], $0x80, v39, vm15, $0xb8;
	[tilespmem:$0x1C400] =	vst v63  }
0x283: {  	s26 =	smov.u32 s28;
	s28 =	smov.u32 s29;
	s22 =	simm.s32 $0x1A400  }
0x284: {  	[tilespmem:s22], [sflag:$0x3] =	stream.indirect_vreg.gather [hbm4b:s23+s5], $0x80, v39, vm15, $0xb8;
	[tilespmem:$0x1C400] =	vst v63  }
0x285: {  	s29 =	smov.u32 s30;
	s30 =	smov.u32 s31;
	s23 =	simm.s32 $0x1AC00  }
0x286: {  	[tilespmem:s23], [sflag:$0x3] =	stream.indirect_vreg.gather [hbm4b:s24+s5], $0x80, v39, vm15, $0xb8;
	[tilespmem:$0x1C400] =	vst v63  }
0x287: {  	s31 =	smov.u32 s1;
	s1 =	smov.u32 s2;
	s24 =	simm.s32 $0x1B400  }
0x288: {  	[tilespmem:s24], [sflag:$0x3] =	stream.indirect_vreg.gather [hbm4b:s25+s5], $0x80, v39, vm15, $0xb8;
	[tilespmem:$0x1C400] =	vst v63  }
0x289: {  	s2 =	smov.u32 s10;
	s10 =	rddreg [dreg:$0x13];
	s25 =	simm.s32 $0x1BC00  }
0x28a: {  	[tilespmem:s25], [sflag:$0x3] =	stream.indirect_vreg.gather [hbm4b:s16+s5], $0x80, v39, vm15, $0xb8;
	[tilespmem:$0x1C400] =	vst v63  }
.LBB2_14:
.Ltmp12:
0x28b: {  	(pc) =	sbr.rel @p1 .LBB2_16-.Ltmp12, $1  }
0x28c: {  	_ =	sdelay $0x3  }
0x28d: {  	s15 =	rddreg [dreg:$0x19]  }
0x28e: {  	s15 =	sadd.s32 s12, s15  }
0x28f: {  	s16 =	smov.u32 s8;
	p1 =	slt.s32 s15, s8  }
0x290: {  	s22 =	simm.s32 $0x1;
	s16 =	smov.u32 @p1 s15  }
0x291: {  	_ =	swait.ge [sflag:s22], $0x8000;
	p1 =	sgt.s32 s16, $0x0  }
0x292: {  	[sflag:s22] =	ssyncset.done $0x0;
	s16 =	simm.s32 @!p1 $0x0  }
0x293: {  	[sflag:s22] =	ssyncadd.s32 $0xFFFF8000;
	s23 =	sshll.u32 s16, $0x4  }
0x294: {  	v39 =	vld [tilespmem:s23+$0x4000];
	_ =	sdelay $0x3  }
0x295: {  	v40 =	vor.u32 s23, v0  }
0x296: {  	vm0 =	vlt.s32 v40, v34;
	v59 =	vxor.u32 $0x80000000, v39  }
0x297: {  	s15 =	smov.u32 s7;
	p1 =	slt.s32 s12, s7;
	v40 =	vnsel vm0, $0x1, v59  }
0x298: {  	s15 =	smov.u32 @p1 s12;
	(xrf0) =	vmax.scan.msk.u32 $0xffff, v40  }
0x299: {  	p1 =	sgt.s32 s15, $0x0  }
0x29a: {  	s15 =	simm.s32 @!p1 $0x0  }
0x29b: {  	s15 =	sshll.u32 s15, $0x4  }
0x29c: {  	v60 =	vld [tilespmem:s15+$0x4200];
	_ =	sdelay $0x1  }
0x29d: {  	v41, _, _ =	vpop (xrf0)  }
0x29e: {  	v42 =	vor.u32 s15, v0;
	v41 =	vbroadcast v41, $0xF  }
0x29f: {  	vm1 =	vlt.s32 v42, v37  }
0x2a0: {  	p6 =	slt.s32 s12, s0;
	v40 =	vsel vm1, v60, v38;
	v39 =	vsel vm0, v39, v41  }
0x2a1: {  	v39 =	vpsel p6, v40, v39  }
0x2a2: {  	v40 =	vshll.u32 v39, $0x4  }
0x2a3: {  	v39 =	vand.u32 $0x7, v39;
	v40 =	vand.u32 $0xFFFFFF80, v40  }
0x2a4: {  	v61 =	vand.u32 $0x7, v0;
	v62 =	vshrl.u32 v0, $0x3;
	v39 =	vor.u32 v39, v40  }
0x2a5: {  	v41 =	vmul.u32 $0x8, v62;
	v40 =	vperm.xlane v39, v61;
	_ =	sdelay $0x1  }
0x2a6: {  	v40 =	vadd.s32 v41, v40;
	_ =	sdelay $0x3  }
0x2a7: {  	vm15 =	vmmov $0xffff;
	s25 =	simm.s32 $0x4400;
	s24 =	rddreg [dreg:$0x3]  }
0x2a8: {  	[hbm4b:s24+s5] =	stream.indirect_vreg.scatter [tilespmem:s25], [sflag:$0x4], $0x80, v40, vm15, $0xb8;
	[tilespmem:$0x1C400] =	vst v63  }
0x2a9: {  	s18 =	simm.s32 $0x4C00  }
0x2aa: {  	[hbm4b:s31+s5] =	stream.indirect_vreg.scatter [tilespmem:s18], [sflag:$0x4], $0x80, v40, vm15, $0xb8;
	[tilespmem:$0x1C400] =	vst v63  }
0x2ab: {  	s20 =	simm.s32 $0x5400  }
0x2ac: {  	[hbm4b:s1+s5] =	stream.indirect_vreg.scatter [tilespmem:s20], [sflag:$0x4], $0x80, v40, vm15, $0xb8;
	[tilespmem:$0x1C400] =	vst v63  }
0x2ad: {  	s21 =	simm.s32 $0x5C00  }
0x2ae: {  	[hbm4b:s2+s5] =	stream.indirect_vreg.scatter [tilespmem:s21], [sflag:$0x4], $0x80, v40, vm15, $0xb8;
	[tilespmem:$0x1C400] =	vst v63  }
0x2af: {  	s22 =	simm.s32 $0x6400  }
0x2b0: {  	v63 =	vor.u32 $0x8, v0;
	[hbm4b:s10+s5] =	stream.indirect_vreg.scatter [tilespmem:s22], [sflag:$0x4], $0x80, v40, vm15, $0xb8;
	[tilespmem:$0x1C400] =	vst v63  }
0x2b1: {  	s16 =	rddreg [dreg:$0x14];
	v39 =	vperm.xlane v39, v63;
	s20 =	simm.s32 $0x6C00  }
0x2b2: {  	[hbm4b:s16+s5] =	stream.indirect_vreg.scatter [tilespmem:s20], [sflag:$0x4], $0x80, v40, vm15, $0xb8;
	[tilespmem:$0x1C400] =	vst v63  }
0x2b3: {  	v39 =	vadd.s32 v41, v39;
	s21 =	simm.s32 $0x7400;
	s20 =	rddreg [dreg:$0x15]  }
0x2b4: {  	[hbm4b:s20+s5] =	stream.indirect_vreg.scatter [tilespmem:s21], [sflag:$0x4], $0x80, v40, vm15, $0xb8;
	[tilespmem:$0x1C400] =	vst v63  }
0x2b5: {  	s22 =	simm.s32 $0x7C00;
	s21 =	rddreg [dreg:$0x16]  }
0x2b6: {  	[hbm4b:s21+s5] =	stream.indirect_vreg.scatter [tilespmem:s22], [sflag:$0x4], $0x80, v40, vm15, $0xb8;
	[tilespmem:$0x1C400] =	vst v63  }
0x2b7: {  	s23 =	simm.s32 $0x8400  }
0x2b8: {  	[hbm4b:s24+s5] =	stream.indirect_vreg.scatter [tilespmem:s23], [sflag:$0x4], $0x80, v39, vm15, $0xb8;
	[tilespmem:$0x1C400] =	vst v63  }
0x2b9: {  	s24 =	simm.s32 $0x8C00  }
0x2ba: {  	[hbm4b:s31+s5] =	stream.indirect_vreg.scatter [tilespmem:s24], [sflag:$0x4], $0x80, v39, vm15, $0xb8;
	[tilespmem:$0x1C400] =	vst v63  }
0x2bb: {  	s25 =	simm.s32 $0x9400  }
0x2bc: {  	[hbm4b:s1+s5] =	stream.indirect_vreg.scatter [tilespmem:s25], [sflag:$0x4], $0x80, v39, vm15, $0xb8;
	[tilespmem:$0x1C400] =	vst v63  }
0x2bd: {  	s18 =	simm.s32 $0x9C00  }
0x2be: {  	[hbm4b:s2+s5] =	stream.indirect_vreg.scatter [tilespmem:s18], [sflag:$0x4], $0x80, v39, vm15, $0xb8;
	[tilespmem:$0x1C400] =	vst v63  }
0x2bf: {  	s22 =	simm.s32 $0xA400  }
0x2c0: {  	[hbm4b:s10+s5] =	stream.indirect_vreg.scatter [tilespmem:s22], [sflag:$0x4], $0x80, v39, vm15, $0xb8;
	[tilespmem:$0x1C400] =	vst v63  }
0x2c1: {  	s23 =	simm.s32 $0xAC00  }
0x2c2: {  	[hbm4b:s16+s5] =	stream.indirect_vreg.scatter [tilespmem:s23], [sflag:$0x4], $0x80, v39, vm15, $0xb8;
	[tilespmem:$0x1C400] =	vst v63  }
0x2c3: {  	s24 =	simm.s32 $0xB400  }
0x2c4: {  	[hbm4b:s20+s5] =	stream.indirect_vreg.scatter [tilespmem:s24], [sflag:$0x4], $0x80, v39, vm15, $0xb8;
	[tilespmem:$0x1C400] =	vst v63  }
0x2c5: {  	s25 =	simm.s32 $0xBC00  }
0x2c6: {  	[hbm4b:s21+s5] =	stream.indirect_vreg.scatter [tilespmem:s25], [sflag:$0x4], $0x80, v39, vm15, $0xb8;
	[tilespmem:$0x1C400] =	vst v63  }
.LBB2_16:
.Ltmp13:
0x2c7: {  	(pc) =	sbr.rel @p2 .LBB2_18-.Ltmp13, $1  }
0x2c8: {  	_ =	sdelay $0x3  }
0x2c9: {  	s15 =	rddreg [dreg:$0x19]  }
0x2ca: {  	s15 =	sadd.s32 s12, s15  }
0x2cb: {  	s15 =	sadd.s32 $0x1, s15  }
0x2cc: {  	s16 =	smov.u32 s8;
	p1 =	slt.s32 s15, s8  }
0x2cd: {  	s23 =	simm.s32 $0x2;
	s16 =	smov.u32 @p1 s15  }
0x2ce: {  	_ =	swait.ge [sflag:s23], $0x8000;
	p1 =	sgt.s32 s16, $0x0  }
0x2cf: {  	[sflag:s23] =	ssyncset.done $0x0;
	s16 =	simm.s32 @!p1 $0x0  }
0x2d0: {  	[sflag:s23] =	ssyncadd.s32 $0xFFFF8000;
	s24 =	sshll.u32 s16, $0x4  }
0x2d1: {  	v39 =	vld [tilespmem:s24+$0x4000];
	_ =	sdelay $0x3  }
0x2d2: {  	v40 =	vor.u32 s24, v0  }
0x2d3: {  	vm0 =	vlt.s32 v40, v34;
	v59 =	vxor.u32 $0x80000000, v39  }
0x2d4: {  	s15 =	smov.u32 s7;
	p1 =	slt.s32 s13, s7;
	v40 =	vnsel vm0, $0x1, v59  }
0x2d5: {  	s15 =	smov.u32 @p1 s13;
	(xrf0) =	vmax.scan.msk.u32 $0xffff, v40  }
0x2d6: {  	p1 =	sgt.s32 s15, $0x0  }
0x2d7: {  	s15 =	simm.s32 @!p1 $0x0  }
0x2d8: {  	s15 =	sshll.u32 s15, $0x4  }
0x2d9: {  	v60 =	vld [tilespmem:s15+$0x4200];
	_ =	sdelay $0x1  }
0x2da: {  	v41, _, _ =	vpop (xrf0)  }
0x2db: {  	v42 =	vor.u32 s15, v0;
	v41 =	vbroadcast v41, $0xF  }
0x2dc: {  	vm1 =	vlt.s32 v42, v37  }
0x2dd: {  	p6 =	slt.s32 s13, s0;
	v40 =	vsel vm1, v60, v38;
	v39 =	vsel vm0, v39, v41  }
0x2de: {  	v39 =	vpsel p6, v40, v39  }
0x2df: {  	v40 =	vshll.u32 v39, $0x4  }
0x2e0: {  	v39 =	vand.u32 $0x7, v39;
	v40 =	vand.u32 $0xFFFFFF80, v40  }
0x2e1: {  	v61 =	vand.u32 $0x7, v0;
	v62 =	vshrl.u32 v0, $0x3;
	v39 =	vor.u32 v39, v40  }
0x2e2: {  	v41 =	vmul.u32 $0x8, v62;
	v40 =	vperm.xlane v39, v61;
	_ =	sdelay $0x1  }
0x2e3: {  	v40 =	vadd.s32 v41, v40;
	_ =	sdelay $0x3  }
0x2e4: {  	vm15 =	vmmov $0xffff;
	s25 =	rddreg [dreg:$0x3];
	s16 =	simm.s32 $0xC400  }
0x2e5: {  	[hbm4b:s25+s5] =	stream.indirect_vreg.scatter [tilespmem:s16], [sflag:$0x5], $0x80, v40, vm15, $0xb8;
	[tilespmem:$0x1C400] =	vst v63  }
0x2e6: {  	s18 =	simm.s32 $0xCC00  }
0x2e7: {  	[hbm4b:s31+s5] =	stream.indirect_vreg.scatter [tilespmem:s18], [sflag:$0x5], $0x80, v40, vm15, $0xb8;
	[tilespmem:$0x1C400] =	vst v63  }
0x2e8: {  	s20 =	simm.s32 $0xD400  }
0x2e9: {  	[hbm4b:s1+s5] =	stream.indirect_vreg.scatter [tilespmem:s20], [sflag:$0x5], $0x80, v40, vm15, $0xb8;
	[tilespmem:$0x1C400] =	vst v63  }
0x2ea: {  	s21 =	simm.s32 $0xDC00  }
0x2eb: {  	[hbm4b:s2+s5] =	stream.indirect_vreg.scatter [tilespmem:s21], [sflag:$0x5], $0x80, v40, vm15, $0xb8;
	[tilespmem:$0x1C400] =	vst v63  }
0x2ec: {  	s22 =	simm.s32 $0xE400  }
0x2ed: {  	v63 =	vor.u32 $0x8, v0;
	[hbm4b:s10+s5] =	stream.indirect_vreg.scatter [tilespmem:s22], [sflag:$0x5], $0x80, v40, vm15, $0xb8;
	[tilespmem:$0x1C400] =	vst v63  }
0x2ee: {  	s23 =	simm.s32 $0xEC00;
	s15 =	rddreg [dreg:$0x14];
	v39 =	vperm.xlane v39, v63  }
0x2ef: {  	[hbm4b:s15+s5] =	stream.indirect_vreg.scatter [tilespmem:s23], [sflag:$0x5], $0x80, v40, vm15, $0xb8;
	[tilespmem:$0x1C400] =	vst v63  }
0x2f0: {  	v39 =	vadd.s32 v41, v39;
	s16 =	rddreg [dreg:$0x15];
	s20 =	simm.s32 $0xF400  }
0x2f1: {  	[hbm4b:s16+s5] =	stream.indirect_vreg.scatter [tilespmem:s20], [sflag:$0x5], $0x80, v40, vm15, $0xb8;
	[tilespmem:$0x1C400] =	vst v63  }
0x2f2: {  	s21 =	simm.s32 $0xFC00;
	s20 =	rddreg [dreg:$0x16]  }
0x2f3: {  	[hbm4b:s20+s5] =	stream.indirect_vreg.scatter [tilespmem:s21], [sflag:$0x5], $0x80, v40, vm15, $0xb8;
	[tilespmem:$0x1C400] =	vst v63  }
0x2f4: {  	s24 =	simm.s32 $0x10400  }
0x2f5: {  	[hbm4b:s25+s5] =	stream.indirect_vreg.scatter [tilespmem:s24], [sflag:$0x5], $0x80, v39, vm15, $0xb8;
	[tilespmem:$0x1C400] =	vst v63  }
0x2f6: {  	s25 =	simm.s32 $0x10C00  }
0x2f7: {  	[hbm4b:s31+s5] =	stream.indirect_vreg.scatter [tilespmem:s25], [sflag:$0x5], $0x80, v39, vm15, $0xb8;
	[tilespmem:$0x1C400] =	vst v63  }
0x2f8: {  	s18 =	simm.s32 $0x11400  }
0x2f9: {  	[hbm4b:s1+s5] =	stream.indirect_vreg.scatter [tilespmem:s18], [sflag:$0x5], $0x80, v39, vm15, $0xb8;
	[tilespmem:$0x1C400] =	vst v63  }
0x2fa: {  	s21 =	simm.s32 $0x11C00  }
0x2fb: {  	[hbm4b:s2+s5] =	stream.indirect_vreg.scatter [tilespmem:s21], [sflag:$0x5], $0x80, v39, vm15, $0xb8;
	[tilespmem:$0x1C400] =	vst v63  }
0x2fc: {  	s22 =	simm.s32 $0x12400  }
0x2fd: {  	[hbm4b:s10+s5] =	stream.indirect_vreg.scatter [tilespmem:s22], [sflag:$0x5], $0x80, v39, vm15, $0xb8;
	[tilespmem:$0x1C400] =	vst v63  }
0x2fe: {  	s23 =	simm.s32 $0x12C00  }
0x2ff: {  	[hbm4b:s15+s5] =	stream.indirect_vreg.scatter [tilespmem:s23], [sflag:$0x5], $0x80, v39, vm15, $0xb8;
	[tilespmem:$0x1C400] =	vst v63  }
0x300: {  	s24 =	simm.s32 $0x13400  }
0x301: {  	[hbm4b:s16+s5] =	stream.indirect_vreg.scatter [tilespmem:s24], [sflag:$0x5], $0x80, v39, vm15, $0xb8;
	[tilespmem:$0x1C400] =	vst v63  }
0x302: {  	s25 =	simm.s32 $0x13C00  }
0x303: {  	[hbm4b:s20+s5] =	stream.indirect_vreg.scatter [tilespmem:s25], [sflag:$0x5], $0x80, v39, vm15, $0xb8;
	[tilespmem:$0x1C400] =	vst v63  }
.LBB2_18:
.Ltmp14:
0x304: {  	(pc) =	sbr.rel @p3 .LBB2_20-.Ltmp14, $1  }
0x305: {  	_ =	sdelay $0x3  }
0x306: {  	s13 =	rddreg [dreg:$0x19]  }
0x307: {  	s13 =	sadd.s32 s12, s13  }
0x308: {  	s13 =	sadd.s32 $0x2, s13  }
0x309: {  	s15 =	smov.u32 s8;
	p1 =	slt.s32 s13, s8  }
0x30a: {  	s25 =	simm.s32 $0x3;
	s15 =	smov.u32 @p1 s13  }
0x30b: {  	_ =	swait.ge [sflag:s25], $0x8000;
	p1 =	sgt.s32 s15, $0x0  }
0x30c: {  	[sflag:s25] =	ssyncset.done $0x0;
	s15 =	simm.s32 @!p1 $0x0  }
0x30d: {  	[sflag:s25] =	ssyncadd.s32 $0xFFFF8000;
	s16 =	sshll.u32 s15, $0x4  }
0x30e: {  	v39 =	vld [tilespmem:s16+$0x4000];
	_ =	sdelay $0x3  }
0x30f: {  	v40 =	vor.u32 s16, v0  }
0x310: {  	vm0 =	vlt.s32 v40, v34;
	v59 =	vxor.u32 $0x80000000, v39  }
0x311: {  	s13 =	smov.u32 s7;
	p1 =	slt.s32 s14, s7;
	v40 =	vnsel vm0, $0x1, v59  }
0x312: {  	s13 =	smov.u32 @p1 s14;
	(xrf0) =	vmax.scan.msk.u32 $0xffff, v40  }
0x313: {  	p1 =	sgt.s32 s13, $0x0  }
0x314: {  	s13 =	simm.s32 @!p1 $0x0  }
0x315: {  	s13 =	sshll.u32 s13, $0x4  }
0x316: {  	v60 =	vld [tilespmem:s13+$0x4200];
	_ =	sdelay $0x1  }
0x317: {  	v41, _, _ =	vpop (xrf0)  }
0x318: {  	v42 =	vor.u32 s13, v0;
	v41 =	vbroadcast v41, $0xF  }
0x319: {  	vm1 =	vlt.s32 v42, v37  }
0x31a: {  	p6 =	slt.s32 s14, s0;
	v40 =	vsel vm1, v60, v38;
	v39 =	vsel vm0, v39, v41  }
0x31b: {  	v39 =	vpsel p6, v40, v39  }
0x31c: {  	v40 =	vshll.u32 v39, $0x4  }
0x31d: {  	v39 =	vand.u32 $0x7, v39;
	v40 =	vand.u32 $0xFFFFFF80, v40  }
0x31e: {  	v61 =	vand.u32 $0x7, v0;
	v62 =	vshrl.u32 v0, $0x3;
	v39 =	vor.u32 v39, v40  }
0x31f: {  	v41 =	vmul.u32 $0x8, v62;
	v40 =	vperm.xlane v39, v61;
	_ =	sdelay $0x1  }
0x320: {  	v40 =	vadd.s32 v41, v40;
	_ =	sdelay $0x3  }
0x321: {  	vm15 =	vmmov $0xffff;
	s18 =	simm.s32 $0x14400;
	s13 =	rddreg [dreg:$0x3]  }
0x322: {  	[hbm4b:s13+s5] =	stream.indirect_vreg.scatter [tilespmem:s18], [sflag:$0x6], $0x80, v40, vm15, $0xb8;
	[tilespmem:$0x1C400] =	vst v63  }
0x323: {  	s20 =	simm.s32 $0x14C00  }
0x324: {  	[hbm4b:s31+s5] =	stream.indirect_vreg.scatter [tilespmem:s20], [sflag:$0x6], $0x80, v40, vm15, $0xb8;
	[tilespmem:$0x1C400] =	vst v63  }
0x325: {  	s21 =	simm.s32 $0x15400  }
0x326: {  	[hbm4b:s1+s5] =	stream.indirect_vreg.scatter [tilespmem:s21], [sflag:$0x6], $0x80, v40, vm15, $0xb8;
	[tilespmem:$0x1C400] =	vst v63  }
0x327: {  	s22 =	simm.s32 $0x15C00  }
0x328: {  	[hbm4b:s2+s5] =	stream.indirect_vreg.scatter [tilespmem:s22], [sflag:$0x6], $0x80, v40, vm15, $0xb8;
	[tilespmem:$0x1C400] =	vst v63  }
0x329: {  	s23 =	simm.s32 $0x16400  }
0x32a: {  	v63 =	vor.u32 $0x8, v0;
	[hbm4b:s10+s5] =	stream.indirect_vreg.scatter [tilespmem:s23], [sflag:$0x6], $0x80, v40, vm15, $0xb8;
	[tilespmem:$0x1C400] =	vst v63  }
0x32b: {  	s24 =	simm.s32 $0x16C00;
	s14 =	rddreg [dreg:$0x14];
	v39 =	vperm.xlane v39, v63  }
0x32c: {  	[hbm4b:s14+s5] =	stream.indirect_vreg.scatter [tilespmem:s24], [sflag:$0x6], $0x80, v40, vm15, $0xb8;
	[tilespmem:$0x1C400] =	vst v63  }
0x32d: {  	s15 =	rddreg [dreg:$0x15];
	s16 =	simm.s32 $0x17400;
	v39 =	vadd.s32 v41, v39  }
0x32e: {  	[hbm4b:s15+s5] =	stream.indirect_vreg.scatter [tilespmem:s16], [sflag:$0x6], $0x80, v40, vm15, $0xb8;
	[tilespmem:$0x1C400] =	vst v63  }
0x32f: {  	s18 =	simm.s32 $0x17C00;
	s16 =	rddreg [dreg:$0x16]  }
0x330: {  	[hbm4b:s16+s5] =	stream.indirect_vreg.scatter [tilespmem:s18], [sflag:$0x6], $0x80, v40, vm15, $0xb8;
	[tilespmem:$0x1C400] =	vst v63  }
0x331: {  	s25 =	simm.s32 $0x18400  }
0x332: {  	[hbm4b:s13+s5] =	stream.indirect_vreg.scatter [tilespmem:s25], [sflag:$0x6], $0x80, v39, vm15, $0xb8;
	[tilespmem:$0x1C400] =	vst v63  }
0x333: {  	s18 =	simm.s32 $0x18C00  }
0x334: {  	[hbm4b:s31+s5] =	stream.indirect_vreg.scatter [tilespmem:s18], [sflag:$0x6], $0x80, v39, vm15, $0xb8;
	[tilespmem:$0x1C400] =	vst v63  }
0x335: {  	s20 =	simm.s32 $0x19400  }
0x336: {  	[hbm4b:s1+s5] =	stream.indirect_vreg.scatter [tilespmem:s20], [sflag:$0x6], $0x80, v39, vm15, $0xb8;
	[tilespmem:$0x1C400] =	vst v63  }
0x337: {  	s21 =	simm.s32 $0x19C00  }
0x338: {  	[hbm4b:s2+s5] =	stream.indirect_vreg.scatter [tilespmem:s21], [sflag:$0x6], $0x80, v39, vm15, $0xb8;
	[tilespmem:$0x1C400] =	vst v63  }
0x339: {  	s22 =	simm.s32 $0x1A400  }
0x33a: {  	[hbm4b:s10+s5] =	stream.indirect_vreg.scatter [tilespmem:s22], [sflag:$0x6], $0x80, v39, vm15, $0xb8;
	[tilespmem:$0x1C400] =	vst v63  }
0x33b: {  	s23 =	simm.s32 $0x1AC00  }
0x33c: {  	[hbm4b:s14+s5] =	stream.indirect_vreg.scatter [tilespmem:s23], [sflag:$0x6], $0x80, v39, vm15, $0xb8;
	[tilespmem:$0x1C400] =	vst v63  }
.Ltmp15:
0x33d: {  	_ = 	snop;
	(pc) =	sbr.rel .LBB2_20-.Ltmp15, $4  }
0x33e: {  	s24 =	simm.s32 $0x1B400  }
0x33f: {  	[hbm4b:s15+s5] =	stream.indirect_vreg.scatter [tilespmem:s24], [sflag:$0x6], $0x80, v39, vm15, $0xb8;
	[tilespmem:$0x1C400] =	vst v63  }
0x340: {  	s25 =	simm.s32 $0x1BC00  }
0x341: {  	[hbm4b:s16+s5] =	stream.indirect_vreg.scatter [tilespmem:s25], [sflag:$0x6], $0x80, v39, vm15, $0xb8;
	[tilespmem:$0x1C400] =	vst v63  }
.LBB2_22:
0x342: {  	_ =	sfence.sel $0x180000  }
0x343: {  	[bflag:$0x0] =	sbarrier.arrive $0xFFFF  }
0x344: {  	_ =	strace $0x90000047  }
0x345: {  	s0 =	stileid.u32;
	[bflag:$0x2] =	sbarrier.arrive $0xFFFF  }
0x346: {  	p0 =	sne.s32 s0, $0x0;
	s0 =	rddreg [dreg:$0x4]  }
0x347: {  	s0 =	sadd.s32 @!p0 $0x100000, s0  }
0x348: {  	[sflag:s0] =	ssyncadd.tile.s32 @!p0 $0x1;
	_ =	shalt  }
.Lfunc_end2:
_tile_overlayer_lowered:
.L_overlay_start_2:
0x349: {  	(tag) =	ssettag $0x2  }
0x34a: {  	s0 =	rddreg [dreg:$0x0];
	s2 =	stileid.u32  }
0x34b: {  	s1 =	rddreg [dreg:$0x1];
	p0 =	sne.s32 s2, $0x0  }
0x34c: {  	s3 =	rddreg [dreg:$0x2];
	[bflag:$0x3] =	sbarrier.arrive $0xFFFF;
	s2 =	simm.s32 @!p0 $0x1C07  }
0x34d: {  	[timem:s3], [sflag:s2] =	dma.local @!p0 [hbm:s0], s1  }
0x34e: {  	s0 =	simm.s32 @!p0 $0x7  }
0x34f: {  	_ =	swait.ge @!p0 [sflag:s0], s1  }
0x350: {  	s1 =	ssub.s32 @!p0 $0x0, s1;
	[sflag:s0] =	ssyncset.done @!p0 $0x0  }
0x351: {  	[sflag:s0] =	ssyncadd.s32 @!p0 s1  }
0x352: {  	[bflag:$0x3] =	sbarrier.arrive $0xFFFF  }
0x353: {  	_ =	shalt  }

</sc_bundles>
